<compile_context>
chip_gen: v7x
topology: tpu7x:2x2x1
jax: 0.10.2.dev20260603
libtpu: 0.0.44.dev20260713+nightly
codegen_flags: <defaults>
</compile_context>

<pallas_src>
import jax
import jax.numpy as jnp
import numpy as np
from jax import lax
from jax.experimental import pallas as pl
from jax.experimental.pallas import tpu as pltpu
from jax.experimental.pallas import tpu_sc as plsc

N = 10000
E = 320000
F = 128

NC = 2
NS = 16
NW = NC * NS
CK = 128
NCH = 80
IB = 8
EPW = NCH * CK
EP = NW * EPW
NP = 10240
RPS = NP // NS

TCB = 1024

_SC_MESH = plsc.VectorSubcoreMesh(core_axis_name="c", subcore_axis_name="s")



def _agg_body(xl, srcr, dstr, acc_out, src_v, dst_v, rows0, rows1,
              acc_sh, sem0, sem1):
    c = lax.axis_index("c")
    s = lax.axis_index("s")
    wid = c * NS + s
    rows = (rows0, rows1)
    sems = (sem0, sem1)

    @pl.loop(0, CK)
    def _(i):
        @pl.loop(0, F, step=16)
        def _(j):
            rows0[i, pl.ds(j, 16)] = jnp.zeros((16,), jnp.float32)

    @pl.loop(0, RPS, step=CK)
    def _(r):
        pltpu.sync_copy(rows0, acc_sh.at[pl.ds(s * RPS + r, CK)])

    plsc.subcore_barrier()

    @pl.loop(0, NCH, step=IB)
    def _(g):
        pltpu.sync_copy(srcr.at[wid].at[pl.ds(g, IB)], src_v)
        pltpu.sync_copy(dstr.at[wid].at[pl.ds(g, IB)], dst_v)

        desc = pltpu.async_copy(xl.at[src_v.at[0]], rows[0], sems[0])
        for j in range(IB):
            nxt = None
            if j + 1 < IB:
                nxt = pltpu.async_copy(xl.at[src_v.at[j + 1]],
                                       rows[(j + 1) % 2], sems[(j + 1) % 2])
            desc.wait()
            pltpu.sync_copy(rows[j % 2], acc_sh.at[dst_v.at[j]], add=True)
            desc = nxt

    plsc.subcore_barrier()

    pltpu.sync_copy(acc_sh.at[pl.ds(s * RPS, RPS)],
                    acc_out.at[c].at[pl.ds(s * RPS, RPS)])


_agg = pl.kernel(
    _agg_body,
    out_type=jax.ShapeDtypeStruct((NC, NP, F), jnp.float32),
    mesh=_SC_MESH,
    scratch_types=[
        pltpu.VMEM((IB, CK), jnp.int32),
        pltpu.VMEM((IB, CK), jnp.int32),
        pltpu.VMEM((CK, F), jnp.float32),
        pltpu.VMEM((CK, F), jnp.float32),
        pltpu.VMEM_SHARED((NP, F), jnp.float32),
        pltpu.SemaphoreType.DMA,
        pltpu.SemaphoreType.DMA,
    ],
)


def _deg_body(dstr, deg_out, dst_v, ones_v, deg_sh, dsem):
    c = lax.axis_index("c")
    s = lax.axis_index("s")
    wid = c * NS + s

    @pl.loop(0, CK)
    def _(i):
        @pl.loop(0, F, step=16)
        def _(j):
            ones_v[i, pl.ds(j, 16)] = jnp.zeros((16,), jnp.float32)

    @pl.loop(0, RPS, step=CK)
    def _(r):
        pltpu.sync_copy(ones_v, deg_sh.at[pl.ds(s * RPS + r, CK)])

    @pl.loop(0, CK)
    def _(i):
        @pl.loop(0, F, step=16)
        def _(j):
            ones_v[i, pl.ds(j, 16)] = jnp.ones((16,), jnp.float32)

    plsc.subcore_barrier()

    @pl.loop(0, NCH, step=IB)
    def _(g):
        pltpu.sync_copy(dstr.at[wid].at[pl.ds(g, IB)], dst_v)
        descs = [pltpu.async_copy(ones_v, deg_sh.at[dst_v.at[j]], dsem,
                                  add=True)
                 for j in range(IB)]
        for d in descs:
            d.wait()

    plsc.subcore_barrier()

    pltpu.sync_copy(deg_sh.at[pl.ds(s * RPS, RPS)],
                    deg_out.at[c].at[pl.ds(s * RPS, RPS)])


_deg = pl.kernel(
    _deg_body,
    out_type=jax.ShapeDtypeStruct((NC, NP, F), jnp.float32),
    mesh=_SC_MESH,
    scratch_types=[
        pltpu.VMEM((IB, CK), jnp.int32),
        pltpu.VMEM((CK, F), jnp.float32),
        pltpu.VMEM_SHARED((NP, F), jnp.float32),
        pltpu.SemaphoreType.DMA,
    ],
)



def _pre_body(x_ref, wl_ref, wr_ref, b_ref, xl_ref, xr_ref):
    xb = x_ref[...]
    xl_ref[...] = jnp.dot(xb, wl_ref[...], preferred_element_type=jnp.float32,
                          precision=lax.Precision.HIGHEST)
    xr_ref[...] = jnp.dot(xb, wr_ref[...], preferred_element_type=jnp.float32,
                          precision=lax.Precision.HIGHEST) + b_ref[...]


def _mid_body(a_ref, dg_ref, xr1_ref, wl_ref, wr_ref, b_ref,
              xl2_ref, xr2_ref):
    ssum = a_ref[0] + a_ref[1]
    deg = dg_ref[0, :, :1] + dg_ref[1, :, :1]
    h = jnp.maximum(ssum / jnp.maximum(deg, 1.0) + xr1_ref[...], 0.0)
    xl2_ref[...] = jnp.dot(h, wl_ref[...], preferred_element_type=jnp.float32,
                           precision=lax.Precision.HIGHEST)
    xr2_ref[...] = jnp.dot(h, wr_ref[...], preferred_element_type=jnp.float32,
                           precision=lax.Precision.HIGHEST) + b_ref[...]


def _fin_body(a_ref, dg_ref, xr2_ref, out_ref):
    deg = dg_ref[0, :, :1] + dg_ref[1, :, :1]
    t = (a_ref[0] + a_ref[1]) / jnp.maximum(deg, 1.0) + xr2_ref[...]
    nrm = jnp.sqrt(jnp.sum(t * t, axis=1, keepdims=True))
    out_ref[...] = t / jnp.maximum(nrm, 1e-12)


_ROWS = pl.BlockSpec((TCB, F), lambda i: (i, 0))
_PAIR = pl.BlockSpec((NC, TCB, F), lambda i: (0, i, 0))
_WMAT = pl.BlockSpec((F, F), lambda i: (0, 0))
_BVEC = pl.BlockSpec((1, F), lambda i: (0, 0))
_GRID = (NP // TCB,)
_ROWS_OUT = jax.ShapeDtypeStruct((NP, F), jnp.float32)

_pre = pl.pallas_call(
    _pre_body, grid=_GRID,
    in_specs=[_ROWS, _WMAT, _WMAT, _BVEC],
    out_specs=[_ROWS, _ROWS],
    out_shape=[_ROWS_OUT, _ROWS_OUT],
)

_mid = pl.pallas_call(
    _mid_body, grid=_GRID,
    in_specs=[_PAIR, _PAIR, _ROWS, _WMAT, _WMAT, _BVEC],
    out_specs=[_ROWS, _ROWS],
    out_shape=[_ROWS_OUT, _ROWS_OUT],
)

_fin = pl.pallas_call(
    _fin_body, grid=_GRID,
    in_specs=[_PAIR, _PAIR, _ROWS],
    out_specs=_ROWS,
    out_shape=_ROWS_OUT,
)



def kernel(x, edge_index, W1_l, b1, W1_r, W2_l, b2, W2_r):
    xp = jnp.pad(x, ((0, NP - N), (0, 0)))
    src = jnp.concatenate([edge_index[0],
                           jnp.zeros((EP - E,), jnp.int32)]).reshape(NW, NCH, CK)
    dst = jnp.concatenate([edge_index[1],
                           jnp.full((EP - E,), N, jnp.int32)]).reshape(NW, NCH, CK)
    deg = _deg(dst)
    xl1, xr1 = _pre(xp, W1_l.T, W1_r.T, b1.reshape(1, F))
    acc1 = _agg(xl1, src, dst)
    xl2, xr2 = _mid(acc1, deg, xr1, W2_l.T, W2_r.T, b2.reshape(1, F))
    acc2 = _agg(xl2, src, dst)
    return _fin(acc2, deg, xr2)[:N]

# --- scband reference (transcript-rebuilt; emitter-appended) ---
"""Pipeline reference for scband-inductive-graph-sage-47880295415963 (READ-ONLY COPY).

The authoritative reference and input builder live on the scoring server;
editing this copy changes nothing except your own understanding.
"""

import jax, jax.numpy as jnp
import numpy as np

N = 10000
E = 320000
F_IN = 128
H = 128
OUT = 128


def setup_inputs(seed: int = 0) -> dict:
    key = jax.random.key(seed)
    ks = jax.random.split(key, 9)
    x = jax.random.normal(ks[0], (N, F_IN), dtype=jnp.float32)
    edge_index = jax.random.randint(ks[1], (2, E), 0, N, dtype=jnp.int32)
    s1 = 1.0 / np.sqrt(F_IN)
    s2 = 1.0 / np.sqrt(H)
    W1_l = jax.random.uniform(ks[2], (H, F_IN), dtype=jnp.float32, minval=-s1, maxval=s1)
    b1 = jax.random.uniform(ks[3], (H,), dtype=jnp.float32, minval=-s1, maxval=s1)
    W1_r = jax.random.uniform(ks[4], (H, F_IN), dtype=jnp.float32, minval=-s1, maxval=s1)
    W2_l = jax.random.uniform(ks[5], (OUT, H), dtype=jnp.float32, minval=-s2, maxval=s2)
    b2 = jax.random.uniform(ks[6], (OUT,), dtype=jnp.float32, minval=-s2, maxval=s2)
    W2_r = jax.random.uniform(ks[7], (OUT, H), dtype=jnp.float32, minval=-s2, maxval=s2)
    return {"x": x, "edge_index": edge_index, "W1_l": W1_l, "b1": b1, "W1_r": W1_r,
            "W2_l": W2_l, "b2": b2, "W2_r": W2_r}


def _sage_conv(x, edge_index, W_l, b_l, W_r):
    # PyG SAGEConv (mean aggregation): out = lin_l(mean_j x_j) + lin_r(x_i)
    src = edge_index[0]
    dst = edge_index[1]
    msgs = jnp.take(x, src, axis=0)                                   # gather
    agg = jax.ops.segment_sum(msgs, dst, num_segments=N)              # scatter-add
    deg = jax.ops.segment_sum(jnp.ones((msgs.shape[0],), dtype=x.dtype), dst, num_segments=N)
    mean = agg / jnp.clip(deg, 1.0, None)[:, None]
    return mean @ W_l.T + b_l + x @ W_r.T


def reference(x, edge_index, W1_l, b1, W1_r, W2_l, b2, W2_r):
    h = _sage_conv(x, edge_index, W1_l, b1, W1_r)
    h = jax.nn.relu(h)
    # dropout is identity at inference (training=False)
    h = _sage_conv(h, edge_index, W2_l, b2, W2_r)
    norm = jnp.linalg.norm(h, ord=2, axis=1, keepdims=True)
    out = h / jnp.clip(norm, 1e-12, None)
    return out

if __name__ == "__main__":
    import jax
    _d = setup_inputs()
    print(jax.jit(kernel)(*tuple(_d.values())))

</pallas_src>

<mosaic_0001>
#map = affine_map<(d0, d1) -> (0, 0, 0)>
module attributes {stable_mosaic.version = 14 : i64} {
  func.func @_deg_body(%arg0: i32, %arg1: i32, %arg2: memref<32x80x128xi32, #tpu.memory_space<hbm>>, %arg3: memref<2x10240x128xf32, #tpu.memory_space<hbm>>, %arg4: memref<8x128xi32, #tpu.memory_space<vmem>>, %arg5: memref<128x128xf32, #tpu.memory_space<vmem>>, %arg6: memref<10240x128xf32, #tpu.memory_space<vmem_shared>>, %arg7: memref<!tpu.dma_semaphore, #tpu.memory_space<semaphore_mem>>) attributes {dimension_semantics = [#tpu.dimension_semantics<core_parallel>, #tpu.dimension_semantics<subcore_parallel>], iteration_bounds = array<i64: 2, 16>, scalar_prefetch = 0 : i64, scratch_operands = 4 : i64, tpu.core_type = #tpu.core_type<sc_vector_subcore>, window_params = [{transform_indices = #map}, {transform_indices = #map}]} {
    %mul3A = arith.constant 16 : i32
    %mul3A_0 = arith.muli %arg0, %mul3A : i32
    %add3A = arith.addi %mul3A_0, %arg1 : i32
    %scan3A = arith.constant 0 : i32
    %scan3A_1 = arith.constant 128 : i32
    %scan3A_2 = arith.addi %scan3A, %scan3A_1 : i32
    %scan3A_3 = arith.constant 1 : i32
    scf.for %scan3A_25 = %scan3A to %scan3A_2 step %scan3A_3  : i32 {
      %mul3A_26 = arith.constant 1 : i32
      %mul3A_27 = arith.muli %scan3A_25, %mul3A_26 : i32
      %add3A_28 = arith.constant 0 : i32
      %add3A_29 = arith.addi %add3A_28, %mul3A_27 : i32
      %scan3A_30 = arith.constant 0 : i32
      %scan3A_31 = arith.constant 8 : i32
      %scan3A_32 = arith.addi %scan3A_30, %scan3A_31 : i32
      %scan3A_33 = arith.constant 1 : i32
      scf.for %scan3A_35 = %scan3A_30 to %scan3A_32 step %scan3A_33  : i32 {
        %mul3A_36 = arith.constant 16 : i32
        %mul3A_37 = arith.muli %scan3A_35, %mul3A_36 : i32
        %add3A_38 = arith.constant 0 : i32
        %add3A_39 = arith.addi %add3A_38, %mul3A_37 : i32
        %broadcast_in_dim3A = arith.constant 0.000000e+00 : f32
        %broadcast_in_dim3A_40 = vector.broadcast %broadcast_in_dim3A : f32 to vector<16xf32>
        %swap3A = arith.index_cast %add3A_29 : i32 to index
        %swap3A_41 = arith.index_cast %add3A_39 : i32 to index
        %swap3A_42 = tpu.vector_load %arg5[%swap3A, %swap3A_41] {strides = array<i32>} : memref<128x128xf32, #tpu.memory_space<vmem>>, vector<1x16xf32>,
        %swap3A_43 = vector.shape_cast %swap3A_42 : vector<1x16xf32> to vector<16xf32>
        %swap3A_44 = vector.shape_cast %broadcast_in_dim3A_40 : vector<16xf32> to vector<1x16xf32>
        tpu.vector_store %arg5[%swap3A, %swap3A_41], %swap3A_44 {strides = array<i32>} : memref<128x128xf32, #tpu.memory_space<vmem>>, vector<1x16xf32>,
      }
      %scan3A_34 = arith.constant 8 : i32
    }
    %scan3A_4 = arith.constant 128 : i32
    %scan3A_5 = arith.constant 0 : i32
    %scan3A_6 = arith.constant 5 : i32
    %scan3A_7 = arith.addi %scan3A_5, %scan3A_6 : i32
    %scan3A_8 = arith.constant 1 : i32
    scf.for %scan3A_25 = %scan3A_5 to %scan3A_7 step %scan3A_8  : i32 {
      %mul3A_26 = arith.constant 128 : i32
      %mul3A_27 = arith.muli %scan3A_25, %mul3A_26 : i32
      %add3A_28 = arith.constant 0 : i32
      %add3A_29 = arith.addi %add3A_28, %mul3A_27 : i32
      %mul3A_30 = arith.constant 640 : i32
      %mul3A_31 = arith.muli %arg1, %mul3A_30 : i32
      %add3A_32 = arith.addi %mul3A_31, %add3A_29 : i32
      "tpu.region"() ({
        %run_scoped3A = tpu.sem_alloc : memref<!tpu.dma_semaphore, #tpu.memory_space<semaphore_mem>>
        %dma_start3A = arith.constant 0 : i32
        %dma_start3A_33 = tpu.memref_slice %arg6[%add3A_32, %dma_start3A] : memref<10240x128xf32, #tpu.memory_space<vmem_shared>> -> memref<128x128xf32, #tpu.memory_space<vmem_shared>>
        %dma_start3A_34 = arith.constant 0 : i32
        %dma_start3A_35 = tpu.memref_slice %arg6[%add3A_32, %dma_start3A_34] : memref<10240x128xf32, #tpu.memory_space<vmem_shared>> -> memref<128x128xf32, #tpu.memory_space<vmem_shared>>
        tpu.enqueue_dma source(%arg5 : memref<128x128xf32, #tpu.memory_space<vmem>>) target(%dma_start3A_35 : memref<128x128xf32, #tpu.memory_space<vmem_shared>>) target_semaphore(%run_scoped3A : memref<!tpu.dma_semaphore, #tpu.memory_space<semaphore_mem>>)
        %dma_wait3A = arith.constant 0 : i32
        %dma_wait3A_36 = tpu.memref_slice %arg6[%add3A_32, %dma_wait3A] : memref<10240x128xf32, #tpu.memory_space<vmem_shared>> -> memref<128x128xf32, #tpu.memory_space<vmem_shared>>
        %dma_wait3A_37 = arith.constant 0 : i32
        %dma_wait3A_38 = tpu.memref_slice %arg6[%add3A_32, %dma_wait3A_37] : memref<10240x128xf32, #tpu.memory_space<vmem_shared>> -> memref<128x128xf32, #tpu.memory_space<vmem_shared>>
        tpu.wait_dma2 semaphore(%run_scoped3A : memref<!tpu.dma_semaphore, #tpu.memory_space<semaphore_mem>>) src(%arg5 : memref<128x128xf32, #tpu.memory_space<vmem>>) dst(%dma_wait3A_38 : memref<128x128xf32, #tpu.memory_space<vmem_shared>>)
        tpu.yield
      }) : () -> ()
    }
    %scan3A_9 = arith.constant 5 : i32
    %scan3A_10 = arith.constant 0 : i32
    %scan3A_11 = arith.constant 128 : i32
    %scan3A_12 = arith.addi %scan3A_10, %scan3A_11 : i32
    %scan3A_13 = arith.constant 1 : i32
    scf.for %scan3A_25 = %scan3A_10 to %scan3A_12 step %scan3A_13  : i32 {
      %mul3A_26 = arith.constant 1 : i32
      %mul3A_27 = arith.muli %scan3A_25, %mul3A_26 : i32
      %add3A_28 = arith.constant 0 : i32
      %add3A_29 = arith.addi %add3A_28, %mul3A_27 : i32
      %scan3A_30 = arith.constant 0 : i32
      %scan3A_31 = arith.constant 8 : i32
      %scan3A_32 = arith.addi %scan3A_30, %scan3A_31 : i32
      %scan3A_33 = arith.constant 1 : i32
      scf.for %scan3A_35 = %scan3A_30 to %scan3A_32 step %scan3A_33  : i32 {
        %mul3A_36 = arith.constant 16 : i32
        %mul3A_37 = arith.muli %scan3A_35, %mul3A_36 : i32
        %add3A_38 = arith.constant 0 : i32
        %add3A_39 = arith.addi %add3A_38, %mul3A_37 : i32
        %broadcast_in_dim3A = arith.constant 1.000000e+00 : f32
        %broadcast_in_dim3A_40 = vector.broadcast %broadcast_in_dim3A : f32 to vector<16xf32>
        %swap3A = arith.index_cast %add3A_29 : i32 to index
        %swap3A_41 = arith.index_cast %add3A_39 : i32 to index
        %swap3A_42 = tpu.vector_load %arg5[%swap3A, %swap3A_41] {strides = array<i32>} : memref<128x128xf32, #tpu.memory_space<vmem>>, vector<1x16xf32>,
        %swap3A_43 = vector.shape_cast %swap3A_42 : vector<1x16xf32> to vector<16xf32>
        %swap3A_44 = vector.shape_cast %broadcast_in_dim3A_40 : vector<16xf32> to vector<1x16xf32>
        tpu.vector_store %arg5[%swap3A, %swap3A_41], %swap3A_44 {strides = array<i32>} : memref<128x128xf32, #tpu.memory_space<vmem>>, vector<1x16xf32>,
      }
      %scan3A_34 = arith.constant 8 : i32
    }
    %scan3A_14 = arith.constant 128 : i32
    %barrier3A = arith.constant 0 : index
    tpu.barrier barrier_id(%barrier3A)
    %scan3A_15 = arith.constant 0 : i32
    %scan3A_16 = arith.constant 10 : i32
    %scan3A_17 = arith.addi %scan3A_15, %scan3A_16 : i32
    %scan3A_18 = arith.constant 1 : i32
    scf.for %scan3A_25 = %scan3A_15 to %scan3A_17 step %scan3A_18  : i32 {
      %mul3A_26 = arith.constant 8 : i32
      %mul3A_27 = arith.muli %scan3A_25, %mul3A_26 : i32
      %add3A_28 = arith.constant 0 : i32
      %add3A_29 = arith.addi %add3A_28, %mul3A_27 : i32
      "tpu.region"() ({
        %run_scoped3A = tpu.sem_alloc : memref<!tpu.dma_semaphore, #tpu.memory_space<semaphore_mem>>
        %dma_start3A_140 = arith.constant 0 : i32
        %dma_start3A_141 = arith.constant 0 : i32
        %dma_start3A_142 = tpu.memref_slice %arg2[%add3A, %dma_start3A_140, %dma_start3A_141] : memref<32x80x128xi32, #tpu.memory_space<hbm>> -> memref<1x80x128xi32, #tpu.memory_space<hbm>>
        %dma_start3A_143 = tpu.memref_squeeze %dma_start3A_142 : memref<1x80x128xi32, #tpu.memory_space<hbm>> -> memref<80x128xi32, #tpu.memory_space<hbm>>
        %dma_start3A_144 = arith.constant 0 : i32
        %dma_start3A_145 = tpu.memref_slice %dma_start3A_143[%add3A_29, %dma_start3A_144] : memref<80x128xi32, #tpu.memory_space<hbm>> -> memref<8x128xi32, #tpu.memory_space<hbm>>
        %dma_start3A_146 = arith.constant 0 : i32
        %dma_start3A_147 = arith.constant 0 : i32
        %dma_start3A_148 = tpu.memref_slice %arg2[%add3A, %dma_start3A_146, %dma_start3A_147] : memref<32x80x128xi32, #tpu.memory_space<hbm>> -> memref<1x80x128xi32, #tpu.memory_space<hbm>>
        %dma_start3A_149 = tpu.memref_squeeze %dma_start3A_148 : memref<1x80x128xi32, #tpu.memory_space<hbm>> -> memref<80x128xi32, #tpu.memory_space<hbm>>
        %dma_start3A_150 = arith.constant 0 : i32
        %dma_start3A_151 = tpu.memref_slice %dma_start3A_149[%add3A_29, %dma_start3A_150] : memref<80x128xi32, #tpu.memory_space<hbm>> -> memref<8x128xi32, #tpu.memory_space<hbm>>
        tpu.enqueue_dma source(%dma_start3A_151 : memref<8x128xi32, #tpu.memory_space<hbm>>) target(%arg4 : memref<8x128xi32, #tpu.memory_space<vmem>>) target_semaphore(%run_scoped3A : memref<!tpu.dma_semaphore, #tpu.memory_space<semaphore_mem>>)
        %dma_wait3A_152 = arith.constant 0 : i32
        %dma_wait3A_153 = arith.constant 0 : i32
        %dma_wait3A_154 = tpu.memref_slice %arg2[%add3A, %dma_wait3A_152, %dma_wait3A_153] : memref<32x80x128xi32, #tpu.memory_space<hbm>> -> memref<1x80x128xi32, #tpu.memory_space<hbm>>
        %dma_wait3A_155 = tpu.memref_squeeze %dma_wait3A_154 : memref<1x80x128xi32, #tpu.memory_space<hbm>> -> memref<80x128xi32, #tpu.memory_space<hbm>>
        %dma_wait3A_156 = arith.constant 0 : i32
        %dma_wait3A_157 = tpu.memref_slice %dma_wait3A_155[%add3A_29, %dma_wait3A_156] : memref<80x128xi32, #tpu.memory_space<hbm>> -> memref<8x128xi32, #tpu.memory_space<hbm>>
        %dma_wait3A_158 = arith.constant 0 : i32
        %dma_wait3A_159 = arith.constant 0 : i32
        %dma_wait3A_160 = tpu.memref_slice %arg2[%add3A, %dma_wait3A_158, %dma_wait3A_159] : memref<32x80x128xi32, #tpu.memory_space<hbm>> -> memref<1x80x128xi32, #tpu.memory_space<hbm>>
        %dma_wait3A_161 = tpu.memref_squeeze %dma_wait3A_160 : memref<1x80x128xi32, #tpu.memory_space<hbm>> -> memref<80x128xi32, #tpu.memory_space<hbm>>
        %dma_wait3A_162 = arith.constant 0 : i32
        %dma_wait3A_163 = tpu.memref_slice %dma_wait3A_161[%add3A_29, %dma_wait3A_162] : memref<80x128xi32, #tpu.memory_space<hbm>> -> memref<8x128xi32, #tpu.memory_space<hbm>>
        tpu.wait_dma2 semaphore(%run_scoped3A : memref<!tpu.dma_semaphore, #tpu.memory_space<semaphore_mem>>) src(%dma_wait3A_163 : memref<8x128xi32, #tpu.memory_space<hbm>>) dst(%arg4 : memref<8x128xi32, #tpu.memory_space<vmem>>)
        tpu.yield
      }) : () -> ()
      %dma_start3A = arith.constant 0 : i32
      %dma_start3A_30 = arith.constant 0 : i32
      %dma_start3A_31 = tpu.memref_slice %arg4[%dma_start3A, %dma_start3A_30] : memref<8x128xi32, #tpu.memory_space<vmem>> -> memref<1x128xi32, #tpu.memory_space<vmem>>
      %dma_start3A_32 = tpu.memref_squeeze %dma_start3A_31 : memref<1x128xi32, #tpu.memory_space<vmem>> -> memref<128xi32, #tpu.memory_space<vmem>>
      %dma_start3A_33 = arith.constant 0 : i32
      %dma_start3A_34 = arith.constant 0 : i32
      %dma_start3A_35 = tpu.memref_slice %arg6[%dma_start3A_33, %dma_start3A_34] : memref<10240x128xf32, #tpu.memory_space<vmem_shared>> -> memref<10240x128xf32, #tpu.memory_space<vmem_shared>>
      tpu.enqueue_indirect_dma source(%arg5 : memref<128x128xf32, #tpu.memory_space<vmem>>) target(%dma_start3A_35 : memref<10240x128xf32, #tpu.memory_space<vmem_shared>>) offsets(%dma_start3A_32 : memref<128xi32, #tpu.memory_space<vmem>>) semaphore(%arg7 : memref<!tpu.dma_semaphore, #tpu.memory_space<semaphore_mem>>) {add = true}
      %dma_start3A_36 = arith.constant 1 : i32
      %dma_start3A_37 = arith.constant 0 : i32
      %dma_start3A_38 = tpu.memref_slice %arg4[%dma_start3A_36, %dma_start3A_37] : memref<8x128xi32, #tpu.memory_space<vmem>> -> memref<1x128xi32, #tpu.memory_space<vmem>>
      %dma_start3A_39 = tpu.memref_squeeze %dma_start3A_38 : memref<1x128xi32, #tpu.memory_space<vmem>> -> memref<128xi32, #tpu.memory_space<vmem>>
      %dma_start3A_40 = arith.constant 0 : i32
      %dma_start3A_41 = arith.constant 0 : i32
      %dma_start3A_42 = tpu.memref_slice %arg6[%dma_start3A_40, %dma_start3A_41] : memref<10240x128xf32, #tpu.memory_space<vmem_shared>> -> memref<10240x128xf32, #tpu.memory_space<vmem_shared>>
      tpu.enqueue_indirect_dma source(%arg5 : memref<128x128xf32, #tpu.memory_space<vmem>>) target(%dma_start3A_42 : memref<10240x128xf32, #tpu.memory_space<vmem_shared>>) offsets(%dma_start3A_39 : memref<128xi32, #tpu.memory_space<vmem>>) semaphore(%arg7 : memref<!tpu.dma_semaphore, #tpu.memory_space<semaphore_mem>>) {add = true}
      %dma_start3A_43 = arith.constant 2 : i32
      %dma_start3A_44 = arith.constant 0 : i32
      %dma_start3A_45 = tpu.memref_slice %arg4[%dma_start3A_43, %dma_start3A_44] : memref<8x128xi32, #tpu.memory_space<vmem>> -> memref<1x128xi32, #tpu.memory_space<vmem>>
      %dma_start3A_46 = tpu.memref_squeeze %dma_start3A_45 : memref<1x128xi32, #tpu.memory_space<vmem>> -> memref<128xi32, #tpu.memory_space<vmem>>
      %dma_start3A_47 = arith.constant 0 : i32
      %dma_start3A_48 = arith.constant 0 : i32
      %dma_start3A_49 = tpu.memref_slice %arg6[%dma_start3A_47, %dma_start3A_48] : memref<10240x128xf32, #tpu.memory_space<vmem_shared>> -> memref<10240x128xf32, #tpu.memory_space<vmem_shared>>
      tpu.enqueue_indirect_dma source(%arg5 : memref<128x128xf32, #tpu.memory_space<vmem>>) target(%dma_start3A_49 : memref<10240x128xf32, #tpu.memory_space<vmem_shared>>) offsets(%dma_start3A_46 : memref<128xi32, #tpu.memory_space<vmem>>) semaphore(%arg7 : memref<!tpu.dma_semaphore, #tpu.memory_space<semaphore_mem>>) {add = true}
      %dma_start3A_50 = arith.constant 3 : i32
      %dma_start3A_51 = arith.constant 0 : i32
      %dma_start3A_52 = tpu.memref_slice %arg4[%dma_start3A_50, %dma_start3A_51] : memref<8x128xi32, #tpu.memory_space<vmem>> -> memref<1x128xi32, #tpu.memory_space<vmem>>
      %dma_start3A_53 = tpu.memref_squeeze %dma_start3A_52 : memref<1x128xi32, #tpu.memory_space<vmem>> -> memref<128xi32, #tpu.memory_space<vmem>>
      %dma_start3A_54 = arith.constant 0 : i32
      %dma_start3A_55 = arith.constant 0 : i32
      %dma_start3A_56 = tpu.memref_slice %arg6[%dma_start3A_54, %dma_start3A_55] : memref<10240x128xf32, #tpu.memory_space<vmem_shared>> -> memref<10240x128xf32, #tpu.memory_space<vmem_shared>>
      tpu.enqueue_indirect_dma source(%arg5 : memref<128x128xf32, #tpu.memory_space<vmem>>) target(%dma_start3A_56 : memref<10240x128xf32, #tpu.memory_space<vmem_shared>>) offsets(%dma_start3A_53 : memref<128xi32, #tpu.memory_space<vmem>>) semaphore(%arg7 : memref<!tpu.dma_semaphore, #tpu.memory_space<semaphore_mem>>) {add = true}
      %dma_start3A_57 = arith.constant 4 : i32
      %dma_start3A_58 = arith.constant 0 : i32
      %dma_start3A_59 = tpu.memref_slice %arg4[%dma_start3A_57, %dma_start3A_58] : memref<8x128xi32, #tpu.memory_space<vmem>> -> memref<1x128xi32, #tpu.memory_space<vmem>>
      %dma_start3A_60 = tpu.memref_squeeze %dma_start3A_59 : memref<1x128xi32, #tpu.memory_space<vmem>> -> memref<128xi32, #tpu.memory_space<vmem>>
      %dma_start3A_61 = arith.constant 0 : i32
      %dma_start3A_62 = arith.constant 0 : i32
      %dma_start3A_63 = tpu.memref_slice %arg6[%dma_start3A_61, %dma_start3A_62] : memref<10240x128xf32, #tpu.memory_space<vmem_shared>> -> memref<10240x128xf32, #tpu.memory_space<vmem_shared>>
      tpu.enqueue_indirect_dma source(%arg5 : memref<128x128xf32, #tpu.memory_space<vmem>>) target(%dma_start3A_63 : memref<10240x128xf32, #tpu.memory_space<vmem_shared>>) offsets(%dma_start3A_60 : memref<128xi32, #tpu.memory_space<vmem>>) semaphore(%arg7 : memref<!tpu.dma_semaphore, #tpu.memory_space<semaphore_mem>>) {add = true}
      %dma_start3A_64 = arith.constant 5 : i32
      %dma_start3A_65 = arith.constant 0 : i32
      %dma_start3A_66 = tpu.memref_slice %arg4[%dma_start3A_64, %dma_start3A_65] : memref<8x128xi32, #tpu.memory_space<vmem>> -> memref<1x128xi32, #tpu.memory_space<vmem>>
      %dma_start3A_67 = tpu.memref_squeeze %dma_start3A_66 : memref<1x128xi32, #tpu.memory_space<vmem>> -> memref<128xi32, #tpu.memory_space<vmem>>
      %dma_start3A_68 = arith.constant 0 : i32
      %dma_start3A_69 = arith.constant 0 : i32
      %dma_start3A_70 = tpu.memref_slice %arg6[%dma_start3A_68, %dma_start3A_69] : memref<10240x128xf32, #tpu.memory_space<vmem_shared>> -> memref<10240x128xf32, #tpu.memory_space<vmem_shared>>
      tpu.enqueue_indirect_dma source(%arg5 : memref<128x128xf32, #tpu.memory_space<vmem>>) target(%dma_start3A_70 : memref<10240x128xf32, #tpu.memory_space<vmem_shared>>) offsets(%dma_start3A_67 : memref<128xi32, #tpu.memory_space<vmem>>) semaphore(%arg7 : memref<!tpu.dma_semaphore, #tpu.memory_space<semaphore_mem>>) {add = true}
      %dma_start3A_71 = arith.constant 6 : i32
      %dma_start3A_72 = arith.constant 0 : i32
      %dma_start3A_73 = tpu.memref_slice %arg4[%dma_start3A_71, %dma_start3A_72] : memref<8x128xi32, #tpu.memory_space<vmem>> -> memref<1x128xi32, #tpu.memory_space<vmem>>
      %dma_start3A_74 = tpu.memref_squeeze %dma_start3A_73 : memref<1x128xi32, #tpu.memory_space<vmem>> -> memref<128xi32, #tpu.memory_space<vmem>>
      %dma_start3A_75 = arith.constant 0 : i32
      %dma_start3A_76 = arith.constant 0 : i32
      %dma_start3A_77 = tpu.memref_slice %arg6[%dma_start3A_75, %dma_start3A_76] : memref<10240x128xf32, #tpu.memory_space<vmem_shared>> -> memref<10240x128xf32, #tpu.memory_space<vmem_shared>>
      tpu.enqueue_indirect_dma source(%arg5 : memref<128x128xf32, #tpu.memory_space<vmem>>) target(%dma_start3A_77 : memref<10240x128xf32, #tpu.memory_space<vmem_shared>>) offsets(%dma_start3A_74 : memref<128xi32, #tpu.memory_space<vmem>>) semaphore(%arg7 : memref<!tpu.dma_semaphore, #tpu.memory_space<semaphore_mem>>) {add = true}
      %dma_start3A_78 = arith.constant 7 : i32
      %dma_start3A_79 = arith.constant 0 : i32
      %dma_start3A_80 = tpu.memref_slice %arg4[%dma_start3A_78, %dma_start3A_79] : memref<8x128xi32, #tpu.memory_space<vmem>> -> memref<1x128xi32, #tpu.memory_space<vmem>>
      %dma_start3A_81 = tpu.memref_squeeze %dma_start3A_80 : memref<1x128xi32, #tpu.memory_space<vmem>> -> memref<128xi32, #tpu.memory_space<vmem>>
      %dma_start3A_82 = arith.constant 0 : i32
      %dma_start3A_83 = arith.constant 0 : i32
      %dma_start3A_84 = tpu.memref_slice %arg6[%dma_start3A_82, %dma_start3A_83] : memref<10240x128xf32, #tpu.memory_space<vmem_shared>> -> memref<10240x128xf32, #tpu.memory_space<vmem_shared>>
      tpu.enqueue_indirect_dma source(%arg5 : memref<128x128xf32, #tpu.memory_space<vmem>>) target(%dma_start3A_84 : memref<10240x128xf32, #tpu.memory_space<vmem_shared>>) offsets(%dma_start3A_81 : memref<128xi32, #tpu.memory_space<vmem>>) semaphore(%arg7 : memref<!tpu.dma_semaphore, #tpu.memory_space<semaphore_mem>>) {add = true}
      %dma_wait3A = arith.constant 0 : i32
      %dma_wait3A_85 = arith.constant 0 : i32
      %dma_wait3A_86 = tpu.memref_slice %arg4[%dma_wait3A, %dma_wait3A_85] : memref<8x128xi32, #tpu.memory_space<vmem>> -> memref<1x128xi32, #tpu.memory_space<vmem>>
      %dma_wait3A_87 = tpu.memref_squeeze %dma_wait3A_86 : memref<1x128xi32, #tpu.memory_space<vmem>> -> memref<128xi32, #tpu.memory_space<vmem>>
      %dma_wait3A_88 = arith.constant 0 : i32
      %dma_wait3A_89 = arith.constant 0 : i32
      %dma_wait3A_90 = tpu.memref_slice %arg6[%dma_wait3A_88, %dma_wait3A_89] : memref<10240x128xf32, #tpu.memory_space<vmem_shared>> -> memref<10240x128xf32, #tpu.memory_space<vmem_shared>>
      tpu.wait_indirect_dma semaphore(%arg7 : memref<!tpu.dma_semaphore, #tpu.memory_space<semaphore_mem>>) src(%arg5 : memref<128x128xf32, #tpu.memory_space<vmem>>) dst(%dma_wait3A_90 : memref<10240x128xf32, #tpu.memory_space<vmem_shared>>)
      %dma_wait3A_91 = arith.constant 1 : i32
      %dma_wait3A_92 = arith.constant 0 : i32
      %dma_wait3A_93 = tpu.memref_slice %arg4[%dma_wait3A_91, %dma_wait3A_92] : memref<8x128xi32, #tpu.memory_space<vmem>> -> memref<1x128xi32, #tpu.memory_space<vmem>>
      %dma_wait3A_94 = tpu.memref_squeeze %dma_wait3A_93 : memref<1x128xi32, #tpu.memory_space<vmem>> -> memref<128xi32, #tpu.memory_space<vmem>>
      %dma_wait3A_95 = arith.constant 0 : i32
      %dma_wait3A_96 = arith.constant 0 : i32
      %dma_wait3A_97 = tpu.memref_slice %arg6[%dma_wait3A_95, %dma_wait3A_96] : memref<10240x128xf32, #tpu.memory_space<vmem_shared>> -> memref<10240x128xf32, #tpu.memory_space<vmem_shared>>
      tpu.wait_indirect_dma semaphore(%arg7 : memref<!tpu.dma_semaphore, #tpu.memory_space<semaphore_mem>>) src(%arg5 : memref<128x128xf32, #tpu.memory_space<vmem>>) dst(%dma_wait3A_97 : memref<10240x128xf32, #tpu.memory_space<vmem_shared>>)
      %dma_wait3A_98 = arith.constant 2 : i32
      %dma_wait3A_99 = arith.constant 0 : i32
      %dma_wait3A_100 = tpu.memref_slice %arg4[%dma_wait3A_98, %dma_wait3A_99] : memref<8x128xi32, #tpu.memory_space<vmem>> -> memref<1x128xi32, #tpu.memory_space<vmem>>
      %dma_wait3A_101 = tpu.memref_squeeze %dma_wait3A_100 : memref<1x128xi32, #tpu.memory_space<vmem>> -> memref<128xi32, #tpu.memory_space<vmem>>
      %dma_wait3A_102 = arith.constant 0 : i32
      %dma_wait3A_103 = arith.constant 0 : i32
      %dma_wait3A_104 = tpu.memref_slice %arg6[%dma_wait3A_102, %dma_wait3A_103] : memref<10240x128xf32, #tpu.memory_space<vmem_shared>> -> memref<10240x128xf32, #tpu.memory_space<vmem_shared>>
      tpu.wait_indirect_dma semaphore(%arg7 : memref<!tpu.dma_semaphore, #tpu.memory_space<semaphore_mem>>) src(%arg5 : memref<128x128xf32, #tpu.memory_space<vmem>>) dst(%dma_wait3A_104 : memref<10240x128xf32, #tpu.memory_space<vmem_shared>>)
      %dma_wait3A_105 = arith.constant 3 : i32
      %dma_wait3A_106 = arith.constant 0 : i32
      %dma_wait3A_107 = tpu.memref_slice %arg4[%dma_wait3A_105, %dma_wait3A_106] : memref<8x128xi32, #tpu.memory_space<vmem>> -> memref<1x128xi32, #tpu.memory_space<vmem>>
      %dma_wait3A_108 = tpu.memref_squeeze %dma_wait3A_107 : memref<1x128xi32, #tpu.memory_space<vmem>> -> memref<128xi32, #tpu.memory_space<vmem>>
      %dma_wait3A_109 = arith.constant 0 : i32
      %dma_wait3A_110 = arith.constant 0 : i32
      %dma_wait3A_111 = tpu.memref_slice %arg6[%dma_wait3A_109, %dma_wait3A_110] : memref<10240x128xf32, #tpu.memory_space<vmem_shared>> -> memref<10240x128xf32, #tpu.memory_space<vmem_shared>>
      tpu.wait_indirect_dma semaphore(%arg7 : memref<!tpu.dma_semaphore, #tpu.memory_space<semaphore_mem>>) src(%arg5 : memref<128x128xf32, #tpu.memory_space<vmem>>) dst(%dma_wait3A_111 : memref<10240x128xf32, #tpu.memory_space<vmem_shared>>)
      %dma_wait3A_112 = arith.constant 4 : i32
      %dma_wait3A_113 = arith.constant 0 : i32
      %dma_wait3A_114 = tpu.memref_slice %arg4[%dma_wait3A_112, %dma_wait3A_113] : memref<8x128xi32, #tpu.memory_space<vmem>> -> memref<1x128xi32, #tpu.memory_space<vmem>>
      %dma_wait3A_115 = tpu.memref_squeeze %dma_wait3A_114 : memref<1x128xi32, #tpu.memory_space<vmem>> -> memref<128xi32, #tpu.memory_space<vmem>>
      %dma_wait3A_116 = arith.constant 0 : i32
      %dma_wait3A_117 = arith.constant 0 : i32
      %dma_wait3A_118 = tpu.memref_slice %arg6[%dma_wait3A_116, %dma_wait3A_117] : memref<10240x128xf32, #tpu.memory_space<vmem_shared>> -> memref<10240x128xf32, #tpu.memory_space<vmem_shared>>
      tpu.wait_indirect_dma semaphore(%arg7 : memref<!tpu.dma_semaphore, #tpu.memory_space<semaphore_mem>>) src(%arg5 : memref<128x128xf32, #tpu.memory_space<vmem>>) dst(%dma_wait3A_118 : memref<10240x128xf32, #tpu.memory_space<vmem_shared>>)
      %dma_wait3A_119 = arith.constant 5 : i32
      %dma_wait3A_120 = arith.constant 0 : i32
      %dma_wait3A_121 = tpu.memref_slice %arg4[%dma_wait3A_119, %dma_wait3A_120] : memref<8x128xi32, #tpu.memory_space<vmem>> -> memref<1x128xi32, #tpu.memory_space<vmem>>
      %dma_wait3A_122 = tpu.memref_squeeze %dma_wait3A_121 : memref<1x128xi32, #tpu.memory_space<vmem>> -> memref<128xi32, #tpu.memory_space<vmem>>
      %dma_wait3A_123 = arith.constant 0 : i32
      %dma_wait3A_124 = arith.constant 0 : i32
      %dma_wait3A_125 = tpu.memref_slice %arg6[%dma_wait3A_123, %dma_wait3A_124] : memref<10240x128xf32, #tpu.memory_space<vmem_shared>> -> memref<10240x128xf32, #tpu.memory_space<vmem_shared>>
      tpu.wait_indirect_dma semaphore(%arg7 : memref<!tpu.dma_semaphore, #tpu.memory_space<semaphore_mem>>) src(%arg5 : memref<128x128xf32, #tpu.memory_space<vmem>>) dst(%dma_wait3A_125 : memref<10240x128xf32, #tpu.memory_space<vmem_shared>>)
      %dma_wait3A_126 = arith.constant 6 : i32
      %dma_wait3A_127 = arith.constant 0 : i32
      %dma_wait3A_128 = tpu.memref_slice %arg4[%dma_wait3A_126, %dma_wait3A_127] : memref<8x128xi32, #tpu.memory_space<vmem>> -> memref<1x128xi32, #tpu.memory_space<vmem>>
      %dma_wait3A_129 = tpu.memref_squeeze %dma_wait3A_128 : memref<1x128xi32, #tpu.memory_space<vmem>> -> memref<128xi32, #tpu.memory_space<vmem>>
      %dma_wait3A_130 = arith.constant 0 : i32
      %dma_wait3A_131 = arith.constant 0 : i32
      %dma_wait3A_132 = tpu.memref_slice %arg6[%dma_wait3A_130, %dma_wait3A_131] : memref<10240x128xf32, #tpu.memory_space<vmem_shared>> -> memref<10240x128xf32, #tpu.memory_space<vmem_shared>>
      tpu.wait_indirect_dma semaphore(%arg7 : memref<!tpu.dma_semaphore, #tpu.memory_space<semaphore_mem>>) src(%arg5 : memref<128x128xf32, #tpu.memory_space<vmem>>) dst(%dma_wait3A_132 : memref<10240x128xf32, #tpu.memory_space<vmem_shared>>)
      %dma_wait3A_133 = arith.constant 7 : i32
      %dma_wait3A_134 = arith.constant 0 : i32
      %dma_wait3A_135 = tpu.memref_slice %arg4[%dma_wait3A_133, %dma_wait3A_134] : memref<8x128xi32, #tpu.memory_space<vmem>> -> memref<1x128xi32, #tpu.memory_space<vmem>>
      %dma_wait3A_136 = tpu.memref_squeeze %dma_wait3A_135 : memref<1x128xi32, #tpu.memory_space<vmem>> -> memref<128xi32, #tpu.memory_space<vmem>>
      %dma_wait3A_137 = arith.constant 0 : i32
      %dma_wait3A_138 = arith.constant 0 : i32
      %dma_wait3A_139 = tpu.memref_slice %arg6[%dma_wait3A_137, %dma_wait3A_138] : memref<10240x128xf32, #tpu.memory_space<vmem_shared>> -> memref<10240x128xf32, #tpu.memory_space<vmem_shared>>
      tpu.wait_indirect_dma semaphore(%arg7 : memref<!tpu.dma_semaphore, #tpu.memory_space<semaphore_mem>>) src(%arg5 : memref<128x128xf32, #tpu.memory_space<vmem>>) dst(%dma_wait3A_139 : memref<10240x128xf32, #tpu.memory_space<vmem_shared>>)
    }
    %scan3A_19 = arith.constant 10 : i32
    %barrier3A_20 = arith.constant 0 : index
    tpu.barrier barrier_id(%barrier3A_20)
    %mul3A_21 = arith.constant 640 : i32
    %mul3A_22 = arith.muli %arg1, %mul3A_21 : i32
    %mul3A_23 = arith.constant 640 : i32
    %mul3A_24 = arith.muli %arg1, %mul3A_23 : i32
    "tpu.region"() ({
      %run_scoped3A = tpu.sem_alloc : memref<!tpu.dma_semaphore, #tpu.memory_space<semaphore_mem>>
      %dma_start3A = arith.constant 0 : i32
      %dma_start3A_25 = arith.constant 0 : i32
      %dma_start3A_26 = tpu.memref_slice %arg3[%arg0, %dma_start3A, %dma_start3A_25] : memref<2x10240x128xf32, #tpu.memory_space<hbm>> -> memref<1x10240x128xf32, #tpu.memory_space<hbm>>
      %dma_start3A_27 = tpu.memref_squeeze %dma_start3A_26 : memref<1x10240x128xf32, #tpu.memory_space<hbm>> -> memref<10240x128xf32, #tpu.memory_space<hbm>>
      %dma_start3A_28 = arith.constant 0 : i32
      %dma_start3A_29 = tpu.memref_slice %dma_start3A_27[%mul3A_24, %dma_start3A_28] : memref<10240x128xf32, #tpu.memory_space<hbm>> -> memref<640x128xf32, #tpu.memory_space<hbm>>
      %dma_start3A_30 = arith.constant 0 : i32
      %dma_start3A_31 = tpu.memref_slice %arg6[%mul3A_22, %dma_start3A_30] : memref<10240x128xf32, #tpu.memory_space<vmem_shared>> -> memref<640x128xf32, #tpu.memory_space<vmem_shared>>
      tpu.enqueue_dma source(%dma_start3A_31 : memref<640x128xf32, #tpu.memory_space<vmem_shared>>) target(%dma_start3A_29 : memref<640x128xf32, #tpu.memory_space<hbm>>) target_semaphore(%run_scoped3A : memref<!tpu.dma_semaphore, #tpu.memory_space<semaphore_mem>>)
      %dma_wait3A = arith.constant 0 : i32
      %dma_wait3A_32 = arith.constant 0 : i32
      %dma_wait3A_33 = tpu.memref_slice %arg3[%arg0, %dma_wait3A, %dma_wait3A_32] : memref<2x10240x128xf32, #tpu.memory_space<hbm>> -> memref<1x10240x128xf32, #tpu.memory_space<hbm>>
      %dma_wait3A_34 = tpu.memref_squeeze %dma_wait3A_33 : memref<1x10240x128xf32, #tpu.memory_space<hbm>> -> memref<10240x128xf32, #tpu.memory_space<hbm>>
      %dma_wait3A_35 = arith.constant 0 : i32
      %dma_wait3A_36 = tpu.memref_slice %dma_wait3A_34[%mul3A_24, %dma_wait3A_35] : memref<10240x128xf32, #tpu.memory_space<hbm>> -> memref<640x128xf32, #tpu.memory_space<hbm>>
      %dma_wait3A_37 = arith.constant 0 : i32
      %dma_wait3A_38 = tpu.memref_slice %arg6[%mul3A_22, %dma_wait3A_37] : memref<10240x128xf32, #tpu.memory_space<vmem_shared>> -> memref<640x128xf32, #tpu.memory_space<vmem_shared>>
      tpu.wait_dma2 semaphore(%run_scoped3A : memref<!tpu.dma_semaphore, #tpu.memory_space<semaphore_mem>>) src(%dma_wait3A_38 : memref<640x128xf32, #tpu.memory_space<vmem_shared>>) dst(%dma_wait3A_36 : memref<640x128xf32, #tpu.memory_space<hbm>>)
      tpu.yield
    }) : () -> ()
    return
  }
}

#map = affine_map<(d0, d1) -> (0, 0)>
#map1 = affine_map<(d0, d1) -> (0, 0, 0)>
module attributes {stable_mosaic.version = 14 : i64} {
  func.func @_agg_body(%arg0: i32, %arg1: i32, %arg2: memref<10240x128xf32, #tpu.memory_space<hbm>>, %arg3: memref<32x80x128xi32, #tpu.memory_space<hbm>>, %arg4: memref<32x80x128xi32, #tpu.memory_space<hbm>>, %arg5: memref<2x10240x128xf32, #tpu.memory_space<hbm>>, %arg6: memref<8x128xi32, #tpu.memory_space<vmem>>, %arg7: memref<8x128xi32, #tpu.memory_space<vmem>>, %arg8: memref<128x128xf32, #tpu.memory_space<vmem>>, %arg9: memref<128x128xf32, #tpu.memory_space<vmem>>, %arg10: memref<10240x128xf32, #tpu.memory_space<vmem_shared>>, %arg11: memref<!tpu.dma_semaphore, #tpu.memory_space<semaphore_mem>>, %arg12: memref<!tpu.dma_semaphore, #tpu.memory_space<semaphore_mem>>) attributes {dimension_semantics = [#tpu.dimension_semantics<core_parallel>, #tpu.dimension_semantics<subcore_parallel>], iteration_bounds = array<i64: 2, 16>, scalar_prefetch = 0 : i64, scratch_operands = 7 : i64, tpu.core_type = #tpu.core_type<sc_vector_subcore>, window_params = [{transform_indices = #map}, {transform_indices = #map1}, {transform_indices = #map1}, {transform_indices = #map1}]} {
    %mul3A = arith.constant 16 : i32
    %mul3A_0 = arith.muli %arg0, %mul3A : i32
    %add3A = arith.addi %mul3A_0, %arg1 : i32
    %scan3A = arith.constant 0 : i32
    %scan3A_1 = arith.constant 128 : i32
    %scan3A_2 = arith.addi %scan3A, %scan3A_1 : i32
    %scan3A_3 = arith.constant 1 : i32
    scf.for %scan3A_20 = %scan3A to %scan3A_2 step %scan3A_3  : i32 {
      %mul3A_21 = arith.constant 1 : i32
      %mul3A_22 = arith.muli %scan3A_20, %mul3A_21 : i32
      %add3A_23 = arith.constant 0 : i32
      %add3A_24 = arith.addi %add3A_23, %mul3A_22 : i32
      %scan3A_25 = arith.constant 0 : i32
      %scan3A_26 = arith.constant 8 : i32
      %scan3A_27 = arith.addi %scan3A_25, %scan3A_26 : i32
      %scan3A_28 = arith.constant 1 : i32
      scf.for %scan3A_30 = %scan3A_25 to %scan3A_27 step %scan3A_28  : i32 {
        %mul3A_31 = arith.constant 16 : i32
        %mul3A_32 = arith.muli %scan3A_30, %mul3A_31 : i32
        %add3A_33 = arith.constant 0 : i32
        %add3A_34 = arith.addi %add3A_33, %mul3A_32 : i32
        %broadcast_in_dim3A = arith.constant 0.000000e+00 : f32
        %broadcast_in_dim3A_35 = vector.broadcast %broadcast_in_dim3A : f32 to vector<16xf32>
        %swap3A = arith.index_cast %add3A_24 : i32 to index
        %swap3A_36 = arith.index_cast %add3A_34 : i32 to index
        %swap3A_37 = tpu.vector_load %arg8[%swap3A, %swap3A_36] {strides = array<i32>} : memref<128x128xf32, #tpu.memory_space<vmem>>, vector<1x16xf32>,
        %swap3A_38 = vector.shape_cast %swap3A_37 : vector<1x16xf32> to vector<16xf32>
        %swap3A_39 = vector.shape_cast %broadcast_in_dim3A_35 : vector<16xf32> to vector<1x16xf32>
        tpu.vector_store %arg8[%swap3A, %swap3A_36], %swap3A_39 {strides = array<i32>} : memref<128x128xf32, #tpu.memory_space<vmem>>, vector<1x16xf32>,
      }
      %scan3A_29 = arith.constant 8 : i32
    }
    %scan3A_4 = arith.constant 128 : i32
    %scan3A_5 = arith.constant 0 : i32
    %scan3A_6 = arith.constant 5 : i32
    %scan3A_7 = arith.addi %scan3A_5, %scan3A_6 : i32
    %scan3A_8 = arith.constant 1 : i32
    scf.for %scan3A_20 = %scan3A_5 to %scan3A_7 step %scan3A_8  : i32 {
      %mul3A_21 = arith.constant 128 : i32
      %mul3A_22 = arith.muli %scan3A_20, %mul3A_21 : i32
      %add3A_23 = arith.constant 0 : i32
      %add3A_24 = arith.addi %add3A_23, %mul3A_22 : i32
      %mul3A_25 = arith.constant 640 : i32
      %mul3A_26 = arith.muli %arg1, %mul3A_25 : i32
      %add3A_27 = arith.addi %mul3A_26, %add3A_24 : i32
      "tpu.region"() ({
        %run_scoped3A = tpu.sem_alloc : memref<!tpu.dma_semaphore, #tpu.memory_space<semaphore_mem>>
        %dma_start3A = arith.constant 0 : i32
        %dma_start3A_28 = tpu.memref_slice %arg10[%add3A_27, %dma_start3A] : memref<10240x128xf32, #tpu.memory_space<vmem_shared>> -> memref<128x128xf32, #tpu.memory_space<vmem_shared>>
        %dma_start3A_29 = arith.constant 0 : i32
        %dma_start3A_30 = tpu.memref_slice %arg10[%add3A_27, %dma_start3A_29] : memref<10240x128xf32, #tpu.memory_space<vmem_shared>> -> memref<128x128xf32, #tpu.memory_space<vmem_shared>>
        tpu.enqueue_dma source(%arg8 : memref<128x128xf32, #tpu.memory_space<vmem>>) target(%dma_start3A_30 : memref<128x128xf32, #tpu.memory_space<vmem_shared>>) target_semaphore(%run_scoped3A : memref<!tpu.dma_semaphore, #tpu.memory_space<semaphore_mem>>)
        %dma_wait3A = arith.constant 0 : i32
        %dma_wait3A_31 = tpu.memref_slice %arg10[%add3A_27, %dma_wait3A] : memref<10240x128xf32, #tpu.memory_space<vmem_shared>> -> memref<128x128xf32, #tpu.memory_space<vmem_shared>>
        %dma_wait3A_32 = arith.constant 0 : i32
        %dma_wait3A_33 = tpu.memref_slice %arg10[%add3A_27, %dma_wait3A_32] : memref<10240x128xf32, #tpu.memory_space<vmem_shared>> -> memref<128x128xf32, #tpu.memory_space<vmem_shared>>
        tpu.wait_dma2 semaphore(%run_scoped3A : memref<!tpu.dma_semaphore, #tpu.memory_space<semaphore_mem>>) src(%arg8 : memref<128x128xf32, #tpu.memory_space<vmem>>) dst(%dma_wait3A_33 : memref<128x128xf32, #tpu.memory_space<vmem_shared>>)
        tpu.yield
      }) : () -> ()
    }
    %scan3A_9 = arith.constant 5 : i32
    %barrier3A = arith.constant 0 : index
    tpu.barrier barrier_id(%barrier3A)
    %scan3A_10 = arith.constant 0 : i32
    %scan3A_11 = arith.constant 10 : i32
    %scan3A_12 = arith.addi %scan3A_10, %scan3A_11 : i32
    %scan3A_13 = arith.constant 1 : i32
    scf.for %scan3A_20 = %scan3A_10 to %scan3A_12 step %scan3A_13  : i32 {
      %mul3A_21 = arith.constant 8 : i32
      %mul3A_22 = arith.muli %scan3A_20, %mul3A_21 : i32
      %add3A_23 = arith.constant 0 : i32
      %add3A_24 = arith.addi %add3A_23, %mul3A_22 : i32
      "tpu.region"() ({
        %run_scoped3A_142 = tpu.sem_alloc : memref<!tpu.dma_semaphore, #tpu.memory_space<semaphore_mem>>
        %dma_start3A_143 = arith.constant 0 : i32
        %dma_start3A_144 = arith.constant 0 : i32
        %dma_start3A_145 = tpu.memref_slice %arg3[%add3A, %dma_start3A_143, %dma_start3A_144] : memref<32x80x128xi32, #tpu.memory_space<hbm>> -> memref<1x80x128xi32, #tpu.memory_space<hbm>>
        %dma_start3A_146 = tpu.memref_squeeze %dma_start3A_145 : memref<1x80x128xi32, #tpu.memory_space<hbm>> -> memref<80x128xi32, #tpu.memory_space<hbm>>
        %dma_start3A_147 = arith.constant 0 : i32
        %dma_start3A_148 = tpu.memref_slice %dma_start3A_146[%add3A_24, %dma_start3A_147] : memref<80x128xi32, #tpu.memory_space<hbm>> -> memref<8x128xi32, #tpu.memory_space<hbm>>
        %dma_start3A_149 = arith.constant 0 : i32
        %dma_start3A_150 = arith.constant 0 : i32
        %dma_start3A_151 = tpu.memref_slice %arg3[%add3A, %dma_start3A_149, %dma_start3A_150] : memref<32x80x128xi32, #tpu.memory_space<hbm>> -> memref<1x80x128xi32, #tpu.memory_space<hbm>>
        %dma_start3A_152 = tpu.memref_squeeze %dma_start3A_151 : memref<1x80x128xi32, #tpu.memory_space<hbm>> -> memref<80x128xi32, #tpu.memory_space<hbm>>
        %dma_start3A_153 = arith.constant 0 : i32
        %dma_start3A_154 = tpu.memref_slice %dma_start3A_152[%add3A_24, %dma_start3A_153] : memref<80x128xi32, #tpu.memory_space<hbm>> -> memref<8x128xi32, #tpu.memory_space<hbm>>
        tpu.enqueue_dma source(%dma_start3A_154 : memref<8x128xi32, #tpu.memory_space<hbm>>) target(%arg6 : memref<8x128xi32, #tpu.memory_space<vmem>>) target_semaphore(%run_scoped3A_142 : memref<!tpu.dma_semaphore, #tpu.memory_space<semaphore_mem>>)
        %dma_wait3A_155 = arith.constant 0 : i32
        %dma_wait3A_156 = arith.constant 0 : i32
        %dma_wait3A_157 = tpu.memref_slice %arg3[%add3A, %dma_wait3A_155, %dma_wait3A_156] : memref<32x80x128xi32, #tpu.memory_space<hbm>> -> memref<1x80x128xi32, #tpu.memory_space<hbm>>
        %dma_wait3A_158 = tpu.memref_squeeze %dma_wait3A_157 : memref<1x80x128xi32, #tpu.memory_space<hbm>> -> memref<80x128xi32, #tpu.memory_space<hbm>>
        %dma_wait3A_159 = arith.constant 0 : i32
        %dma_wait3A_160 = tpu.memref_slice %dma_wait3A_158[%add3A_24, %dma_wait3A_159] : memref<80x128xi32, #tpu.memory_space<hbm>> -> memref<8x128xi32, #tpu.memory_space<hbm>>
        %dma_wait3A_161 = arith.constant 0 : i32
        %dma_wait3A_162 = arith.constant 0 : i32
        %dma_wait3A_163 = tpu.memref_slice %arg3[%add3A, %dma_wait3A_161, %dma_wait3A_162] : memref<32x80x128xi32, #tpu.memory_space<hbm>> -> memref<1x80x128xi32, #tpu.memory_space<hbm>>
        %dma_wait3A_164 = tpu.memref_squeeze %dma_wait3A_163 : memref<1x80x128xi32, #tpu.memory_space<hbm>> -> memref<80x128xi32, #tpu.memory_space<hbm>>
        %dma_wait3A_165 = arith.constant 0 : i32
        %dma_wait3A_166 = tpu.memref_slice %dma_wait3A_164[%add3A_24, %dma_wait3A_165] : memref<80x128xi32, #tpu.memory_space<hbm>> -> memref<8x128xi32, #tpu.memory_space<hbm>>
        tpu.wait_dma2 semaphore(%run_scoped3A_142 : memref<!tpu.dma_semaphore, #tpu.memory_space<semaphore_mem>>) src(%dma_wait3A_166 : memref<8x128xi32, #tpu.memory_space<hbm>>) dst(%arg6 : memref<8x128xi32, #tpu.memory_space<vmem>>)
        tpu.yield
      }) : () -> ()
      "tpu.region"() ({
        %run_scoped3A_142 = tpu.sem_alloc : memref<!tpu.dma_semaphore, #tpu.memory_space<semaphore_mem>>
        %dma_start3A_143 = arith.constant 0 : i32
        %dma_start3A_144 = arith.constant 0 : i32
        %dma_start3A_145 = tpu.memref_slice %arg4[%add3A, %dma_start3A_143, %dma_start3A_144] : memref<32x80x128xi32, #tpu.memory_space<hbm>> -> memref<1x80x128xi32, #tpu.memory_space<hbm>>
        %dma_start3A_146 = tpu.memref_squeeze %dma_start3A_145 : memref<1x80x128xi32, #tpu.memory_space<hbm>> -> memref<80x128xi32, #tpu.memory_space<hbm>>
        %dma_start3A_147 = arith.constant 0 : i32
        %dma_start3A_148 = tpu.memref_slice %dma_start3A_146[%add3A_24, %dma_start3A_147] : memref<80x128xi32, #tpu.memory_space<hbm>> -> memref<8x128xi32, #tpu.memory_space<hbm>>
        %dma_start3A_149 = arith.constant 0 : i32
        %dma_start3A_150 = arith.constant 0 : i32
        %dma_start3A_151 = tpu.memref_slice %arg4[%add3A, %dma_start3A_149, %dma_start3A_150] : memref<32x80x128xi32, #tpu.memory_space<hbm>> -> memref<1x80x128xi32, #tpu.memory_space<hbm>>
        %dma_start3A_152 = tpu.memref_squeeze %dma_start3A_151 : memref<1x80x128xi32, #tpu.memory_space<hbm>> -> memref<80x128xi32, #tpu.memory_space<hbm>>
        %dma_start3A_153 = arith.constant 0 : i32
        %dma_start3A_154 = tpu.memref_slice %dma_start3A_152[%add3A_24, %dma_start3A_153] : memref<80x128xi32, #tpu.memory_space<hbm>> -> memref<8x128xi32, #tpu.memory_space<hbm>>
        tpu.enqueue_dma source(%dma_start3A_154 : memref<8x128xi32, #tpu.memory_space<hbm>>) target(%arg7 : memref<8x128xi32, #tpu.memory_space<vmem>>) target_semaphore(%run_scoped3A_142 : memref<!tpu.dma_semaphore, #tpu.memory_space<semaphore_mem>>)
        %dma_wait3A_155 = arith.constant 0 : i32
        %dma_wait3A_156 = arith.constant 0 : i32
        %dma_wait3A_157 = tpu.memref_slice %arg4[%add3A, %dma_wait3A_155, %dma_wait3A_156] : memref<32x80x128xi32, #tpu.memory_space<hbm>> -> memref<1x80x128xi32, #tpu.memory_space<hbm>>
        %dma_wait3A_158 = tpu.memref_squeeze %dma_wait3A_157 : memref<1x80x128xi32, #tpu.memory_space<hbm>> -> memref<80x128xi32, #tpu.memory_space<hbm>>
        %dma_wait3A_159 = arith.constant 0 : i32
        %dma_wait3A_160 = tpu.memref_slice %dma_wait3A_158[%add3A_24, %dma_wait3A_159] : memref<80x128xi32, #tpu.memory_space<hbm>> -> memref<8x128xi32, #tpu.memory_space<hbm>>
        %dma_wait3A_161 = arith.constant 0 : i32
        %dma_wait3A_162 = arith.constant 0 : i32
        %dma_wait3A_163 = tpu.memref_slice %arg4[%add3A, %dma_wait3A_161, %dma_wait3A_162] : memref<32x80x128xi32, #tpu.memory_space<hbm>> -> memref<1x80x128xi32, #tpu.memory_space<hbm>>
        %dma_wait3A_164 = tpu.memref_squeeze %dma_wait3A_163 : memref<1x80x128xi32, #tpu.memory_space<hbm>> -> memref<80x128xi32, #tpu.memory_space<hbm>>
        %dma_wait3A_165 = arith.constant 0 : i32
        %dma_wait3A_166 = tpu.memref_slice %dma_wait3A_164[%add3A_24, %dma_wait3A_165] : memref<80x128xi32, #tpu.memory_space<hbm>> -> memref<8x128xi32, #tpu.memory_space<hbm>>
        tpu.wait_dma2 semaphore(%run_scoped3A_142 : memref<!tpu.dma_semaphore, #tpu.memory_space<semaphore_mem>>) src(%dma_wait3A_166 : memref<8x128xi32, #tpu.memory_space<hbm>>) dst(%arg7 : memref<8x128xi32, #tpu.memory_space<vmem>>)
        tpu.yield
      }) : () -> ()
      %dma_start3A = arith.constant 0 : i32
      %dma_start3A_25 = arith.constant 0 : i32
      %dma_start3A_26 = tpu.memref_slice %arg6[%dma_start3A, %dma_start3A_25] : memref<8x128xi32, #tpu.memory_space<vmem>> -> memref<1x128xi32, #tpu.memory_space<vmem>>
      %dma_start3A_27 = tpu.memref_squeeze %dma_start3A_26 : memref<1x128xi32, #tpu.memory_space<vmem>> -> memref<128xi32, #tpu.memory_space<vmem>>
      %dma_start3A_28 = arith.constant 0 : i32
      %dma_start3A_29 = arith.constant 0 : i32
      %dma_start3A_30 = tpu.memref_slice %arg2[%dma_start3A_28, %dma_start3A_29] : memref<10240x128xf32, #tpu.memory_space<hbm>> -> memref<10240x128xf32, #tpu.memory_space<hbm>>
      tpu.enqueue_indirect_dma source(%dma_start3A_30 : memref<10240x128xf32, #tpu.memory_space<hbm>>) target(%arg8 : memref<128x128xf32, #tpu.memory_space<vmem>>) offsets(%dma_start3A_27 : memref<128xi32, #tpu.memory_space<vmem>>) semaphore(%arg11 : memref<!tpu.dma_semaphore, #tpu.memory_space<semaphore_mem>>)
      %dma_start3A_31 = arith.constant 1 : i32
      %dma_start3A_32 = arith.constant 0 : i32
      %dma_start3A_33 = tpu.memref_slice %arg6[%dma_start3A_31, %dma_start3A_32] : memref<8x128xi32, #tpu.memory_space<vmem>> -> memref<1x128xi32, #tpu.memory_space<vmem>>
      %dma_start3A_34 = tpu.memref_squeeze %dma_start3A_33 : memref<1x128xi32, #tpu.memory_space<vmem>> -> memref<128xi32, #tpu.memory_space<vmem>>
      %dma_start3A_35 = arith.constant 0 : i32
      %dma_start3A_36 = arith.constant 0 : i32
      %dma_start3A_37 = tpu.memref_slice %arg2[%dma_start3A_35, %dma_start3A_36] : memref<10240x128xf32, #tpu.memory_space<hbm>> -> memref<10240x128xf32, #tpu.memory_space<hbm>>
      tpu.enqueue_indirect_dma source(%dma_start3A_37 : memref<10240x128xf32, #tpu.memory_space<hbm>>) target(%arg9 : memref<128x128xf32, #tpu.memory_space<vmem>>) offsets(%dma_start3A_34 : memref<128xi32, #tpu.memory_space<vmem>>) semaphore(%arg12 : memref<!tpu.dma_semaphore, #tpu.memory_space<semaphore_mem>>)
      %dma_wait3A = arith.constant 0 : i32
      %dma_wait3A_38 = arith.constant 0 : i32
      %dma_wait3A_39 = tpu.memref_slice %arg6[%dma_wait3A, %dma_wait3A_38] : memref<8x128xi32, #tpu.memory_space<vmem>> -> memref<1x128xi32, #tpu.memory_space<vmem>>
      %dma_wait3A_40 = tpu.memref_squeeze %dma_wait3A_39 : memref<1x128xi32, #tpu.memory_space<vmem>> -> memref<128xi32, #tpu.memory_space<vmem>>
      %dma_wait3A_41 = arith.constant 0 : i32
      %dma_wait3A_42 = arith.constant 0 : i32
      %dma_wait3A_43 = tpu.memref_slice %arg2[%dma_wait3A_41, %dma_wait3A_42] : memref<10240x128xf32, #tpu.memory_space<hbm>> -> memref<10240x128xf32, #tpu.memory_space<hbm>>
      tpu.wait_indirect_dma semaphore(%arg11 : memref<!tpu.dma_semaphore, #tpu.memory_space<semaphore_mem>>) src(%dma_wait3A_43 : memref<10240x128xf32, #tpu.memory_space<hbm>>) dst(%arg8 : memref<128x128xf32, #tpu.memory_space<vmem>>)
      %run_scoped3A = arith.constant 0 : i32
      "tpu.region"() ({
        %run_scoped3A_142 = tpu.sem_alloc : memref<!tpu.dma_semaphore, #tpu.memory_space<semaphore_mem>>
        %dma_start3A_143 = arith.constant 0 : i32
        %dma_start3A_144 = tpu.memref_slice %arg7[%run_scoped3A, %dma_start3A_143] : memref<8x128xi32, #tpu.memory_space<vmem>> -> memref<1x128xi32, #tpu.memory_space<vmem>>
        %dma_start3A_145 = tpu.memref_squeeze %dma_start3A_144 : memref<1x128xi32, #tpu.memory_space<vmem>> -> memref<128xi32, #tpu.memory_space<vmem>>
        %dma_start3A_146 = arith.constant 0 : i32
        %dma_start3A_147 = arith.constant 0 : i32
        %dma_start3A_148 = tpu.memref_slice %arg10[%dma_start3A_146, %dma_start3A_147] : memref<10240x128xf32, #tpu.memory_space<vmem_shared>> -> memref<10240x128xf32, #tpu.memory_space<vmem_shared>>
        tpu.enqueue_indirect_dma source(%arg8 : memref<128x128xf32, #tpu.memory_space<vmem>>) target(%dma_start3A_148 : memref<10240x128xf32, #tpu.memory_space<vmem_shared>>) offsets(%dma_start3A_145 : memref<128xi32, #tpu.memory_space<vmem>>) semaphore(%run_scoped3A_142 : memref<!tpu.dma_semaphore, #tpu.memory_space<semaphore_mem>>) {add = true}
        %dma_wait3A_149 = arith.constant 0 : i32
        %dma_wait3A_150 = tpu.memref_slice %arg7[%run_scoped3A, %dma_wait3A_149] : memref<8x128xi32, #tpu.memory_space<vmem>> -> memref<1x128xi32, #tpu.memory_space<vmem>>
        %dma_wait3A_151 = tpu.memref_squeeze %dma_wait3A_150 : memref<1x128xi32, #tpu.memory_space<vmem>> -> memref<128xi32, #tpu.memory_space<vmem>>
        %dma_wait3A_152 = arith.constant 0 : i32
        %dma_wait3A_153 = arith.constant 0 : i32
        %dma_wait3A_154 = tpu.memref_slice %arg10[%dma_wait3A_152, %dma_wait3A_153] : memref<10240x128xf32, #tpu.memory_space<vmem_shared>> -> memref<10240x128xf32, #tpu.memory_space<vmem_shared>>
        tpu.wait_indirect_dma semaphore(%run_scoped3A_142 : memref<!tpu.dma_semaphore, #tpu.memory_space<semaphore_mem>>) src(%arg8 : memref<128x128xf32, #tpu.memory_space<vmem>>) dst(%dma_wait3A_154 : memref<10240x128xf32, #tpu.memory_space<vmem_shared>>)
        tpu.yield
      }) : () -> ()
      %dma_start3A_44 = arith.constant 2 : i32
      %dma_start3A_45 = arith.constant 0 : i32
      %dma_start3A_46 = tpu.memref_slice %arg6[%dma_start3A_44, %dma_start3A_45] : memref<8x128xi32, #tpu.memory_space<vmem>> -> memref<1x128xi32, #tpu.memory_space<vmem>>
      %dma_start3A_47 = tpu.memref_squeeze %dma_start3A_46 : memref<1x128xi32, #tpu.memory_space<vmem>> -> memref<128xi32, #tpu.memory_space<vmem>>
      %dma_start3A_48 = arith.constant 0 : i32
      %dma_start3A_49 = arith.constant 0 : i32
      %dma_start3A_50 = tpu.memref_slice %arg2[%dma_start3A_48, %dma_start3A_49] : memref<10240x128xf32, #tpu.memory_space<hbm>> -> memref<10240x128xf32, #tpu.memory_space<hbm>>
      tpu.enqueue_indirect_dma source(%dma_start3A_50 : memref<10240x128xf32, #tpu.memory_space<hbm>>) target(%arg8 : memref<128x128xf32, #tpu.memory_space<vmem>>) offsets(%dma_start3A_47 : memref<128xi32, #tpu.memory_space<vmem>>) semaphore(%arg11 : memref<!tpu.dma_semaphore, #tpu.memory_space<semaphore_mem>>)
      %dma_wait3A_51 = arith.constant 1 : i32
      %dma_wait3A_52 = arith.constant 0 : i32
      %dma_wait3A_53 = tpu.memref_slice %arg6[%dma_wait3A_51, %dma_wait3A_52] : memref<8x128xi32, #tpu.memory_space<vmem>> -> memref<1x128xi32, #tpu.memory_space<vmem>>
      %dma_wait3A_54 = tpu.memref_squeeze %dma_wait3A_53 : memref<1x128xi32, #tpu.memory_space<vmem>> -> memref<128xi32, #tpu.memory_space<vmem>>
      %dma_wait3A_55 = arith.constant 0 : i32
      %dma_wait3A_56 = arith.constant 0 : i32
      %dma_wait3A_57 = tpu.memref_slice %arg2[%dma_wait3A_55, %dma_wait3A_56] : memref<10240x128xf32, #tpu.memory_space<hbm>> -> memref<10240x128xf32, #tpu.memory_space<hbm>>
      tpu.wait_indirect_dma semaphore(%arg12 : memref<!tpu.dma_semaphore, #tpu.memory_space<semaphore_mem>>) src(%dma_wait3A_57 : memref<10240x128xf32, #tpu.memory_space<hbm>>) dst(%arg9 : memref<128x128xf32, #tpu.memory_space<vmem>>)
      %run_scoped3A_58 = arith.constant 1 : i32
      "tpu.region"() ({
        %run_scoped3A_142 = tpu.sem_alloc : memref<!tpu.dma_semaphore, #tpu.memory_space<semaphore_mem>>
        %dma_start3A_143 = arith.constant 0 : i32
        %dma_start3A_144 = tpu.memref_slice %arg7[%run_scoped3A_58, %dma_start3A_143] : memref<8x128xi32, #tpu.memory_space<vmem>> -> memref<1x128xi32, #tpu.memory_space<vmem>>
        %dma_start3A_145 = tpu.memref_squeeze %dma_start3A_144 : memref<1x128xi32, #tpu.memory_space<vmem>> -> memref<128xi32, #tpu.memory_space<vmem>>
        %dma_start3A_146 = arith.constant 0 : i32
        %dma_start3A_147 = arith.constant 0 : i32
        %dma_start3A_148 = tpu.memref_slice %arg10[%dma_start3A_146, %dma_start3A_147] : memref<10240x128xf32, #tpu.memory_space<vmem_shared>> -> memref<10240x128xf32, #tpu.memory_space<vmem_shared>>
        tpu.enqueue_indirect_dma source(%arg9 : memref<128x128xf32, #tpu.memory_space<vmem>>) target(%dma_start3A_148 : memref<10240x128xf32, #tpu.memory_space<vmem_shared>>) offsets(%dma_start3A_145 : memref<128xi32, #tpu.memory_space<vmem>>) semaphore(%run_scoped3A_142 : memref<!tpu.dma_semaphore, #tpu.memory_space<semaphore_mem>>) {add = true}
        %dma_wait3A_149 = arith.constant 0 : i32
        %dma_wait3A_150 = tpu.memref_slice %arg7[%run_scoped3A_58, %dma_wait3A_149] : memref<8x128xi32, #tpu.memory_space<vmem>> -> memref<1x128xi32, #tpu.memory_space<vmem>>
        %dma_wait3A_151 = tpu.memref_squeeze %dma_wait3A_150 : memref<1x128xi32, #tpu.memory_space<vmem>> -> memref<128xi32, #tpu.memory_space<vmem>>
        %dma_wait3A_152 = arith.constant 0 : i32
        %dma_wait3A_153 = arith.constant 0 : i32
        %dma_wait3A_154 = tpu.memref_slice %arg10[%dma_wait3A_152, %dma_wait3A_153] : memref<10240x128xf32, #tpu.memory_space<vmem_shared>> -> memref<10240x128xf32, #tpu.memory_space<vmem_shared>>
        tpu.wait_indirect_dma semaphore(%run_scoped3A_142 : memref<!tpu.dma_semaphore, #tpu.memory_space<semaphore_mem>>) src(%arg9 : memref<128x128xf32, #tpu.memory_space<vmem>>) dst(%dma_wait3A_154 : memref<10240x128xf32, #tpu.memory_space<vmem_shared>>)
        tpu.yield
      }) : () -> ()
      %dma_start3A_59 = arith.constant 3 : i32
      %dma_start3A_60 = arith.constant 0 : i32
      %dma_start3A_61 = tpu.memref_slice %arg6[%dma_start3A_59, %dma_start3A_60] : memref<8x128xi32, #tpu.memory_space<vmem>> -> memref<1x128xi32, #tpu.memory_space<vmem>>
      %dma_start3A_62 = tpu.memref_squeeze %dma_start3A_61 : memref<1x128xi32, #tpu.memory_space<vmem>> -> memref<128xi32, #tpu.memory_space<vmem>>
      %dma_start3A_63 = arith.constant 0 : i32
      %dma_start3A_64 = arith.constant 0 : i32
      %dma_start3A_65 = tpu.memref_slice %arg2[%dma_start3A_63, %dma_start3A_64] : memref<10240x128xf32, #tpu.memory_space<hbm>> -> memref<10240x128xf32, #tpu.memory_space<hbm>>
      tpu.enqueue_indirect_dma source(%dma_start3A_65 : memref<10240x128xf32, #tpu.memory_space<hbm>>) target(%arg9 : memref<128x128xf32, #tpu.memory_space<vmem>>) offsets(%dma_start3A_62 : memref<128xi32, #tpu.memory_space<vmem>>) semaphore(%arg12 : memref<!tpu.dma_semaphore, #tpu.memory_space<semaphore_mem>>)
      %dma_wait3A_66 = arith.constant 2 : i32
      %dma_wait3A_67 = arith.constant 0 : i32
      %dma_wait3A_68 = tpu.memref_slice %arg6[%dma_wait3A_66, %dma_wait3A_67] : memref<8x128xi32, #tpu.memory_space<vmem>> -> memref<1x128xi32, #tpu.memory_space<vmem>>
      %dma_wait3A_69 = tpu.memref_squeeze %dma_wait3A_68 : memref<1x128xi32, #tpu.memory_space<vmem>> -> memref<128xi32, #tpu.memory_space<vmem>>
      %dma_wait3A_70 = arith.constant 0 : i32
      %dma_wait3A_71 = arith.constant 0 : i32
      %dma_wait3A_72 = tpu.memref_slice %arg2[%dma_wait3A_70, %dma_wait3A_71] : memref<10240x128xf32, #tpu.memory_space<hbm>> -> memref<10240x128xf32, #tpu.memory_space<hbm>>
      tpu.wait_indirect_dma semaphore(%arg11 : memref<!tpu.dma_semaphore, #tpu.memory_space<semaphore_mem>>) src(%dma_wait3A_72 : memref<10240x128xf32, #tpu.memory_space<hbm>>) dst(%arg8 : memref<128x128xf32, #tpu.memory_space<vmem>>)
      %run_scoped3A_73 = arith.constant 2 : i32
      "tpu.region"() ({
        %run_scoped3A_142 = tpu.sem_alloc : memref<!tpu.dma_semaphore, #tpu.memory_space<semaphore_mem>>
        %dma_start3A_143 = arith.constant 0 : i32
        %dma_start3A_144 = tpu.memref_slice %arg7[%run_scoped3A_73, %dma_start3A_143] : memref<8x128xi32, #tpu.memory_space<vmem>> -> memref<1x128xi32, #tpu.memory_space<vmem>>
        %dma_start3A_145 = tpu.memref_squeeze %dma_start3A_144 : memref<1x128xi32, #tpu.memory_space<vmem>> -> memref<128xi32, #tpu.memory_space<vmem>>
        %dma_start3A_146 = arith.constant 0 : i32
        %dma_start3A_147 = arith.constant 0 : i32
        %dma_start3A_148 = tpu.memref_slice %arg10[%dma_start3A_146, %dma_start3A_147] : memref<10240x128xf32, #tpu.memory_space<vmem_shared>> -> memref<10240x128xf32, #tpu.memory_space<vmem_shared>>
        tpu.enqueue_indirect_dma source(%arg8 : memref<128x128xf32, #tpu.memory_space<vmem>>) target(%dma_start3A_148 : memref<10240x128xf32, #tpu.memory_space<vmem_shared>>) offsets(%dma_start3A_145 : memref<128xi32, #tpu.memory_space<vmem>>) semaphore(%run_scoped3A_142 : memref<!tpu.dma_semaphore, #tpu.memory_space<semaphore_mem>>) {add = true}
        %dma_wait3A_149 = arith.constant 0 : i32
        %dma_wait3A_150 = tpu.memref_slice %arg7[%run_scoped3A_73, %dma_wait3A_149] : memref<8x128xi32, #tpu.memory_space<vmem>> -> memref<1x128xi32, #tpu.memory_space<vmem>>
        %dma_wait3A_151 = tpu.memref_squeeze %dma_wait3A_150 : memref<1x128xi32, #tpu.memory_space<vmem>> -> memref<128xi32, #tpu.memory_space<vmem>>
        %dma_wait3A_152 = arith.constant 0 : i32
        %dma_wait3A_153 = arith.constant 0 : i32
        %dma_wait3A_154 = tpu.memref_slice %arg10[%dma_wait3A_152, %dma_wait3A_153] : memref<10240x128xf32, #tpu.memory_space<vmem_shared>> -> memref<10240x128xf32, #tpu.memory_space<vmem_shared>>
        tpu.wait_indirect_dma semaphore(%run_scoped3A_142 : memref<!tpu.dma_semaphore, #tpu.memory_space<semaphore_mem>>) src(%arg8 : memref<128x128xf32, #tpu.memory_space<vmem>>) dst(%dma_wait3A_154 : memref<10240x128xf32, #tpu.memory_space<vmem_shared>>)
        tpu.yield
      }) : () -> ()
      %dma_start3A_74 = arith.constant 4 : i32
      %dma_start3A_75 = arith.constant 0 : i32
      %dma_start3A_76 = tpu.memref_slice %arg6[%dma_start3A_74, %dma_start3A_75] : memref<8x128xi32, #tpu.memory_space<vmem>> -> memref<1x128xi32, #tpu.memory_space<vmem>>
      %dma_start3A_77 = tpu.memref_squeeze %dma_start3A_76 : memref<1x128xi32, #tpu.memory_space<vmem>> -> memref<128xi32, #tpu.memory_space<vmem>>
      %dma_start3A_78 = arith.constant 0 : i32
      %dma_start3A_79 = arith.constant 0 : i32
      %dma_start3A_80 = tpu.memref_slice %arg2[%dma_start3A_78, %dma_start3A_79] : memref<10240x128xf32, #tpu.memory_space<hbm>> -> memref<10240x128xf32, #tpu.memory_space<hbm>>
      tpu.enqueue_indirect_dma source(%dma_start3A_80 : memref<10240x128xf32, #tpu.memory_space<hbm>>) target(%arg8 : memref<128x128xf32, #tpu.memory_space<vmem>>) offsets(%dma_start3A_77 : memref<128xi32, #tpu.memory_space<vmem>>) semaphore(%arg11 : memref<!tpu.dma_semaphore, #tpu.memory_space<semaphore_mem>>)
      %dma_wait3A_81 = arith.constant 3 : i32
      %dma_wait3A_82 = arith.constant 0 : i32
      %dma_wait3A_83 = tpu.memref_slice %arg6[%dma_wait3A_81, %dma_wait3A_82] : memref<8x128xi32, #tpu.memory_space<vmem>> -> memref<1x128xi32, #tpu.memory_space<vmem>>
      %dma_wait3A_84 = tpu.memref_squeeze %dma_wait3A_83 : memref<1x128xi32, #tpu.memory_space<vmem>> -> memref<128xi32, #tpu.memory_space<vmem>>
      %dma_wait3A_85 = arith.constant 0 : i32
      %dma_wait3A_86 = arith.constant 0 : i32
      %dma_wait3A_87 = tpu.memref_slice %arg2[%dma_wait3A_85, %dma_wait3A_86] : memref<10240x128xf32, #tpu.memory_space<hbm>> -> memref<10240x128xf32, #tpu.memory_space<hbm>>
      tpu.wait_indirect_dma semaphore(%arg12 : memref<!tpu.dma_semaphore, #tpu.memory_space<semaphore_mem>>) src(%dma_wait3A_87 : memref<10240x128xf32, #tpu.memory_space<hbm>>) dst(%arg9 : memref<128x128xf32, #tpu.memory_space<vmem>>)
      %run_scoped3A_88 = arith.constant 3 : i32
      "tpu.region"() ({
        %run_scoped3A_142 = tpu.sem_alloc : memref<!tpu.dma_semaphore, #tpu.memory_space<semaphore_mem>>
        %dma_start3A_143 = arith.constant 0 : i32
        %dma_start3A_144 = tpu.memref_slice %arg7[%run_scoped3A_88, %dma_start3A_143] : memref<8x128xi32, #tpu.memory_space<vmem>> -> memref<1x128xi32, #tpu.memory_space<vmem>>
        %dma_start3A_145 = tpu.memref_squeeze %dma_start3A_144 : memref<1x128xi32, #tpu.memory_space<vmem>> -> memref<128xi32, #tpu.memory_space<vmem>>
        %dma_start3A_146 = arith.constant 0 : i32
        %dma_start3A_147 = arith.constant 0 : i32
        %dma_start3A_148 = tpu.memref_slice %arg10[%dma_start3A_146, %dma_start3A_147] : memref<10240x128xf32, #tpu.memory_space<vmem_shared>> -> memref<10240x128xf32, #tpu.memory_space<vmem_shared>>
        tpu.enqueue_indirect_dma source(%arg9 : memref<128x128xf32, #tpu.memory_space<vmem>>) target(%dma_start3A_148 : memref<10240x128xf32, #tpu.memory_space<vmem_shared>>) offsets(%dma_start3A_145 : memref<128xi32, #tpu.memory_space<vmem>>) semaphore(%run_scoped3A_142 : memref<!tpu.dma_semaphore, #tpu.memory_space<semaphore_mem>>) {add = true}
        %dma_wait3A_149 = arith.constant 0 : i32
        %dma_wait3A_150 = tpu.memref_slice %arg7[%run_scoped3A_88, %dma_wait3A_149] : memref<8x128xi32, #tpu.memory_space<vmem>> -> memref<1x128xi32, #tpu.memory_space<vmem>>
        %dma_wait3A_151 = tpu.memref_squeeze %dma_wait3A_150 : memref<1x128xi32, #tpu.memory_space<vmem>> -> memref<128xi32, #tpu.memory_space<vmem>>
        %dma_wait3A_152 = arith.constant 0 : i32
        %dma_wait3A_153 = arith.constant 0 : i32
        %dma_wait3A_154 = tpu.memref_slice %arg10[%dma_wait3A_152, %dma_wait3A_153] : memref<10240x128xf32, #tpu.memory_space<vmem_shared>> -> memref<10240x128xf32, #tpu.memory_space<vmem_shared>>
        tpu.wait_indirect_dma semaphore(%run_scoped3A_142 : memref<!tpu.dma_semaphore, #tpu.memory_space<semaphore_mem>>) src(%arg9 : memref<128x128xf32, #tpu.memory_space<vmem>>) dst(%dma_wait3A_154 : memref<10240x128xf32, #tpu.memory_space<vmem_shared>>)
        tpu.yield
      }) : () -> ()
      %dma_start3A_89 = arith.constant 5 : i32
      %dma_start3A_90 = arith.constant 0 : i32
      %dma_start3A_91 = tpu.memref_slice %arg6[%dma_start3A_89, %dma_start3A_90] : memref<8x128xi32, #tpu.memory_space<vmem>> -> memref<1x128xi32, #tpu.memory_space<vmem>>
      %dma_start3A_92 = tpu.memref_squeeze %dma_start3A_91 : memref<1x128xi32, #tpu.memory_space<vmem>> -> memref<128xi32, #tpu.memory_space<vmem>>
      %dma_start3A_93 = arith.constant 0 : i32
      %dma_start3A_94 = arith.constant 0 : i32
      %dma_start3A_95 = tpu.memref_slice %arg2[%dma_start3A_93, %dma_start3A_94] : memref<10240x128xf32, #tpu.memory_space<hbm>> -> memref<10240x128xf32, #tpu.memory_space<hbm>>
      tpu.enqueue_indirect_dma source(%dma_start3A_95 : memref<10240x128xf32, #tpu.memory_space<hbm>>) target(%arg9 : memref<128x128xf32, #tpu.memory_space<vmem>>) offsets(%dma_start3A_92 : memref<128xi32, #tpu.memory_space<vmem>>) semaphore(%arg12 : memref<!tpu.dma_semaphore, #tpu.memory_space<semaphore_mem>>)
      %dma_wait3A_96 = arith.constant 4 : i32
      %dma_wait3A_97 = arith.constant 0 : i32
      %dma_wait3A_98 = tpu.memref_slice %arg6[%dma_wait3A_96, %dma_wait3A_97] : memref<8x128xi32, #tpu.memory_space<vmem>> -> memref<1x128xi32, #tpu.memory_space<vmem>>
      %dma_wait3A_99 = tpu.memref_squeeze %dma_wait3A_98 : memref<1x128xi32, #tpu.memory_space<vmem>> -> memref<128xi32, #tpu.memory_space<vmem>>
      %dma_wait3A_100 = arith.constant 0 : i32
      %dma_wait3A_101 = arith.constant 0 : i32
      %dma_wait3A_102 = tpu.memref_slice %arg2[%dma_wait3A_100, %dma_wait3A_101] : memref<10240x128xf32, #tpu.memory_space<hbm>> -> memref<10240x128xf32, #tpu.memory_space<hbm>>
      tpu.wait_indirect_dma semaphore(%arg11 : memref<!tpu.dma_semaphore, #tpu.memory_space<semaphore_mem>>) src(%dma_wait3A_102 : memref<10240x128xf32, #tpu.memory_space<hbm>>) dst(%arg8 : memref<128x128xf32, #tpu.memory_space<vmem>>)
      %run_scoped3A_103 = arith.constant 4 : i32
      "tpu.region"() ({
        %run_scoped3A_142 = tpu.sem_alloc : memref<!tpu.dma_semaphore, #tpu.memory_space<semaphore_mem>>
        %dma_start3A_143 = arith.constant 0 : i32
        %dma_start3A_144 = tpu.memref_slice %arg7[%run_scoped3A_103, %dma_start3A_143] : memref<8x128xi32, #tpu.memory_space<vmem>> -> memref<1x128xi32, #tpu.memory_space<vmem>>
        %dma_start3A_145 = tpu.memref_squeeze %dma_start3A_144 : memref<1x128xi32, #tpu.memory_space<vmem>> -> memref<128xi32, #tpu.memory_space<vmem>>
        %dma_start3A_146 = arith.constant 0 : i32
        %dma_start3A_147 = arith.constant 0 : i32
        %dma_start3A_148 = tpu.memref_slice %arg10[%dma_start3A_146, %dma_start3A_147] : memref<10240x128xf32, #tpu.memory_space<vmem_shared>> -> memref<10240x128xf32, #tpu.memory_space<vmem_shared>>
        tpu.enqueue_indirect_dma source(%arg8 : memref<128x128xf32, #tpu.memory_space<vmem>>) target(%dma_start3A_148 : memref<10240x128xf32, #tpu.memory_space<vmem_shared>>) offsets(%dma_start3A_145 : memref<128xi32, #tpu.memory_space<vmem>>) semaphore(%run_scoped3A_142 : memref<!tpu.dma_semaphore, #tpu.memory_space<semaphore_mem>>) {add = true}
        %dma_wait3A_149 = arith.constant 0 : i32
        %dma_wait3A_150 = tpu.memref_slice %arg7[%run_scoped3A_103, %dma_wait3A_149] : memref<8x128xi32, #tpu.memory_space<vmem>> -> memref<1x128xi32, #tpu.memory_space<vmem>>
        %dma_wait3A_151 = tpu.memref_squeeze %dma_wait3A_150 : memref<1x128xi32, #tpu.memory_space<vmem>> -> memref<128xi32, #tpu.memory_space<vmem>>
        %dma_wait3A_152 = arith.constant 0 : i32
        %dma_wait3A_153 = arith.constant 0 : i32
        %dma_wait3A_154 = tpu.memref_slice %arg10[%dma_wait3A_152, %dma_wait3A_153] : memref<10240x128xf32, #tpu.memory_space<vmem_shared>> -> memref<10240x128xf32, #tpu.memory_space<vmem_shared>>
        tpu.wait_indirect_dma semaphore(%run_scoped3A_142 : memref<!tpu.dma_semaphore, #tpu.memory_space<semaphore_mem>>) src(%arg8 : memref<128x128xf32, #tpu.memory_space<vmem>>) dst(%dma_wait3A_154 : memref<10240x128xf32, #tpu.memory_space<vmem_shared>>)
        tpu.yield
      }) : () -> ()
      %dma_start3A_104 = arith.constant 6 : i32
      %dma_start3A_105 = arith.constant 0 : i32
      %dma_start3A_106 = tpu.memref_slice %arg6[%dma_start3A_104, %dma_start3A_105] : memref<8x128xi32, #tpu.memory_space<vmem>> -> memref<1x128xi32, #tpu.memory_space<vmem>>
      %dma_start3A_107 = tpu.memref_squeeze %dma_start3A_106 : memref<1x128xi32, #tpu.memory_space<vmem>> -> memref<128xi32, #tpu.memory_space<vmem>>
      %dma_start3A_108 = arith.constant 0 : i32
      %dma_start3A_109 = arith.constant 0 : i32
      %dma_start3A_110 = tpu.memref_slice %arg2[%dma_start3A_108, %dma_start3A_109] : memref<10240x128xf32, #tpu.memory_space<hbm>> -> memref<10240x128xf32, #tpu.memory_space<hbm>>
      tpu.enqueue_indirect_dma source(%dma_start3A_110 : memref<10240x128xf32, #tpu.memory_space<hbm>>) target(%arg8 : memref<128x128xf32, #tpu.memory_space<vmem>>) offsets(%dma_start3A_107 : memref<128xi32, #tpu.memory_space<vmem>>) semaphore(%arg11 : memref<!tpu.dma_semaphore, #tpu.memory_space<semaphore_mem>>)
      %dma_wait3A_111 = arith.constant 5 : i32
      %dma_wait3A_112 = arith.constant 0 : i32
      %dma_wait3A_113 = tpu.memref_slice %arg6[%dma_wait3A_111, %dma_wait3A_112] : memref<8x128xi32, #tpu.memory_space<vmem>> -> memref<1x128xi32, #tpu.memory_space<vmem>>
      %dma_wait3A_114 = tpu.memref_squeeze %dma_wait3A_113 : memref<1x128xi32, #tpu.memory_space<vmem>> -> memref<128xi32, #tpu.memory_space<vmem>>
      %dma_wait3A_115 = arith.constant 0 : i32
      %dma_wait3A_116 = arith.constant 0 : i32
      %dma_wait3A_117 = tpu.memref_slice %arg2[%dma_wait3A_115, %dma_wait3A_116] : memref<10240x128xf32, #tpu.memory_space<hbm>> -> memref<10240x128xf32, #tpu.memory_space<hbm>>
      tpu.wait_indirect_dma semaphore(%arg12 : memref<!tpu.dma_semaphore, #tpu.memory_space<semaphore_mem>>) src(%dma_wait3A_117 : memref<10240x128xf32, #tpu.memory_space<hbm>>) dst(%arg9 : memref<128x128xf32, #tpu.memory_space<vmem>>)
      %run_scoped3A_118 = arith.constant 5 : i32
      "tpu.region"() ({
        %run_scoped3A_142 = tpu.sem_alloc : memref<!tpu.dma_semaphore, #tpu.memory_space<semaphore_mem>>
        %dma_start3A_143 = arith.constant 0 : i32
        %dma_start3A_144 = tpu.memref_slice %arg7[%run_scoped3A_118, %dma_start3A_143] : memref<8x128xi32, #tpu.memory_space<vmem>> -> memref<1x128xi32, #tpu.memory_space<vmem>>
        %dma_start3A_145 = tpu.memref_squeeze %dma_start3A_144 : memref<1x128xi32, #tpu.memory_space<vmem>> -> memref<128xi32, #tpu.memory_space<vmem>>
        %dma_start3A_146 = arith.constant 0 : i32
        %dma_start3A_147 = arith.constant 0 : i32
        %dma_start3A_148 = tpu.memref_slice %arg10[%dma_start3A_146, %dma_start3A_147] : memref<10240x128xf32, #tpu.memory_space<vmem_shared>> -> memref<10240x128xf32, #tpu.memory_space<vmem_shared>>
        tpu.enqueue_indirect_dma source(%arg9 : memref<128x128xf32, #tpu.memory_space<vmem>>) target(%dma_start3A_148 : memref<10240x128xf32, #tpu.memory_space<vmem_shared>>) offsets(%dma_start3A_145 : memref<128xi32, #tpu.memory_space<vmem>>) semaphore(%run_scoped3A_142 : memref<!tpu.dma_semaphore, #tpu.memory_space<semaphore_mem>>) {add = true}
        %dma_wait3A_149 = arith.constant 0 : i32
        %dma_wait3A_150 = tpu.memref_slice %arg7[%run_scoped3A_118, %dma_wait3A_149] : memref<8x128xi32, #tpu.memory_space<vmem>> -> memref<1x128xi32, #tpu.memory_space<vmem>>
        %dma_wait3A_151 = tpu.memref_squeeze %dma_wait3A_150 : memref<1x128xi32, #tpu.memory_space<vmem>> -> memref<128xi32, #tpu.memory_space<vmem>>
        %dma_wait3A_152 = arith.constant 0 : i32
        %dma_wait3A_153 = arith.constant 0 : i32
        %dma_wait3A_154 = tpu.memref_slice %arg10[%dma_wait3A_152, %dma_wait3A_153] : memref<10240x128xf32, #tpu.memory_space<vmem_shared>> -> memref<10240x128xf32, #tpu.memory_space<vmem_shared>>
        tpu.wait_indirect_dma semaphore(%run_scoped3A_142 : memref<!tpu.dma_semaphore, #tpu.memory_space<semaphore_mem>>) src(%arg9 : memref<128x128xf32, #tpu.memory_space<vmem>>) dst(%dma_wait3A_154 : memref<10240x128xf32, #tpu.memory_space<vmem_shared>>)
        tpu.yield
      }) : () -> ()
      %dma_start3A_119 = arith.constant 7 : i32
      %dma_start3A_120 = arith.constant 0 : i32
      %dma_start3A_121 = tpu.memref_slice %arg6[%dma_start3A_119, %dma_start3A_120] : memref<8x128xi32, #tpu.memory_space<vmem>> -> memref<1x128xi32, #tpu.memory_space<vmem>>
      %dma_start3A_122 = tpu.memref_squeeze %dma_start3A_121 : memref<1x128xi32, #tpu.memory_space<vmem>> -> memref<128xi32, #tpu.memory_space<vmem>>
      %dma_start3A_123 = arith.constant 0 : i32
      %dma_start3A_124 = arith.constant 0 : i32
      %dma_start3A_125 = tpu.memref_slice %arg2[%dma_start3A_123, %dma_start3A_124] : memref<10240x128xf32, #tpu.memory_space<hbm>> -> memref<10240x128xf32, #tpu.memory_space<hbm>>
      tpu.enqueue_indirect_dma source(%dma_start3A_125 : memref<10240x128xf32, #tpu.memory_space<hbm>>) target(%arg9 : memref<128x128xf32, #tpu.memory_space<vmem>>) offsets(%dma_start3A_122 : memref<128xi32, #tpu.memory_space<vmem>>) semaphore(%arg12 : memref<!tpu.dma_semaphore, #tpu.memory_space<semaphore_mem>>)
      %dma_wait3A_126 = arith.constant 6 : i32
      %dma_wait3A_127 = arith.constant 0 : i32
      %dma_wait3A_128 = tpu.memref_slice %arg6[%dma_wait3A_126, %dma_wait3A_127] : memref<8x128xi32, #tpu.memory_space<vmem>> -> memref<1x128xi32, #tpu.memory_space<vmem>>
      %dma_wait3A_129 = tpu.memref_squeeze %dma_wait3A_128 : memref<1x128xi32, #tpu.memory_space<vmem>> -> memref<128xi32, #tpu.memory_space<vmem>>
      %dma_wait3A_130 = arith.constant 0 : i32
      %dma_wait3A_131 = arith.constant 0 : i32
      %dma_wait3A_132 = tpu.memref_slice %arg2[%dma_wait3A_130, %dma_wait3A_131] : memref<10240x128xf32, #tpu.memory_space<hbm>> -> memref<10240x128xf32, #tpu.memory_space<hbm>>
      tpu.wait_indirect_dma semaphore(%arg11 : memref<!tpu.dma_semaphore, #tpu.memory_space<semaphore_mem>>) src(%dma_wait3A_132 : memref<10240x128xf32, #tpu.memory_space<hbm>>) dst(%arg8 : memref<128x128xf32, #tpu.memory_space<vmem>>)
      %run_scoped3A_133 = arith.constant 6 : i32
      "tpu.region"() ({
        %run_scoped3A_142 = tpu.sem_alloc : memref<!tpu.dma_semaphore, #tpu.memory_space<semaphore_mem>>
        %dma_start3A_143 = arith.constant 0 : i32
        %dma_start3A_144 = tpu.memref_slice %arg7[%run_scoped3A_133, %dma_start3A_143] : memref<8x128xi32, #tpu.memory_space<vmem>> -> memref<1x128xi32, #tpu.memory_space<vmem>>
        %dma_start3A_145 = tpu.memref_squeeze %dma_start3A_144 : memref<1x128xi32, #tpu.memory_space<vmem>> -> memref<128xi32, #tpu.memory_space<vmem>>
        %dma_start3A_146 = arith.constant 0 : i32
        %dma_start3A_147 = arith.constant 0 : i32
        %dma_start3A_148 = tpu.memref_slice %arg10[%dma_start3A_146, %dma_start3A_147] : memref<10240x128xf32, #tpu.memory_space<vmem_shared>> -> memref<10240x128xf32, #tpu.memory_space<vmem_shared>>
        tpu.enqueue_indirect_dma source(%arg8 : memref<128x128xf32, #tpu.memory_space<vmem>>) target(%dma_start3A_148 : memref<10240x128xf32, #tpu.memory_space<vmem_shared>>) offsets(%dma_start3A_145 : memref<128xi32, #tpu.memory_space<vmem>>) semaphore(%run_scoped3A_142 : memref<!tpu.dma_semaphore, #tpu.memory_space<semaphore_mem>>) {add = true}
        %dma_wait3A_149 = arith.constant 0 : i32
        %dma_wait3A_150 = tpu.memref_slice %arg7[%run_scoped3A_133, %dma_wait3A_149] : memref<8x128xi32, #tpu.memory_space<vmem>> -> memref<1x128xi32, #tpu.memory_space<vmem>>
        %dma_wait3A_151 = tpu.memref_squeeze %dma_wait3A_150 : memref<1x128xi32, #tpu.memory_space<vmem>> -> memref<128xi32, #tpu.memory_space<vmem>>
        %dma_wait3A_152 = arith.constant 0 : i32
        %dma_wait3A_153 = arith.constant 0 : i32
        %dma_wait3A_154 = tpu.memref_slice %arg10[%dma_wait3A_152, %dma_wait3A_153] : memref<10240x128xf32, #tpu.memory_space<vmem_shared>> -> memref<10240x128xf32, #tpu.memory_space<vmem_shared>>
        tpu.wait_indirect_dma semaphore(%run_scoped3A_142 : memref<!tpu.dma_semaphore, #tpu.memory_space<semaphore_mem>>) src(%arg8 : memref<128x128xf32, #tpu.memory_space<vmem>>) dst(%dma_wait3A_154 : memref<10240x128xf32, #tpu.memory_space<vmem_shared>>)
        tpu.yield
      }) : () -> ()
      %dma_wait3A_134 = arith.constant 7 : i32
      %dma_wait3A_135 = arith.constant 0 : i32
      %dma_wait3A_136 = tpu.memref_slice %arg6[%dma_wait3A_134, %dma_wait3A_135] : memref<8x128xi32, #tpu.memory_space<vmem>> -> memref<1x128xi32, #tpu.memory_space<vmem>>
      %dma_wait3A_137 = tpu.memref_squeeze %dma_wait3A_136 : memref<1x128xi32, #tpu.memory_space<vmem>> -> memref<128xi32, #tpu.memory_space<vmem>>
      %dma_wait3A_138 = arith.constant 0 : i32
      %dma_wait3A_139 = arith.constant 0 : i32
      %dma_wait3A_140 = tpu.memref_slice %arg2[%dma_wait3A_138, %dma_wait3A_139] : memref<10240x128xf32, #tpu.memory_space<hbm>> -> memref<10240x128xf32, #tpu.memory_space<hbm>>
      tpu.wait_indirect_dma semaphore(%arg12 : memref<!tpu.dma_semaphore, #tpu.memory_space<semaphore_mem>>) src(%dma_wait3A_140 : memref<10240x128xf32, #tpu.memory_space<hbm>>) dst(%arg9 : memref<128x128xf32, #tpu.memory_space<vmem>>)
      %run_scoped3A_141 = arith.constant 7 : i32
      "tpu.region"() ({
        %run_scoped3A_142 = tpu.sem_alloc : memref<!tpu.dma_semaphore, #tpu.memory_space<semaphore_mem>>
        %dma_start3A_143 = arith.constant 0 : i32
        %dma_start3A_144 = tpu.memref_slice %arg7[%run_scoped3A_141, %dma_start3A_143] : memref<8x128xi32, #tpu.memory_space<vmem>> -> memref<1x128xi32, #tpu.memory_space<vmem>>
        %dma_start3A_145 = tpu.memref_squeeze %dma_start3A_144 : memref<1x128xi32, #tpu.memory_space<vmem>> -> memref<128xi32, #tpu.memory_space<vmem>>
        %dma_start3A_146 = arith.constant 0 : i32
        %dma_start3A_147 = arith.constant 0 : i32
        %dma_start3A_148 = tpu.memref_slice %arg10[%dma_start3A_146, %dma_start3A_147] : memref<10240x128xf32, #tpu.memory_space<vmem_shared>> -> memref<10240x128xf32, #tpu.memory_space<vmem_shared>>
        tpu.enqueue_indirect_dma source(%arg9 : memref<128x128xf32, #tpu.memory_space<vmem>>) target(%dma_start3A_148 : memref<10240x128xf32, #tpu.memory_space<vmem_shared>>) offsets(%dma_start3A_145 : memref<128xi32, #tpu.memory_space<vmem>>) semaphore(%run_scoped3A_142 : memref<!tpu.dma_semaphore, #tpu.memory_space<semaphore_mem>>) {add = true}
        %dma_wait3A_149 = arith.constant 0 : i32
        %dma_wait3A_150 = tpu.memref_slice %arg7[%run_scoped3A_141, %dma_wait3A_149] : memref<8x128xi32, #tpu.memory_space<vmem>> -> memref<1x128xi32, #tpu.memory_space<vmem>>
        %dma_wait3A_151 = tpu.memref_squeeze %dma_wait3A_150 : memref<1x128xi32, #tpu.memory_space<vmem>> -> memref<128xi32, #tpu.memory_space<vmem>>
        %dma_wait3A_152 = arith.constant 0 : i32
        %dma_wait3A_153 = arith.constant 0 : i32
        %dma_wait3A_154 = tpu.memref_slice %arg10[%dma_wait3A_152, %dma_wait3A_153] : memref<10240x128xf32, #tpu.memory_space<vmem_shared>> -> memref<10240x128xf32, #tpu.memory_space<vmem_shared>>
        tpu.wait_indirect_dma semaphore(%run_scoped3A_142 : memref<!tpu.dma_semaphore, #tpu.memory_space<semaphore_mem>>) src(%arg9 : memref<128x128xf32, #tpu.memory_space<vmem>>) dst(%dma_wait3A_154 : memref<10240x128xf32, #tpu.memory_space<vmem_shared>>)
        tpu.yield
      }) : () -> ()
    }
    %scan3A_14 = arith.constant 10 : i32
    %barrier3A_15 = arith.constant 0 : index
    tpu.barrier barrier_id(%barrier3A_15)
    %mul3A_16 = arith.constant 640 : i32
    %mul3A_17 = arith.muli %arg1, %mul3A_16 : i32
    %mul3A_18 = arith.constant 640 : i32
    %mul3A_19 = arith.muli %arg1, %mul3A_18 : i32
    "tpu.region"() ({
      %run_scoped3A = tpu.sem_alloc : memref<!tpu.dma_semaphore, #tpu.memory_space<semaphore_mem>>
      %dma_start3A = arith.constant 0 : i32
      %dma_start3A_20 = arith.constant 0 : i32
      %dma_start3A_21 = tpu.memref_slice %arg5[%arg0, %dma_start3A, %dma_start3A_20] : memref<2x10240x128xf32, #tpu.memory_space<hbm>> -> memref<1x10240x128xf32, #tpu.memory_space<hbm>>
      %dma_start3A_22 = tpu.memref_squeeze %dma_start3A_21 : memref<1x10240x128xf32, #tpu.memory_space<hbm>> -> memref<10240x128xf32, #tpu.memory_space<hbm>>
      %dma_start3A_23 = arith.constant 0 : i32
      %dma_start3A_24 = tpu.memref_slice %dma_start3A_22[%mul3A_19, %dma_start3A_23] : memref<10240x128xf32, #tpu.memory_space<hbm>> -> memref<640x128xf32, #tpu.memory_space<hbm>>
      %dma_start3A_25 = arith.constant 0 : i32
      %dma_start3A_26 = tpu.memref_slice %arg10[%mul3A_17, %dma_start3A_25] : memref<10240x128xf32, #tpu.memory_space<vmem_shared>> -> memref<640x128xf32, #tpu.memory_space<vmem_shared>>
      tpu.enqueue_dma source(%dma_start3A_26 : memref<640x128xf32, #tpu.memory_space<vmem_shared>>) target(%dma_start3A_24 : memref<640x128xf32, #tpu.memory_space<hbm>>) target_semaphore(%run_scoped3A : memref<!tpu.dma_semaphore, #tpu.memory_space<semaphore_mem>>)
      %dma_wait3A = arith.constant 0 : i32
      %dma_wait3A_27 = arith.constant 0 : i32
      %dma_wait3A_28 = tpu.memref_slice %arg5[%arg0, %dma_wait3A, %dma_wait3A_27] : memref<2x10240x128xf32, #tpu.memory_space<hbm>> -> memref<1x10240x128xf32, #tpu.memory_space<hbm>>
      %dma_wait3A_29 = tpu.memref_squeeze %dma_wait3A_28 : memref<1x10240x128xf32, #tpu.memory_space<hbm>> -> memref<10240x128xf32, #tpu.memory_space<hbm>>
      %dma_wait3A_30 = arith.constant 0 : i32
      %dma_wait3A_31 = tpu.memref_slice %dma_wait3A_29[%mul3A_19, %dma_wait3A_30] : memref<10240x128xf32, #tpu.memory_space<hbm>> -> memref<640x128xf32, #tpu.memory_space<hbm>>
      %dma_wait3A_32 = arith.constant 0 : i32
      %dma_wait3A_33 = tpu.memref_slice %arg10[%mul3A_17, %dma_wait3A_32] : memref<10240x128xf32, #tpu.memory_space<vmem_shared>> -> memref<640x128xf32, #tpu.memory_space<vmem_shared>>
      tpu.wait_dma2 semaphore(%run_scoped3A : memref<!tpu.dma_semaphore, #tpu.memory_space<semaphore_mem>>) src(%dma_wait3A_33 : memref<640x128xf32, #tpu.memory_space<vmem_shared>>) dst(%dma_wait3A_31 : memref<640x128xf32, #tpu.memory_space<hbm>>)
      tpu.yield
    }) : () -> ()
    return
  }
}

#map = affine_map<(d0, d1) -> (0, 0)>
#map1 = affine_map<(d0, d1) -> (0, 0, 0)>
module attributes {stable_mosaic.version = 14 : i64} {
  func.func @_agg_body(%arg0: i32, %arg1: i32, %arg2: memref<10240x128xf32, #tpu.memory_space<hbm>>, %arg3: memref<32x80x128xi32, #tpu.memory_space<hbm>>, %arg4: memref<32x80x128xi32, #tpu.memory_space<hbm>>, %arg5: memref<2x10240x128xf32, #tpu.memory_space<hbm>>, %arg6: memref<8x128xi32, #tpu.memory_space<vmem>>, %arg7: memref<8x128xi32, #tpu.memory_space<vmem>>, %arg8: memref<128x128xf32, #tpu.memory_space<vmem>>, %arg9: memref<128x128xf32, #tpu.memory_space<vmem>>, %arg10: memref<10240x128xf32, #tpu.memory_space<vmem_shared>>, %arg11: memref<!tpu.dma_semaphore, #tpu.memory_space<semaphore_mem>>, %arg12: memref<!tpu.dma_semaphore, #tpu.memory_space<semaphore_mem>>) attributes {dimension_semantics = [#tpu.dimension_semantics<core_parallel>, #tpu.dimension_semantics<subcore_parallel>], iteration_bounds = array<i64: 2, 16>, scalar_prefetch = 0 : i64, scratch_operands = 7 : i64, tpu.core_type = #tpu.core_type<sc_vector_subcore>, window_params = [{transform_indices = #map}, {transform_indices = #map1}, {transform_indices = #map1}, {transform_indices = #map1}]} {
    %mul3A = arith.constant 16 : i32
    %mul3A_0 = arith.muli %arg0, %mul3A : i32
    %add3A = arith.addi %mul3A_0, %arg1 : i32
    %scan3A = arith.constant 0 : i32
    %scan3A_1 = arith.constant 128 : i32
    %scan3A_2 = arith.addi %scan3A, %scan3A_1 : i32
    %scan3A_3 = arith.constant 1 : i32
    scf.for %scan3A_20 = %scan3A to %scan3A_2 step %scan3A_3  : i32 {
      %mul3A_21 = arith.constant 1 : i32
      %mul3A_22 = arith.muli %scan3A_20, %mul3A_21 : i32
      %add3A_23 = arith.constant 0 : i32
      %add3A_24 = arith.addi %add3A_23, %mul3A_22 : i32
      %scan3A_25 = arith.constant 0 : i32
      %scan3A_26 = arith.constant 8 : i32
      %scan3A_27 = arith.addi %scan3A_25, %scan3A_26 : i32
      %scan3A_28 = arith.constant 1 : i32
      scf.for %scan3A_30 = %scan3A_25 to %scan3A_27 step %scan3A_28  : i32 {
        %mul3A_31 = arith.constant 16 : i32
        %mul3A_32 = arith.muli %scan3A_30, %mul3A_31 : i32
        %add3A_33 = arith.constant 0 : i32
        %add3A_34 = arith.addi %add3A_33, %mul3A_32 : i32
        %broadcast_in_dim3A = arith.constant 0.000000e+00 : f32
        %broadcast_in_dim3A_35 = vector.broadcast %broadcast_in_dim3A : f32 to vector<16xf32>
        %swap3A = arith.index_cast %add3A_24 : i32 to index
        %swap3A_36 = arith.index_cast %add3A_34 : i32 to index
        %swap3A_37 = tpu.vector_load %arg8[%swap3A, %swap3A_36] {strides = array<i32>} : memref<128x128xf32, #tpu.memory_space<vmem>>, vector<1x16xf32>,
        %swap3A_38 = vector.shape_cast %swap3A_37 : vector<1x16xf32> to vector<16xf32>
        %swap3A_39 = vector.shape_cast %broadcast_in_dim3A_35 : vector<16xf32> to vector<1x16xf32>
        tpu.vector_store %arg8[%swap3A, %swap3A_36], %swap3A_39 {strides = array<i32>} : memref<128x128xf32, #tpu.memory_space<vmem>>, vector<1x16xf32>,
      }
      %scan3A_29 = arith.constant 8 : i32
    }
    %scan3A_4 = arith.constant 128 : i32
    %scan3A_5 = arith.constant 0 : i32
    %scan3A_6 = arith.constant 5 : i32
    %scan3A_7 = arith.addi %scan3A_5, %scan3A_6 : i32
    %scan3A_8 = arith.constant 1 : i32
    scf.for %scan3A_20 = %scan3A_5 to %scan3A_7 step %scan3A_8  : i32 {
      %mul3A_21 = arith.constant 128 : i32
      %mul3A_22 = arith.muli %scan3A_20, %mul3A_21 : i32
      %add3A_23 = arith.constant 0 : i32
      %add3A_24 = arith.addi %add3A_23, %mul3A_22 : i32
      %mul3A_25 = arith.constant 640 : i32
      %mul3A_26 = arith.muli %arg1, %mul3A_25 : i32
      %add3A_27 = arith.addi %mul3A_26, %add3A_24 : i32
      "tpu.region"() ({
        %run_scoped3A = tpu.sem_alloc : memref<!tpu.dma_semaphore, #tpu.memory_space<semaphore_mem>>
        %dma_start3A = arith.constant 0 : i32
        %dma_start3A_28 = tpu.memref_slice %arg10[%add3A_27, %dma_start3A] : memref<10240x128xf32, #tpu.memory_space<vmem_shared>> -> memref<128x128xf32, #tpu.memory_space<vmem_shared>>
        %dma_start3A_29 = arith.constant 0 : i32
        %dma_start3A_30 = tpu.memref_slice %arg10[%add3A_27, %dma_start3A_29] : memref<10240x128xf32, #tpu.memory_space<vmem_shared>> -> memref<128x128xf32, #tpu.memory_space<vmem_shared>>
        tpu.enqueue_dma source(%arg8 : memref<128x128xf32, #tpu.memory_space<vmem>>) target(%dma_start3A_30 : memref<128x128xf32, #tpu.memory_space<vmem_shared>>) target_semaphore(%run_scoped3A : memref<!tpu.dma_semaphore, #tpu.memory_space<semaphore_mem>>)
        %dma_wait3A = arith.constant 0 : i32
        %dma_wait3A_31 = tpu.memref_slice %arg10[%add3A_27, %dma_wait3A] : memref<10240x128xf32, #tpu.memory_space<vmem_shared>> -> memref<128x128xf32, #tpu.memory_space<vmem_shared>>
        %dma_wait3A_32 = arith.constant 0 : i32
        %dma_wait3A_33 = tpu.memref_slice %arg10[%add3A_27, %dma_wait3A_32] : memref<10240x128xf32, #tpu.memory_space<vmem_shared>> -> memref<128x128xf32, #tpu.memory_space<vmem_shared>>
        tpu.wait_dma2 semaphore(%run_scoped3A : memref<!tpu.dma_semaphore, #tpu.memory_space<semaphore_mem>>) src(%arg8 : memref<128x128xf32, #tpu.memory_space<vmem>>) dst(%dma_wait3A_33 : memref<128x128xf32, #tpu.memory_space<vmem_shared>>)
        tpu.yield
      }) : () -> ()
    }
    %scan3A_9 = arith.constant 5 : i32
    %barrier3A = arith.constant 0 : index
    tpu.barrier barrier_id(%barrier3A)
    %scan3A_10 = arith.constant 0 : i32
    %scan3A_11 = arith.constant 10 : i32
    %scan3A_12 = arith.addi %scan3A_10, %scan3A_11 : i32
    %scan3A_13 = arith.constant 1 : i32
    scf.for %scan3A_20 = %scan3A_10 to %scan3A_12 step %scan3A_13  : i32 {
      %mul3A_21 = arith.constant 8 : i32
      %mul3A_22 = arith.muli %scan3A_20, %mul3A_21 : i32
      %add3A_23 = arith.constant 0 : i32
      %add3A_24 = arith.addi %add3A_23, %mul3A_22 : i32
      "tpu.region"() ({
        %run_scoped3A_142 = tpu.sem_alloc : memref<!tpu.dma_semaphore, #tpu.memory_space<semaphore_mem>>
        %dma_start3A_143 = arith.constant 0 : i32
        %dma_start3A_144 = arith.constant 0 : i32
        %dma_start3A_145 = tpu.memref_slice %arg3[%add3A, %dma_start3A_143, %dma_start3A_144] : memref<32x80x128xi32, #tpu.memory_space<hbm>> -> memref<1x80x128xi32, #tpu.memory_space<hbm>>
        %dma_start3A_146 = tpu.memref_squeeze %dma_start3A_145 : memref<1x80x128xi32, #tpu.memory_space<hbm>> -> memref<80x128xi32, #tpu.memory_space<hbm>>
        %dma_start3A_147 = arith.constant 0 : i32
        %dma_start3A_148 = tpu.memref_slice %dma_start3A_146[%add3A_24, %dma_start3A_147] : memref<80x128xi32, #tpu.memory_space<hbm>> -> memref<8x128xi32, #tpu.memory_space<hbm>>
        %dma_start3A_149 = arith.constant 0 : i32
        %dma_start3A_150 = arith.constant 0 : i32
        %dma_start3A_151 = tpu.memref_slice %arg3[%add3A, %dma_start3A_149, %dma_start3A_150] : memref<32x80x128xi32, #tpu.memory_space<hbm>> -> memref<1x80x128xi32, #tpu.memory_space<hbm>>
        %dma_start3A_152 = tpu.memref_squeeze %dma_start3A_151 : memref<1x80x128xi32, #tpu.memory_space<hbm>> -> memref<80x128xi32, #tpu.memory_space<hbm>>
        %dma_start3A_153 = arith.constant 0 : i32
        %dma_start3A_154 = tpu.memref_slice %dma_start3A_152[%add3A_24, %dma_start3A_153] : memref<80x128xi32, #tpu.memory_space<hbm>> -> memref<8x128xi32, #tpu.memory_space<hbm>>
        tpu.enqueue_dma source(%dma_start3A_154 : memref<8x128xi32, #tpu.memory_space<hbm>>) target(%arg6 : memref<8x128xi32, #tpu.memory_space<vmem>>) target_semaphore(%run_scoped3A_142 : memref<!tpu.dma_semaphore, #tpu.memory_space<semaphore_mem>>)
        %dma_wait3A_155 = arith.constant 0 : i32
        %dma_wait3A_156 = arith.constant 0 : i32
        %dma_wait3A_157 = tpu.memref_slice %arg3[%add3A, %dma_wait3A_155, %dma_wait3A_156] : memref<32x80x128xi32, #tpu.memory_space<hbm>> -> memref<1x80x128xi32, #tpu.memory_space<hbm>>
        %dma_wait3A_158 = tpu.memref_squeeze %dma_wait3A_157 : memref<1x80x128xi32, #tpu.memory_space<hbm>> -> memref<80x128xi32, #tpu.memory_space<hbm>>
        %dma_wait3A_159 = arith.constant 0 : i32
        %dma_wait3A_160 = tpu.memref_slice %dma_wait3A_158[%add3A_24, %dma_wait3A_159] : memref<80x128xi32, #tpu.memory_space<hbm>> -> memref<8x128xi32, #tpu.memory_space<hbm>>
        %dma_wait3A_161 = arith.constant 0 : i32
        %dma_wait3A_162 = arith.constant 0 : i32
        %dma_wait3A_163 = tpu.memref_slice %arg3[%add3A, %dma_wait3A_161, %dma_wait3A_162] : memref<32x80x128xi32, #tpu.memory_space<hbm>> -> memref<1x80x128xi32, #tpu.memory_space<hbm>>
        %dma_wait3A_164 = tpu.memref_squeeze %dma_wait3A_163 : memref<1x80x128xi32, #tpu.memory_space<hbm>> -> memref<80x128xi32, #tpu.memory_space<hbm>>
        %dma_wait3A_165 = arith.constant 0 : i32
        %dma_wait3A_166 = tpu.memref_slice %dma_wait3A_164[%add3A_24, %dma_wait3A_165] : memref<80x128xi32, #tpu.memory_space<hbm>> -> memref<8x128xi32, #tpu.memory_space<hbm>>
        tpu.wait_dma2 semaphore(%run_scoped3A_142 : memref<!tpu.dma_semaphore, #tpu.memory_space<semaphore_mem>>) src(%dma_wait3A_166 : memref<8x128xi32, #tpu.memory_space<hbm>>) dst(%arg6 : memref<8x128xi32, #tpu.memory_space<vmem>>)
        tpu.yield
      }) : () -> ()
      "tpu.region"() ({
        %run_scoped3A_142 = tpu.sem_alloc : memref<!tpu.dma_semaphore, #tpu.memory_space<semaphore_mem>>
        %dma_start3A_143 = arith.constant 0 : i32
        %dma_start3A_144 = arith.constant 0 : i32
        %dma_start3A_145 = tpu.memref_slice %arg4[%add3A, %dma_start3A_143, %dma_start3A_144] : memref<32x80x128xi32, #tpu.memory_space<hbm>> -> memref<1x80x128xi32, #tpu.memory_space<hbm>>
        %dma_start3A_146 = tpu.memref_squeeze %dma_start3A_145 : memref<1x80x128xi32, #tpu.memory_space<hbm>> -> memref<80x128xi32, #tpu.memory_space<hbm>>
        %dma_start3A_147 = arith.constant 0 : i32
        %dma_start3A_148 = tpu.memref_slice %dma_start3A_146[%add3A_24, %dma_start3A_147] : memref<80x128xi32, #tpu.memory_space<hbm>> -> memref<8x128xi32, #tpu.memory_space<hbm>>
        %dma_start3A_149 = arith.constant 0 : i32
        %dma_start3A_150 = arith.constant 0 : i32
        %dma_start3A_151 = tpu.memref_slice %arg4[%add3A, %dma_start3A_149, %dma_start3A_150] : memref<32x80x128xi32, #tpu.memory_space<hbm>> -> memref<1x80x128xi32, #tpu.memory_space<hbm>>
        %dma_start3A_152 = tpu.memref_squeeze %dma_start3A_151 : memref<1x80x128xi32, #tpu.memory_space<hbm>> -> memref<80x128xi32, #tpu.memory_space<hbm>>
        %dma_start3A_153 = arith.constant 0 : i32
        %dma_start3A_154 = tpu.memref_slice %dma_start3A_152[%add3A_24, %dma_start3A_153] : memref<80x128xi32, #tpu.memory_space<hbm>> -> memref<8x128xi32, #tpu.memory_space<hbm>>
        tpu.enqueue_dma source(%dma_start3A_154 : memref<8x128xi32, #tpu.memory_space<hbm>>) target(%arg7 : memref<8x128xi32, #tpu.memory_space<vmem>>) target_semaphore(%run_scoped3A_142 : memref<!tpu.dma_semaphore, #tpu.memory_space<semaphore_mem>>)
        %dma_wait3A_155 = arith.constant 0 : i32
        %dma_wait3A_156 = arith.constant 0 : i32
        %dma_wait3A_157 = tpu.memref_slice %arg4[%add3A, %dma_wait3A_155, %dma_wait3A_156] : memref<32x80x128xi32, #tpu.memory_space<hbm>> -> memref<1x80x128xi32, #tpu.memory_space<hbm>>
        %dma_wait3A_158 = tpu.memref_squeeze %dma_wait3A_157 : memref<1x80x128xi32, #tpu.memory_space<hbm>> -> memref<80x128xi32, #tpu.memory_space<hbm>>
        %dma_wait3A_159 = arith.constant 0 : i32
        %dma_wait3A_160 = tpu.memref_slice %dma_wait3A_158[%add3A_24, %dma_wait3A_159] : memref<80x128xi32, #tpu.memory_space<hbm>> -> memref<8x128xi32, #tpu.memory_space<hbm>>
        %dma_wait3A_161 = arith.constant 0 : i32
        %dma_wait3A_162 = arith.constant 0 : i32
        %dma_wait3A_163 = tpu.memref_slice %arg4[%add3A, %dma_wait3A_161, %dma_wait3A_162] : memref<32x80x128xi32, #tpu.memory_space<hbm>> -> memref<1x80x128xi32, #tpu.memory_space<hbm>>
        %dma_wait3A_164 = tpu.memref_squeeze %dma_wait3A_163 : memref<1x80x128xi32, #tpu.memory_space<hbm>> -> memref<80x128xi32, #tpu.memory_space<hbm>>
        %dma_wait3A_165 = arith.constant 0 : i32
        %dma_wait3A_166 = tpu.memref_slice %dma_wait3A_164[%add3A_24, %dma_wait3A_165] : memref<80x128xi32, #tpu.memory_space<hbm>> -> memref<8x128xi32, #tpu.memory_space<hbm>>
        tpu.wait_dma2 semaphore(%run_scoped3A_142 : memref<!tpu.dma_semaphore, #tpu.memory_space<semaphore_mem>>) src(%dma_wait3A_166 : memref<8x128xi32, #tpu.memory_space<hbm>>) dst(%arg7 : memref<8x128xi32, #tpu.memory_space<vmem>>)
        tpu.yield
      }) : () -> ()
      %dma_start3A = arith.constant 0 : i32
      %dma_start3A_25 = arith.constant 0 : i32
      %dma_start3A_26 = tpu.memref_slice %arg6[%dma_start3A, %dma_start3A_25] : memref<8x128xi32, #tpu.memory_space<vmem>> -> memref<1x128xi32, #tpu.memory_space<vmem>>
      %dma_start3A_27 = tpu.memref_squeeze %dma_start3A_26 : memref<1x128xi32, #tpu.memory_space<vmem>> -> memref<128xi32, #tpu.memory_space<vmem>>
      %dma_start3A_28 = arith.constant 0 : i32
      %dma_start3A_29 = arith.constant 0 : i32
      %dma_start3A_30 = tpu.memref_slice %arg2[%dma_start3A_28, %dma_start3A_29] : memref<10240x128xf32, #tpu.memory_space<hbm>> -> memref<10240x128xf32, #tpu.memory_space<hbm>>
      tpu.enqueue_indirect_dma source(%dma_start3A_30 : memref<10240x128xf32, #tpu.memory_space<hbm>>) target(%arg8 : memref<128x128xf32, #tpu.memory_space<vmem>>) offsets(%dma_start3A_27 : memref<128xi32, #tpu.memory_space<vmem>>) semaphore(%arg11 : memref<!tpu.dma_semaphore, #tpu.memory_space<semaphore_mem>>)
      %dma_start3A_31 = arith.constant 1 : i32
      %dma_start3A_32 = arith.constant 0 : i32
      %dma_start3A_33 = tpu.memref_slice %arg6[%dma_start3A_31, %dma_start3A_32] : memref<8x128xi32, #tpu.memory_space<vmem>> -> memref<1x128xi32, #tpu.memory_space<vmem>>
      %dma_start3A_34 = tpu.memref_squeeze %dma_start3A_33 : memref<1x128xi32, #tpu.memory_space<vmem>> -> memref<128xi32, #tpu.memory_space<vmem>>
      %dma_start3A_35 = arith.constant 0 : i32
      %dma_start3A_36 = arith.constant 0 : i32
      %dma_start3A_37 = tpu.memref_slice %arg2[%dma_start3A_35, %dma_start3A_36] : memref<10240x128xf32, #tpu.memory_space<hbm>> -> memref<10240x128xf32, #tpu.memory_space<hbm>>
      tpu.enqueue_indirect_dma source(%dma_start3A_37 : memref<10240x128xf32, #tpu.memory_space<hbm>>) target(%arg9 : memref<128x128xf32, #tpu.memory_space<vmem>>) offsets(%dma_start3A_34 : memref<128xi32, #tpu.memory_space<vmem>>) semaphore(%arg12 : memref<!tpu.dma_semaphore, #tpu.memory_space<semaphore_mem>>)
      %dma_wait3A = arith.constant 0 : i32
      %dma_wait3A_38 = arith.constant 0 : i32
      %dma_wait3A_39 = tpu.memref_slice %arg6[%dma_wait3A, %dma_wait3A_38] : memref<8x128xi32, #tpu.memory_space<vmem>> -> memref<1x128xi32, #tpu.memory_space<vmem>>
      %dma_wait3A_40 = tpu.memref_squeeze %dma_wait3A_39 : memref<1x128xi32, #tpu.memory_space<vmem>> -> memref<128xi32, #tpu.memory_space<vmem>>
      %dma_wait3A_41 = arith.constant 0 : i32
      %dma_wait3A_42 = arith.constant 0 : i32
      %dma_wait3A_43 = tpu.memref_slice %arg2[%dma_wait3A_41, %dma_wait3A_42] : memref<10240x128xf32, #tpu.memory_space<hbm>> -> memref<10240x128xf32, #tpu.memory_space<hbm>>
      tpu.wait_indirect_dma semaphore(%arg11 : memref<!tpu.dma_semaphore, #tpu.memory_space<semaphore_mem>>) src(%dma_wait3A_43 : memref<10240x128xf32, #tpu.memory_space<hbm>>) dst(%arg8 : memref<128x128xf32, #tpu.memory_space<vmem>>)
      %run_scoped3A = arith.constant 0 : i32
      "tpu.region"() ({
        %run_scoped3A_142 = tpu.sem_alloc : memref<!tpu.dma_semaphore, #tpu.memory_space<semaphore_mem>>
        %dma_start3A_143 = arith.constant 0 : i32
        %dma_start3A_144 = tpu.memref_slice %arg7[%run_scoped3A, %dma_start3A_143] : memref<8x128xi32, #tpu.memory_space<vmem>> -> memref<1x128xi32, #tpu.memory_space<vmem>>
        %dma_start3A_145 = tpu.memref_squeeze %dma_start3A_144 : memref<1x128xi32, #tpu.memory_space<vmem>> -> memref<128xi32, #tpu.memory_space<vmem>>
        %dma_start3A_146 = arith.constant 0 : i32
        %dma_start3A_147 = arith.constant 0 : i32
        %dma_start3A_148 = tpu.memref_slice %arg10[%dma_start3A_146, %dma_start3A_147] : memref<10240x128xf32, #tpu.memory_space<vmem_shared>> -> memref<10240x128xf32, #tpu.memory_space<vmem_shared>>
        tpu.enqueue_indirect_dma source(%arg8 : memref<128x128xf32, #tpu.memory_space<vmem>>) target(%dma_start3A_148 : memref<10240x128xf32, #tpu.memory_space<vmem_shared>>) offsets(%dma_start3A_145 : memref<128xi32, #tpu.memory_space<vmem>>) semaphore(%run_scoped3A_142 : memref<!tpu.dma_semaphore, #tpu.memory_space<semaphore_mem>>) {add = true}
        %dma_wait3A_149 = arith.constant 0 : i32
        %dma_wait3A_150 = tpu.memref_slice %arg7[%run_scoped3A, %dma_wait3A_149] : memref<8x128xi32, #tpu.memory_space<vmem>> -> memref<1x128xi32, #tpu.memory_space<vmem>>
        %dma_wait3A_151 = tpu.memref_squeeze %dma_wait3A_150 : memref<1x128xi32, #tpu.memory_space<vmem>> -> memref<128xi32, #tpu.memory_space<vmem>>
        %dma_wait3A_152 = arith.constant 0 : i32
        %dma_wait3A_153 = arith.constant 0 : i32
        %dma_wait3A_154 = tpu.memref_slice %arg10[%dma_wait3A_152, %dma_wait3A_153] : memref<10240x128xf32, #tpu.memory_space<vmem_shared>> -> memref<10240x128xf32, #tpu.memory_space<vmem_shared>>
        tpu.wait_indirect_dma semaphore(%run_scoped3A_142 : memref<!tpu.dma_semaphore, #tpu.memory_space<semaphore_mem>>) src(%arg8 : memref<128x128xf32, #tpu.memory_space<vmem>>) dst(%dma_wait3A_154 : memref<10240x128xf32, #tpu.memory_space<vmem_shared>>)
        tpu.yield
      }) : () -> ()
      %dma_start3A_44 = arith.constant 2 : i32
      %dma_start3A_45 = arith.constant 0 : i32
      %dma_start3A_46 = tpu.memref_slice %arg6[%dma_start3A_44, %dma_start3A_45] : memref<8x128xi32, #tpu.memory_space<vmem>> -> memref<1x128xi32, #tpu.memory_space<vmem>>
      %dma_start3A_47 = tpu.memref_squeeze %dma_start3A_46 : memref<1x128xi32, #tpu.memory_space<vmem>> -> memref<128xi32, #tpu.memory_space<vmem>>
      %dma_start3A_48 = arith.constant 0 : i32
      %dma_start3A_49 = arith.constant 0 : i32
      %dma_start3A_50 = tpu.memref_slice %arg2[%dma_start3A_48, %dma_start3A_49] : memref<10240x128xf32, #tpu.memory_space<hbm>> -> memref<10240x128xf32, #tpu.memory_space<hbm>>
      tpu.enqueue_indirect_dma source(%dma_start3A_50 : memref<10240x128xf32, #tpu.memory_space<hbm>>) target(%arg8 : memref<128x128xf32, #tpu.memory_space<vmem>>) offsets(%dma_start3A_47 : memref<128xi32, #tpu.memory_space<vmem>>) semaphore(%arg11 : memref<!tpu.dma_semaphore, #tpu.memory_space<semaphore_mem>>)
      %dma_wait3A_51 = arith.constant 1 : i32
      %dma_wait3A_52 = arith.constant 0 : i32
      %dma_wait3A_53 = tpu.memref_slice %arg6[%dma_wait3A_51, %dma_wait3A_52] : memref<8x128xi32, #tpu.memory_space<vmem>> -> memref<1x128xi32, #tpu.memory_space<vmem>>
      %dma_wait3A_54 = tpu.memref_squeeze %dma_wait3A_53 : memref<1x128xi32, #tpu.memory_space<vmem>> -> memref<128xi32, #tpu.memory_space<vmem>>
      %dma_wait3A_55 = arith.constant 0 : i32
      %dma_wait3A_56 = arith.constant 0 : i32
      %dma_wait3A_57 = tpu.memref_slice %arg2[%dma_wait3A_55, %dma_wait3A_56] : memref<10240x128xf32, #tpu.memory_space<hbm>> -> memref<10240x128xf32, #tpu.memory_space<hbm>>
      tpu.wait_indirect_dma semaphore(%arg12 : memref<!tpu.dma_semaphore, #tpu.memory_space<semaphore_mem>>) src(%dma_wait3A_57 : memref<10240x128xf32, #tpu.memory_space<hbm>>) dst(%arg9 : memref<128x128xf32, #tpu.memory_space<vmem>>)
      %run_scoped3A_58 = arith.constant 1 : i32
      "tpu.region"() ({
        %run_scoped3A_142 = tpu.sem_alloc : memref<!tpu.dma_semaphore, #tpu.memory_space<semaphore_mem>>
        %dma_start3A_143 = arith.constant 0 : i32
        %dma_start3A_144 = tpu.memref_slice %arg7[%run_scoped3A_58, %dma_start3A_143] : memref<8x128xi32, #tpu.memory_space<vmem>> -> memref<1x128xi32, #tpu.memory_space<vmem>>
        %dma_start3A_145 = tpu.memref_squeeze %dma_start3A_144 : memref<1x128xi32, #tpu.memory_space<vmem>> -> memref<128xi32, #tpu.memory_space<vmem>>
        %dma_start3A_146 = arith.constant 0 : i32
        %dma_start3A_147 = arith.constant 0 : i32
        %dma_start3A_148 = tpu.memref_slice %arg10[%dma_start3A_146, %dma_start3A_147] : memref<10240x128xf32, #tpu.memory_space<vmem_shared>> -> memref<10240x128xf32, #tpu.memory_space<vmem_shared>>
        tpu.enqueue_indirect_dma source(%arg9 : memref<128x128xf32, #tpu.memory_space<vmem>>) target(%dma_start3A_148 : memref<10240x128xf32, #tpu.memory_space<vmem_shared>>) offsets(%dma_start3A_145 : memref<128xi32, #tpu.memory_space<vmem>>) semaphore(%run_scoped3A_142 : memref<!tpu.dma_semaphore, #tpu.memory_space<semaphore_mem>>) {add = true}
        %dma_wait3A_149 = arith.constant 0 : i32
        %dma_wait3A_150 = tpu.memref_slice %arg7[%run_scoped3A_58, %dma_wait3A_149] : memref<8x128xi32, #tpu.memory_space<vmem>> -> memref<1x128xi32, #tpu.memory_space<vmem>>
        %dma_wait3A_151 = tpu.memref_squeeze %dma_wait3A_150 : memref<1x128xi32, #tpu.memory_space<vmem>> -> memref<128xi32, #tpu.memory_space<vmem>>
        %dma_wait3A_152 = arith.constant 0 : i32
        %dma_wait3A_153 = arith.constant 0 : i32
        %dma_wait3A_154 = tpu.memref_slice %arg10[%dma_wait3A_152, %dma_wait3A_153] : memref<10240x128xf32, #tpu.memory_space<vmem_shared>> -> memref<10240x128xf32, #tpu.memory_space<vmem_shared>>
        tpu.wait_indirect_dma semaphore(%run_scoped3A_142 : memref<!tpu.dma_semaphore, #tpu.memory_space<semaphore_mem>>) src(%arg9 : memref<128x128xf32, #tpu.memory_space<vmem>>) dst(%dma_wait3A_154 : memref<10240x128xf32, #tpu.memory_space<vmem_shared>>)
        tpu.yield
      }) : () -> ()
      %dma_start3A_59 = arith.constant 3 : i32
      %dma_start3A_60 = arith.constant 0 : i32
      %dma_start3A_61 = tpu.memref_slice %arg6[%dma_start3A_59, %dma_start3A_60] : memref<8x128xi32, #tpu.memory_space<vmem>> -> memref<1x128xi32, #tpu.memory_space<vmem>>
      %dma_start3A_62 = tpu.memref_squeeze %dma_start3A_61 : memref<1x128xi32, #tpu.memory_space<vmem>> -> memref<128xi32, #tpu.memory_space<vmem>>
      %dma_start3A_63 = arith.constant 0 : i32
      %dma_start3A_64 = arith.constant 0 : i32
      %dma_start3A_65 = tpu.memref_slice %arg2[%dma_start3A_63, %dma_start3A_64] : memref<10240x128xf32, #tpu.memory_space<hbm>> -> memref<10240x128xf32, #tpu.memory_space<hbm>>
      tpu.enqueue_indirect_dma source(%dma_start3A_65 : memref<10240x128xf32, #tpu.memory_space<hbm>>) target(%arg9 : memref<128x128xf32, #tpu.memory_space<vmem>>) offsets(%dma_start3A_62 : memref<128xi32, #tpu.memory_space<vmem>>) semaphore(%arg12 : memref<!tpu.dma_semaphore, #tpu.memory_space<semaphore_mem>>)
      %dma_wait3A_66 = arith.constant 2 : i32
      %dma_wait3A_67 = arith.constant 0 : i32
      %dma_wait3A_68 = tpu.memref_slice %arg6[%dma_wait3A_66, %dma_wait3A_67] : memref<8x128xi32, #tpu.memory_space<vmem>> -> memref<1x128xi32, #tpu.memory_space<vmem>>
      %dma_wait3A_69 = tpu.memref_squeeze %dma_wait3A_68 : memref<1x128xi32, #tpu.memory_space<vmem>> -> memref<128xi32, #tpu.memory_space<vmem>>
      %dma_wait3A_70 = arith.constant 0 : i32
      %dma_wait3A_71 = arith.constant 0 : i32
      %dma_wait3A_72 = tpu.memref_slice %arg2[%dma_wait3A_70, %dma_wait3A_71] : memref<10240x128xf32, #tpu.memory_space<hbm>> -> memref<10240x128xf32, #tpu.memory_space<hbm>>
      tpu.wait_indirect_dma semaphore(%arg11 : memref<!tpu.dma_semaphore, #tpu.memory_space<semaphore_mem>>) src(%dma_wait3A_72 : memref<10240x128xf32, #tpu.memory_space<hbm>>) dst(%arg8 : memref<128x128xf32, #tpu.memory_space<vmem>>)
      %run_scoped3A_73 = arith.constant 2 : i32
      "tpu.region"() ({
        %run_scoped3A_142 = tpu.sem_alloc : memref<!tpu.dma_semaphore, #tpu.memory_space<semaphore_mem>>
        %dma_start3A_143 = arith.constant 0 : i32
        %dma_start3A_144 = tpu.memref_slice %arg7[%run_scoped3A_73, %dma_start3A_143] : memref<8x128xi32, #tpu.memory_space<vmem>> -> memref<1x128xi32, #tpu.memory_space<vmem>>
        %dma_start3A_145 = tpu.memref_squeeze %dma_start3A_144 : memref<1x128xi32, #tpu.memory_space<vmem>> -> memref<128xi32, #tpu.memory_space<vmem>>
        %dma_start3A_146 = arith.constant 0 : i32
        %dma_start3A_147 = arith.constant 0 : i32
        %dma_start3A_148 = tpu.memref_slice %arg10[%dma_start3A_146, %dma_start3A_147] : memref<10240x128xf32, #tpu.memory_space<vmem_shared>> -> memref<10240x128xf32, #tpu.memory_space<vmem_shared>>
        tpu.enqueue_indirect_dma source(%arg8 : memref<128x128xf32, #tpu.memory_space<vmem>>) target(%dma_start3A_148 : memref<10240x128xf32, #tpu.memory_space<vmem_shared>>) offsets(%dma_start3A_145 : memref<128xi32, #tpu.memory_space<vmem>>) semaphore(%run_scoped3A_142 : memref<!tpu.dma_semaphore, #tpu.memory_space<semaphore_mem>>) {add = true}
        %dma_wait3A_149 = arith.constant 0 : i32
        %dma_wait3A_150 = tpu.memref_slice %arg7[%run_scoped3A_73, %dma_wait3A_149] : memref<8x128xi32, #tpu.memory_space<vmem>> -> memref<1x128xi32, #tpu.memory_space<vmem>>
        %dma_wait3A_151 = tpu.memref_squeeze %dma_wait3A_150 : memref<1x128xi32, #tpu.memory_space<vmem>> -> memref<128xi32, #tpu.memory_space<vmem>>
        %dma_wait3A_152 = arith.constant 0 : i32
        %dma_wait3A_153 = arith.constant 0 : i32
        %dma_wait3A_154 = tpu.memref_slice %arg10[%dma_wait3A_152, %dma_wait3A_153] : memref<10240x128xf32, #tpu.memory_space<vmem_shared>> -> memref<10240x128xf32, #tpu.memory_space<vmem_shared>>
        tpu.wait_indirect_dma semaphore(%run_scoped3A_142 : memref<!tpu.dma_semaphore, #tpu.memory_space<semaphore_mem>>) src(%arg8 : memref<128x128xf32, #tpu.memory_space<vmem>>) dst(%dma_wait3A_154 : memref<10240x128xf32, #tpu.memory_space<vmem_shared>>)
        tpu.yield
      }) : () -> ()
      %dma_start3A_74 = arith.constant 4 : i32
      %dma_start3A_75 = arith.constant 0 : i32
      %dma_start3A_76 = tpu.memref_slice %arg6[%dma_start3A_74, %dma_start3A_75] : memref<8x128xi32, #tpu.memory_space<vmem>> -> memref<1x128xi32, #tpu.memory_space<vmem>>
      %dma_start3A_77 = tpu.memref_squeeze %dma_start3A_76 : memref<1x128xi32, #tpu.memory_space<vmem>> -> memref<128xi32, #tpu.memory_space<vmem>>
      %dma_start3A_78 = arith.constant 0 : i32
      %dma_start3A_79 = arith.constant 0 : i32
      %dma_start3A_80 = tpu.memref_slice %arg2[%dma_start3A_78, %dma_start3A_79] : memref<10240x128xf32, #tpu.memory_space<hbm>> -> memref<10240x128xf32, #tpu.memory_space<hbm>>
      tpu.enqueue_indirect_dma source(%dma_start3A_80 : memref<10240x128xf32, #tpu.memory_space<hbm>>) target(%arg8 : memref<128x128xf32, #tpu.memory_space<vmem>>) offsets(%dma_start3A_77 : memref<128xi32, #tpu.memory_space<vmem>>) semaphore(%arg11 : memref<!tpu.dma_semaphore, #tpu.memory_space<semaphore_mem>>)
      %dma_wait3A_81 = arith.constant 3 : i32
      %dma_wait3A_82 = arith.constant 0 : i32
      %dma_wait3A_83 = tpu.memref_slice %arg6[%dma_wait3A_81, %dma_wait3A_82] : memref<8x128xi32, #tpu.memory_space<vmem>> -> memref<1x128xi32, #tpu.memory_space<vmem>>
      %dma_wait3A_84 = tpu.memref_squeeze %dma_wait3A_83 : memref<1x128xi32, #tpu.memory_space<vmem>> -> memref<128xi32, #tpu.memory_space<vmem>>
      %dma_wait3A_85 = arith.constant 0 : i32
      %dma_wait3A_86 = arith.constant 0 : i32
      %dma_wait3A_87 = tpu.memref_slice %arg2[%dma_wait3A_85, %dma_wait3A_86] : memref<10240x128xf32, #tpu.memory_space<hbm>> -> memref<10240x128xf32, #tpu.memory_space<hbm>>
      tpu.wait_indirect_dma semaphore(%arg12 : memref<!tpu.dma_semaphore, #tpu.memory_space<semaphore_mem>>) src(%dma_wait3A_87 : memref<10240x128xf32, #tpu.memory_space<hbm>>) dst(%arg9 : memref<128x128xf32, #tpu.memory_space<vmem>>)
      %run_scoped3A_88 = arith.constant 3 : i32
      "tpu.region"() ({
        %run_scoped3A_142 = tpu.sem_alloc : memref<!tpu.dma_semaphore, #tpu.memory_space<semaphore_mem>>
        %dma_start3A_143 = arith.constant 0 : i32
        %dma_start3A_144 = tpu.memref_slice %arg7[%run_scoped3A_88, %dma_start3A_143] : memref<8x128xi32, #tpu.memory_space<vmem>> -> memref<1x128xi32, #tpu.memory_space<vmem>>
        %dma_start3A_145 = tpu.memref_squeeze %dma_start3A_144 : memref<1x128xi32, #tpu.memory_space<vmem>> -> memref<128xi32, #tpu.memory_space<vmem>>
        %dma_start3A_146 = arith.constant 0 : i32
        %dma_start3A_147 = arith.constant 0 : i32
        %dma_start3A_148 = tpu.memref_slice %arg10[%dma_start3A_146, %dma_start3A_147] : memref<10240x128xf32, #tpu.memory_space<vmem_shared>> -> memref<10240x128xf32, #tpu.memory_space<vmem_shared>>
        tpu.enqueue_indirect_dma source(%arg9 : memref<128x128xf32, #tpu.memory_space<vmem>>) target(%dma_start3A_148 : memref<10240x128xf32, #tpu.memory_space<vmem_shared>>) offsets(%dma_start3A_145 : memref<128xi32, #tpu.memory_space<vmem>>) semaphore(%run_scoped3A_142 : memref<!tpu.dma_semaphore, #tpu.memory_space<semaphore_mem>>) {add = true}
        %dma_wait3A_149 = arith.constant 0 : i32
        %dma_wait3A_150 = tpu.memref_slice %arg7[%run_scoped3A_88, %dma_wait3A_149] : memref<8x128xi32, #tpu.memory_space<vmem>> -> memref<1x128xi32, #tpu.memory_space<vmem>>
        %dma_wait3A_151 = tpu.memref_squeeze %dma_wait3A_150 : memref<1x128xi32, #tpu.memory_space<vmem>> -> memref<128xi32, #tpu.memory_space<vmem>>
        %dma_wait3A_152 = arith.constant 0 : i32
        %dma_wait3A_153 = arith.constant 0 : i32
        %dma_wait3A_154 = tpu.memref_slice %arg10[%dma_wait3A_152, %dma_wait3A_153] : memref<10240x128xf32, #tpu.memory_space<vmem_shared>> -> memref<10240x128xf32, #tpu.memory_space<vmem_shared>>
        tpu.wait_indirect_dma semaphore(%run_scoped3A_142 : memref<!tpu.dma_semaphore, #tpu.memory_space<semaphore_mem>>) src(%arg9 : memref<128x128xf32, #tpu.memory_space<vmem>>) dst(%dma_wait3A_154 : memref<10240x128xf32, #tpu.memory_space<vmem_shared>>)
        tpu.yield
      }) : () -> ()
      %dma_start3A_89 = arith.constant 5 : i32
      %dma_start3A_90 = arith.constant 0 : i32
      %dma_start3A_91 = tpu.memref_slice %arg6[%dma_start3A_89, %dma_start3A_90] : memref<8x128xi32, #tpu.memory_space<vmem>> -> memref<1x128xi32, #tpu.memory_space<vmem>>
      %dma_start3A_92 = tpu.memref_squeeze %dma_start3A_91 : memref<1x128xi32, #tpu.memory_space<vmem>> -> memref<128xi32, #tpu.memory_space<vmem>>
      %dma_start3A_93 = arith.constant 0 : i32
      %dma_start3A_94 = arith.constant 0 : i32
      %dma_start3A_95 = tpu.memref_slice %arg2[%dma_start3A_93, %dma_start3A_94] : memref<10240x128xf32, #tpu.memory_space<hbm>> -> memref<10240x128xf32, #tpu.memory_space<hbm>>
      tpu.enqueue_indirect_dma source(%dma_start3A_95 : memref<10240x128xf32, #tpu.memory_space<hbm>>) target(%arg9 : memref<128x128xf32, #tpu.memory_space<vmem>>) offsets(%dma_start3A_92 : memref<128xi32, #tpu.memory_space<vmem>>) semaphore(%arg12 : memref<!tpu.dma_semaphore, #tpu.memory_space<semaphore_mem>>)
      %dma_wait3A_96 = arith.constant 4 : i32
      %dma_wait3A_97 = arith.constant 0 : i32
      %dma_wait3A_98 = tpu.memref_slice %arg6[%dma_wait3A_96, %dma_wait3A_97] : memref<8x128xi32, #tpu.memory_space<vmem>> -> memref<1x128xi32, #tpu.memory_space<vmem>>
      %dma_wait3A_99 = tpu.memref_squeeze %dma_wait3A_98 : memref<1x128xi32, #tpu.memory_space<vmem>> -> memref<128xi32, #tpu.memory_space<vmem>>
      %dma_wait3A_100 = arith.constant 0 : i32
      %dma_wait3A_101 = arith.constant 0 : i32
      %dma_wait3A_102 = tpu.memref_slice %arg2[%dma_wait3A_100, %dma_wait3A_101] : memref<10240x128xf32, #tpu.memory_space<hbm>> -> memref<10240x128xf32, #tpu.memory_space<hbm>>
      tpu.wait_indirect_dma semaphore(%arg11 : memref<!tpu.dma_semaphore, #tpu.memory_space<semaphore_mem>>) src(%dma_wait3A_102 : memref<10240x128xf32, #tpu.memory_space<hbm>>) dst(%arg8 : memref<128x128xf32, #tpu.memory_space<vmem>>)
      %run_scoped3A_103 = arith.constant 4 : i32
      "tpu.region"() ({
        %run_scoped3A_142 = tpu.sem_alloc : memref<!tpu.dma_semaphore, #tpu.memory_space<semaphore_mem>>
        %dma_start3A_143 = arith.constant 0 : i32
        %dma_start3A_144 = tpu.memref_slice %arg7[%run_scoped3A_103, %dma_start3A_143] : memref<8x128xi32, #tpu.memory_space<vmem>> -> memref<1x128xi32, #tpu.memory_space<vmem>>
        %dma_start3A_145 = tpu.memref_squeeze %dma_start3A_144 : memref<1x128xi32, #tpu.memory_space<vmem>> -> memref<128xi32, #tpu.memory_space<vmem>>
        %dma_start3A_146 = arith.constant 0 : i32
        %dma_start3A_147 = arith.constant 0 : i32
        %dma_start3A_148 = tpu.memref_slice %arg10[%dma_start3A_146, %dma_start3A_147] : memref<10240x128xf32, #tpu.memory_space<vmem_shared>> -> memref<10240x128xf32, #tpu.memory_space<vmem_shared>>
        tpu.enqueue_indirect_dma source(%arg8 : memref<128x128xf32, #tpu.memory_space<vmem>>) target(%dma_start3A_148 : memref<10240x128xf32, #tpu.memory_space<vmem_shared>>) offsets(%dma_start3A_145 : memref<128xi32, #tpu.memory_space<vmem>>) semaphore(%run_scoped3A_142 : memref<!tpu.dma_semaphore, #tpu.memory_space<semaphore_mem>>) {add = true}
        %dma_wait3A_149 = arith.constant 0 : i32
        %dma_wait3A_150 = tpu.memref_slice %arg7[%run_scoped3A_103, %dma_wait3A_149] : memref<8x128xi32, #tpu.memory_space<vmem>> -> memref<1x128xi32, #tpu.memory_space<vmem>>
        %dma_wait3A_151 = tpu.memref_squeeze %dma_wait3A_150 : memref<1x128xi32, #tpu.memory_space<vmem>> -> memref<128xi32, #tpu.memory_space<vmem>>
        %dma_wait3A_152 = arith.constant 0 : i32
        %dma_wait3A_153 = arith.constant 0 : i32
        %dma_wait3A_154 = tpu.memref_slice %arg10[%dma_wait3A_152, %dma_wait3A_153] : memref<10240x128xf32, #tpu.memory_space<vmem_shared>> -> memref<10240x128xf32, #tpu.memory_space<vmem_shared>>
        tpu.wait_indirect_dma semaphore(%run_scoped3A_142 : memref<!tpu.dma_semaphore, #tpu.memory_space<semaphore_mem>>) src(%arg8 : memref<128x128xf32, #tpu.memory_space<vmem>>) dst(%dma_wait3A_154 : memref<10240x128xf32, #tpu.memory_space<vmem_shared>>)
        tpu.yield
      }) : () -> ()
      %dma_start3A_104 = arith.constant 6 : i32
      %dma_start3A_105 = arith.constant 0 : i32
      %dma_start3A_106 = tpu.memref_slice %arg6[%dma_start3A_104, %dma_start3A_105] : memref<8x128xi32, #tpu.memory_space<vmem>> -> memref<1x128xi32, #tpu.memory_space<vmem>>
      %dma_start3A_107 = tpu.memref_squeeze %dma_start3A_106 : memref<1x128xi32, #tpu.memory_space<vmem>> -> memref<128xi32, #tpu.memory_space<vmem>>
      %dma_start3A_108 = arith.constant 0 : i32
      %dma_start3A_109 = arith.constant 0 : i32
      %dma_start3A_110 = tpu.memref_slice %arg2[%dma_start3A_108, %dma_start3A_109] : memref<10240x128xf32, #tpu.memory_space<hbm>> -> memref<10240x128xf32, #tpu.memory_space<hbm>>
      tpu.enqueue_indirect_dma source(%dma_start3A_110 : memref<10240x128xf32, #tpu.memory_space<hbm>>) target(%arg8 : memref<128x128xf32, #tpu.memory_space<vmem>>) offsets(%dma_start3A_107 : memref<128xi32, #tpu.memory_space<vmem>>) semaphore(%arg11 : memref<!tpu.dma_semaphore, #tpu.memory_space<semaphore_mem>>)
      %dma_wait3A_111 = arith.constant 5 : i32
      %dma_wait3A_112 = arith.constant 0 : i32
      %dma_wait3A_113 = tpu.memref_slice %arg6[%dma_wait3A_111, %dma_wait3A_112] : memref<8x128xi32, #tpu.memory_space<vmem>> -> memref<1x128xi32, #tpu.memory_space<vmem>>
      %dma_wait3A_114 = tpu.memref_squeeze %dma_wait3A_113 : memref<1x128xi32, #tpu.memory_space<vmem>> -> memref<128xi32, #tpu.memory_space<vmem>>
      %dma_wait3A_115 = arith.constant 0 : i32
      %dma_wait3A_116 = arith.constant 0 : i32
      %dma_wait3A_117 = tpu.memref_slice %arg2[%dma_wait3A_115, %dma_wait3A_116] : memref<10240x128xf32, #tpu.memory_space<hbm>> -> memref<10240x128xf32, #tpu.memory_space<hbm>>
      tpu.wait_indirect_dma semaphore(%arg12 : memref<!tpu.dma_semaphore, #tpu.memory_space<semaphore_mem>>) src(%dma_wait3A_117 : memref<10240x128xf32, #tpu.memory_space<hbm>>) dst(%arg9 : memref<128x128xf32, #tpu.memory_space<vmem>>)
      %run_scoped3A_118 = arith.constant 5 : i32
      "tpu.region"() ({
        %run_scoped3A_142 = tpu.sem_alloc : memref<!tpu.dma_semaphore, #tpu.memory_space<semaphore_mem>>
        %dma_start3A_143 = arith.constant 0 : i32
        %dma_start3A_144 = tpu.memref_slice %arg7[%run_scoped3A_118, %dma_start3A_143] : memref<8x128xi32, #tpu.memory_space<vmem>> -> memref<1x128xi32, #tpu.memory_space<vmem>>
        %dma_start3A_145 = tpu.memref_squeeze %dma_start3A_144 : memref<1x128xi32, #tpu.memory_space<vmem>> -> memref<128xi32, #tpu.memory_space<vmem>>
        %dma_start3A_146 = arith.constant 0 : i32
        %dma_start3A_147 = arith.constant 0 : i32
        %dma_start3A_148 = tpu.memref_slice %arg10[%dma_start3A_146, %dma_start3A_147] : memref<10240x128xf32, #tpu.memory_space<vmem_shared>> -> memref<10240x128xf32, #tpu.memory_space<vmem_shared>>
        tpu.enqueue_indirect_dma source(%arg9 : memref<128x128xf32, #tpu.memory_space<vmem>>) target(%dma_start3A_148 : memref<10240x128xf32, #tpu.memory_space<vmem_shared>>) offsets(%dma_start3A_145 : memref<128xi32, #tpu.memory_space<vmem>>) semaphore(%run_scoped3A_142 : memref<!tpu.dma_semaphore, #tpu.memory_space<semaphore_mem>>) {add = true}
        %dma_wait3A_149 = arith.constant 0 : i32
        %dma_wait3A_150 = tpu.memref_slice %arg7[%run_scoped3A_118, %dma_wait3A_149] : memref<8x128xi32, #tpu.memory_space<vmem>> -> memref<1x128xi32, #tpu.memory_space<vmem>>
        %dma_wait3A_151 = tpu.memref_squeeze %dma_wait3A_150 : memref<1x128xi32, #tpu.memory_space<vmem>> -> memref<128xi32, #tpu.memory_space<vmem>>
        %dma_wait3A_152 = arith.constant 0 : i32
        %dma_wait3A_153 = arith.constant 0 : i32
        %dma_wait3A_154 = tpu.memref_slice %arg10[%dma_wait3A_152, %dma_wait3A_153] : memref<10240x128xf32, #tpu.memory_space<vmem_shared>> -> memref<10240x128xf32, #tpu.memory_space<vmem_shared>>
        tpu.wait_indirect_dma semaphore(%run_scoped3A_142 : memref<!tpu.dma_semaphore, #tpu.memory_space<semaphore_mem>>) src(%arg9 : memref<128x128xf32, #tpu.memory_space<vmem>>) dst(%dma_wait3A_154 : memref<10240x128xf32, #tpu.memory_space<vmem_shared>>)
        tpu.yield
      }) : () -> ()
      %dma_start3A_119 = arith.constant 7 : i32
      %dma_start3A_120 = arith.constant 0 : i32
      %dma_start3A_121 = tpu.memref_slice %arg6[%dma_start3A_119, %dma_start3A_120] : memref<8x128xi32, #tpu.memory_space<vmem>> -> memref<1x128xi32, #tpu.memory_space<vmem>>
      %dma_start3A_122 = tpu.memref_squeeze %dma_start3A_121 : memref<1x128xi32, #tpu.memory_space<vmem>> -> memref<128xi32, #tpu.memory_space<vmem>>
      %dma_start3A_123 = arith.constant 0 : i32
      %dma_start3A_124 = arith.constant 0 : i32
      %dma_start3A_125 = tpu.memref_slice %arg2[%dma_start3A_123, %dma_start3A_124] : memref<10240x128xf32, #tpu.memory_space<hbm>> -> memref<10240x128xf32, #tpu.memory_space<hbm>>
      tpu.enqueue_indirect_dma source(%dma_start3A_125 : memref<10240x128xf32, #tpu.memory_space<hbm>>) target(%arg9 : memref<128x128xf32, #tpu.memory_space<vmem>>) offsets(%dma_start3A_122 : memref<128xi32, #tpu.memory_space<vmem>>) semaphore(%arg12 : memref<!tpu.dma_semaphore, #tpu.memory_space<semaphore_mem>>)
      %dma_wait3A_126 = arith.constant 6 : i32
      %dma_wait3A_127 = arith.constant 0 : i32
      %dma_wait3A_128 = tpu.memref_slice %arg6[%dma_wait3A_126, %dma_wait3A_127] : memref<8x128xi32, #tpu.memory_space<vmem>> -> memref<1x128xi32, #tpu.memory_space<vmem>>
      %dma_wait3A_129 = tpu.memref_squeeze %dma_wait3A_128 : memref<1x128xi32, #tpu.memory_space<vmem>> -> memref<128xi32, #tpu.memory_space<vmem>>
      %dma_wait3A_130 = arith.constant 0 : i32
      %dma_wait3A_131 = arith.constant 0 : i32
      %dma_wait3A_132 = tpu.memref_slice %arg2[%dma_wait3A_130, %dma_wait3A_131] : memref<10240x128xf32, #tpu.memory_space<hbm>> -> memref<10240x128xf32, #tpu.memory_space<hbm>>
      tpu.wait_indirect_dma semaphore(%arg11 : memref<!tpu.dma_semaphore, #tpu.memory_space<semaphore_mem>>) src(%dma_wait3A_132 : memref<10240x128xf32, #tpu.memory_space<hbm>>) dst(%arg8 : memref<128x128xf32, #tpu.memory_space<vmem>>)
      %run_scoped3A_133 = arith.constant 6 : i32
      "tpu.region"() ({
        %run_scoped3A_142 = tpu.sem_alloc : memref<!tpu.dma_semaphore, #tpu.memory_space<semaphore_mem>>
        %dma_start3A_143 = arith.constant 0 : i32
        %dma_start3A_144 = tpu.memref_slice %arg7[%run_scoped3A_133, %dma_start3A_143] : memref<8x128xi32, #tpu.memory_space<vmem>> -> memref<1x128xi32, #tpu.memory_space<vmem>>
        %dma_start3A_145 = tpu.memref_squeeze %dma_start3A_144 : memref<1x128xi32, #tpu.memory_space<vmem>> -> memref<128xi32, #tpu.memory_space<vmem>>
        %dma_start3A_146 = arith.constant 0 : i32
        %dma_start3A_147 = arith.constant 0 : i32
        %dma_start3A_148 = tpu.memref_slice %arg10[%dma_start3A_146, %dma_start3A_147] : memref<10240x128xf32, #tpu.memory_space<vmem_shared>> -> memref<10240x128xf32, #tpu.memory_space<vmem_shared>>
        tpu.enqueue_indirect_dma source(%arg8 : memref<128x128xf32, #tpu.memory_space<vmem>>) target(%dma_start3A_148 : memref<10240x128xf32, #tpu.memory_space<vmem_shared>>) offsets(%dma_start3A_145 : memref<128xi32, #tpu.memory_space<vmem>>) semaphore(%run_scoped3A_142 : memref<!tpu.dma_semaphore, #tpu.memory_space<semaphore_mem>>) {add = true}
        %dma_wait3A_149 = arith.constant 0 : i32
        %dma_wait3A_150 = tpu.memref_slice %arg7[%run_scoped3A_133, %dma_wait3A_149] : memref<8x128xi32, #tpu.memory_space<vmem>> -> memref<1x128xi32, #tpu.memory_space<vmem>>
        %dma_wait3A_151 = tpu.memref_squeeze %dma_wait3A_150 : memref<1x128xi32, #tpu.memory_space<vmem>> -> memref<128xi32, #tpu.memory_space<vmem>>
        %dma_wait3A_152 = arith.constant 0 : i32
        %dma_wait3A_153 = arith.constant 0 : i32
        %dma_wait3A_154 = tpu.memref_slice %arg10[%dma_wait3A_152, %dma_wait3A_153] : memref<10240x128xf32, #tpu.memory_space<vmem_shared>> -> memref<10240x128xf32, #tpu.memory_space<vmem_shared>>
        tpu.wait_indirect_dma semaphore(%run_scoped3A_142 : memref<!tpu.dma_semaphore, #tpu.memory_space<semaphore_mem>>) src(%arg8 : memref<128x128xf32, #tpu.memory_space<vmem>>) dst(%dma_wait3A_154 : memref<10240x128xf32, #tpu.memory_space<vmem_shared>>)
        tpu.yield
      }) : () -> ()
      %dma_wait3A_134 = arith.constant 7 : i32
      %dma_wait3A_135 = arith.constant 0 : i32
      %dma_wait3A_136 = tpu.memref_slice %arg6[%dma_wait3A_134, %dma_wait3A_135] : memref<8x128xi32, #tpu.memory_space<vmem>> -> memref<1x128xi32, #tpu.memory_space<vmem>>
      %dma_wait3A_137 = tpu.memref_squeeze %dma_wait3A_136 : memref<1x128xi32, #tpu.memory_space<vmem>> -> memref<128xi32, #tpu.memory_space<vmem>>
      %dma_wait3A_138 = arith.constant 0 : i32
      %dma_wait3A_139 = arith.constant 0 : i32
      %dma_wait3A_140 = tpu.memref_slice %arg2[%dma_wait3A_138, %dma_wait3A_139] : memref<10240x128xf32, #tpu.memory_space<hbm>> -> memref<10240x128xf32, #tpu.memory_space<hbm>>
      tpu.wait_indirect_dma semaphore(%arg12 : memref<!tpu.dma_semaphore, #tpu.memory_space<semaphore_mem>>) src(%dma_wait3A_140 : memref<10240x128xf32, #tpu.memory_space<hbm>>) dst(%arg9 : memref<128x128xf32, #tpu.memory_space<vmem>>)
      %run_scoped3A_141 = arith.constant 7 : i32
      "tpu.region"() ({
        %run_scoped3A_142 = tpu.sem_alloc : memref<!tpu.dma_semaphore, #tpu.memory_space<semaphore_mem>>
        %dma_start3A_143 = arith.constant 0 : i32
        %dma_start3A_144 = tpu.memref_slice %arg7[%run_scoped3A_141, %dma_start3A_143] : memref<8x128xi32, #tpu.memory_space<vmem>> -> memref<1x128xi32, #tpu.memory_space<vmem>>
        %dma_start3A_145 = tpu.memref_squeeze %dma_start3A_144 : memref<1x128xi32, #tpu.memory_space<vmem>> -> memref<128xi32, #tpu.memory_space<vmem>>
        %dma_start3A_146 = arith.constant 0 : i32
        %dma_start3A_147 = arith.constant 0 : i32
        %dma_start3A_148 = tpu.memref_slice %arg10[%dma_start3A_146, %dma_start3A_147] : memref<10240x128xf32, #tpu.memory_space<vmem_shared>> -> memref<10240x128xf32, #tpu.memory_space<vmem_shared>>
        tpu.enqueue_indirect_dma source(%arg9 : memref<128x128xf32, #tpu.memory_space<vmem>>) target(%dma_start3A_148 : memref<10240x128xf32, #tpu.memory_space<vmem_shared>>) offsets(%dma_start3A_145 : memref<128xi32, #tpu.memory_space<vmem>>) semaphore(%run_scoped3A_142 : memref<!tpu.dma_semaphore, #tpu.memory_space<semaphore_mem>>) {add = true}
        %dma_wait3A_149 = arith.constant 0 : i32
        %dma_wait3A_150 = tpu.memref_slice %arg7[%run_scoped3A_141, %dma_wait3A_149] : memref<8x128xi32, #tpu.memory_space<vmem>> -> memref<1x128xi32, #tpu.memory_space<vmem>>
        %dma_wait3A_151 = tpu.memref_squeeze %dma_wait3A_150 : memref<1x128xi32, #tpu.memory_space<vmem>> -> memref<128xi32, #tpu.memory_space<vmem>>
        %dma_wait3A_152 = arith.constant 0 : i32
        %dma_wait3A_153 = arith.constant 0 : i32
        %dma_wait3A_154 = tpu.memref_slice %arg10[%dma_wait3A_152, %dma_wait3A_153] : memref<10240x128xf32, #tpu.memory_space<vmem_shared>> -> memref<10240x128xf32, #tpu.memory_space<vmem_shared>>
        tpu.wait_indirect_dma semaphore(%run_scoped3A_142 : memref<!tpu.dma_semaphore, #tpu.memory_space<semaphore_mem>>) src(%arg9 : memref<128x128xf32, #tpu.memory_space<vmem>>) dst(%dma_wait3A_154 : memref<10240x128xf32, #tpu.memory_space<vmem_shared>>)
        tpu.yield
      }) : () -> ()
    }
    %scan3A_14 = arith.constant 10 : i32
    %barrier3A_15 = arith.constant 0 : index
    tpu.barrier barrier_id(%barrier3A_15)
    %mul3A_16 = arith.constant 640 : i32
    %mul3A_17 = arith.muli %arg1, %mul3A_16 : i32
    %mul3A_18 = arith.constant 640 : i32
    %mul3A_19 = arith.muli %arg1, %mul3A_18 : i32
    "tpu.region"() ({
      %run_scoped3A = tpu.sem_alloc : memref<!tpu.dma_semaphore, #tpu.memory_space<semaphore_mem>>
      %dma_start3A = arith.constant 0 : i32
      %dma_start3A_20 = arith.constant 0 : i32
      %dma_start3A_21 = tpu.memref_slice %arg5[%arg0, %dma_start3A, %dma_start3A_20] : memref<2x10240x128xf32, #tpu.memory_space<hbm>> -> memref<1x10240x128xf32, #tpu.memory_space<hbm>>
      %dma_start3A_22 = tpu.memref_squeeze %dma_start3A_21 : memref<1x10240x128xf32, #tpu.memory_space<hbm>> -> memref<10240x128xf32, #tpu.memory_space<hbm>>
      %dma_start3A_23 = arith.constant 0 : i32
      %dma_start3A_24 = tpu.memref_slice %dma_start3A_22[%mul3A_19, %dma_start3A_23] : memref<10240x128xf32, #tpu.memory_space<hbm>> -> memref<640x128xf32, #tpu.memory_space<hbm>>
      %dma_start3A_25 = arith.constant 0 : i32
      %dma_start3A_26 = tpu.memref_slice %arg10[%mul3A_17, %dma_start3A_25] : memref<10240x128xf32, #tpu.memory_space<vmem_shared>> -> memref<640x128xf32, #tpu.memory_space<vmem_shared>>
      tpu.enqueue_dma source(%dma_start3A_26 : memref<640x128xf32, #tpu.memory_space<vmem_shared>>) target(%dma_start3A_24 : memref<640x128xf32, #tpu.memory_space<hbm>>) target_semaphore(%run_scoped3A : memref<!tpu.dma_semaphore, #tpu.memory_space<semaphore_mem>>)
      %dma_wait3A = arith.constant 0 : i32
      %dma_wait3A_27 = arith.constant 0 : i32
      %dma_wait3A_28 = tpu.memref_slice %arg5[%arg0, %dma_wait3A, %dma_wait3A_27] : memref<2x10240x128xf32, #tpu.memory_space<hbm>> -> memref<1x10240x128xf32, #tpu.memory_space<hbm>>
      %dma_wait3A_29 = tpu.memref_squeeze %dma_wait3A_28 : memref<1x10240x128xf32, #tpu.memory_space<hbm>> -> memref<10240x128xf32, #tpu.memory_space<hbm>>
      %dma_wait3A_30 = arith.constant 0 : i32
      %dma_wait3A_31 = tpu.memref_slice %dma_wait3A_29[%mul3A_19, %dma_wait3A_30] : memref<10240x128xf32, #tpu.memory_space<hbm>> -> memref<640x128xf32, #tpu.memory_space<hbm>>
      %dma_wait3A_32 = arith.constant 0 : i32
      %dma_wait3A_33 = tpu.memref_slice %arg10[%mul3A_17, %dma_wait3A_32] : memref<10240x128xf32, #tpu.memory_space<vmem_shared>> -> memref<640x128xf32, #tpu.memory_space<vmem_shared>>
      tpu.wait_dma2 semaphore(%run_scoped3A : memref<!tpu.dma_semaphore, #tpu.memory_space<semaphore_mem>>) src(%dma_wait3A_33 : memref<640x128xf32, #tpu.memory_space<vmem_shared>>) dst(%dma_wait3A_31 : memref<640x128xf32, #tpu.memory_space<hbm>>)
      tpu.yield
    }) : () -> ()
    return
  }
}

module attributes {stable_mosaic.version = 14 : i64} {
  func.func @_pre_body(%arg0: i32, %arg1: memref<1024x128xf32, #tpu.memory_space<vmem>>, %arg2: memref<128x128xf32, #tpu.memory_space<vmem>>, %arg3: memref<128x128xf32, #tpu.memory_space<vmem>>, %arg4: memref<1x128xf32, #tpu.memory_space<vmem>>, %arg5: memref<1024x128xf32, #tpu.memory_space<vmem>>, %arg6: memref<1024x128xf32, #tpu.memory_space<vmem>>) attributes {dimension_semantics = [#tpu.dimension_semantics<arbitrary>], iteration_bounds = array<i64: 10>, scalar_prefetch = 0 : i64, scratch_operands = 0 : i64, tpu.core_type = #tpu.core_type<tc>, window_params = [{transform_indices = @transform_0, window_bounds = array<i64: 1024, 128>}, {pipeline_mode = #tpu.pipeline_mode<synchronous>, transform_indices = @transform_1, window_bounds = array<i64: 128, 128>}, {pipeline_mode = #tpu.pipeline_mode<synchronous>, transform_indices = @transform_2, window_bounds = array<i64: 128, 128>}, {pipeline_mode = #tpu.pipeline_mode<synchronous>, transform_indices = @transform_3, window_bounds = array<i64: 1, 128>}, {transform_indices = @transform_4, window_bounds = array<i64: 1024, 128>}, {transform_indices = @transform_5, window_bounds = array<i64: 1024, 128>}]} {
    %get3A = arith.constant 0 : index
    %get3A_0 = arith.constant 0 : index
    %get3A_1 = vector.load %arg1[%get3A, %get3A_0] : memref<1024x128xf32, #tpu.memory_space<vmem>>, vector<1024x128xf32>
    %get3A_2 = arith.constant 0 : index
    %get3A_3 = arith.constant 0 : index
    %get3A_4 = vector.load %arg2[%get3A_2, %get3A_3] : memref<128x128xf32, #tpu.memory_space<vmem>>, vector<128x128xf32>
    %dot_general3A = arith.constant dense<0.000000e+00> : vector<1024x128xf32>
    %dot_general3A_5 = tpu.matmul %get3A_1, %get3A_4, %dot_general3A {dimension_numbers = #tpu.dot_dimension_numbers<[1], [0], [0], [1], [0, 0, 1, 1], [], []>, precision = #tpu.contract_precision<fp32>, transpose_lhs_hint = false} : vector<1024x128xf32>, vector<128x128xf32>, vector<1024x128xf32> -> vector<1024x128xf32>
    %swap3A = arith.constant 0 : index
    %swap3A_6 = arith.constant 0 : index
    %swap3A_7 = vector.load %arg5[%swap3A, %swap3A_6] : memref<1024x128xf32, #tpu.memory_space<vmem>>, vector<1024x128xf32>
    tpu.vector_store %arg5[%swap3A, %swap3A_6], %dot_general3A_5 {strides = array<i32>} : memref<1024x128xf32, #tpu.memory_space<vmem>>, vector<1024x128xf32>,
    %get3A_8 = arith.constant 0 : index
    %get3A_9 = arith.constant 0 : index
    %get3A_10 = vector.load %arg3[%get3A_8, %get3A_9] : memref<128x128xf32, #tpu.memory_space<vmem>>, vector<128x128xf32>
    %dot_general3A_11 = arith.constant dense<0.000000e+00> : vector<1024x128xf32>
    %dot_general3A_12 = tpu.matmul %get3A_1, %get3A_10, %dot_general3A_11 {dimension_numbers = #tpu.dot_dimension_numbers<[1], [0], [0], [1], [0, 0, 1, 1], [], []>, precision = #tpu.contract_precision<fp32>, transpose_lhs_hint = false} : vector<1024x128xf32>, vector<128x128xf32>, vector<1024x128xf32> -> vector<1024x128xf32>
    %get3A_13 = arith.constant 0 : index
    %get3A_14 = arith.constant 0 : index
    %get3A_15 = vector.load %arg4[%get3A_13, %get3A_14] : memref<1x128xf32, #tpu.memory_space<vmem>>, vector<1x128xf32>
    %add3A = vector.broadcast %get3A_15 : vector<1x128xf32> to vector<1024x128xf32>
    %add3A_16 = arith.addf %dot_general3A_12, %add3A : vector<1024x128xf32>
    %swap3A_17 = arith.constant 0 : index
    %swap3A_18 = arith.constant 0 : index
    %swap3A_19 = vector.load %arg6[%swap3A_17, %swap3A_18] : memref<1024x128xf32, #tpu.memory_space<vmem>>, vector<1024x128xf32>
    tpu.vector_store %arg6[%swap3A_17, %swap3A_18], %add3A_16 {strides = array<i32>} : memref<1024x128xf32, #tpu.memory_space<vmem>>, vector<1024x128xf32>,
    return
  }
  func.func @transform_0(%arg0: i32) -> (i32, i32) {
    %c0_i32 = arith.constant 0 : i32
    %c0_i32_0 = arith.constant 0 : i32
    return %arg0, %c0_i32 : i32, i32
  }
  func.func @transform_1(%arg0: i32) -> (i32, i32) {
    %c0_i32 = arith.constant 0 : i32
    %c0_i32_0 = arith.constant 0 : i32
    %c0_i32_1 = arith.constant 0 : i32
    return %c0_i32, %c0_i32_0 : i32, i32
  }
  func.func @transform_2(%arg0: i32) -> (i32, i32) {
    %c0_i32 = arith.constant 0 : i32
    %c0_i32_0 = arith.constant 0 : i32
    %c0_i32_1 = arith.constant 0 : i32
    return %c0_i32, %c0_i32_0 : i32, i32
  }
  func.func @transform_3(%arg0: i32) -> (i32, i32) {
    %c0_i32 = arith.constant 0 : i32
    %c0_i32_0 = arith.constant 0 : i32
    %c0_i32_1 = arith.constant 0 : i32
    return %c0_i32, %c0_i32_0 : i32, i32
  }
  func.func @transform_4(%arg0: i32) -> (i32, i32) {
    %c0_i32 = arith.constant 0 : i32
    %c0_i32_0 = arith.constant 0 : i32
    return %arg0, %c0_i32 : i32, i32
  }
  func.func @transform_5(%arg0: i32) -> (i32, i32) {
    %c0_i32 = arith.constant 0 : i32
    %c0_i32_0 = arith.constant 0 : i32
    return %arg0, %c0_i32 : i32, i32
  }
}

module attributes {stable_mosaic.version = 14 : i64} {
  func.func @_mid_body(%arg0: i32, %arg1: memref<2x1024x128xf32, #tpu.memory_space<vmem>>, %arg2: memref<2x1024x128xf32, #tpu.memory_space<vmem>>, %arg3: memref<1024x128xf32, #tpu.memory_space<vmem>>, %arg4: memref<128x128xf32, #tpu.memory_space<vmem>>, %arg5: memref<128x128xf32, #tpu.memory_space<vmem>>, %arg6: memref<1x128xf32, #tpu.memory_space<vmem>>, %arg7: memref<1024x128xf32, #tpu.memory_space<vmem>>, %arg8: memref<1024x128xf32, #tpu.memory_space<vmem>>) attributes {dimension_semantics = [#tpu.dimension_semantics<arbitrary>], iteration_bounds = array<i64: 10>, scalar_prefetch = 0 : i64, scratch_operands = 0 : i64, tpu.core_type = #tpu.core_type<tc>, window_params = [{transform_indices = @transform_0, window_bounds = array<i64: 2, 1024, 128>}, {transform_indices = @transform_1, window_bounds = array<i64: 2, 1024, 128>}, {transform_indices = @transform_2, window_bounds = array<i64: 1024, 128>}, {pipeline_mode = #tpu.pipeline_mode<synchronous>, transform_indices = @transform_3, window_bounds = array<i64: 128, 128>}, {pipeline_mode = #tpu.pipeline_mode<synchronous>, transform_indices = @transform_4, window_bounds = array<i64: 128, 128>}, {pipeline_mode = #tpu.pipeline_mode<synchronous>, transform_indices = @transform_5, window_bounds = array<i64: 1, 128>}, {transform_indices = @transform_6, window_bounds = array<i64: 1024, 128>}, {transform_indices = @transform_7, window_bounds = array<i64: 1024, 128>}]} {
    %get3A = arith.constant 0 : index
    %get3A_0 = arith.constant 0 : index
    %get3A_1 = arith.constant 0 : index
    %get3A_2 = vector.load %arg1[%get3A, %get3A_0, %get3A_1] : memref<2x1024x128xf32, #tpu.memory_space<vmem>>, vector<1x1024x128xf32>
    %get3A_3 = vector.shape_cast %get3A_2 : vector<1x1024x128xf32> to vector<1024x128xf32>
    %get3A_4 = arith.constant 1 : index
    %get3A_5 = arith.constant 0 : index
    %get3A_6 = arith.constant 0 : index
    %get3A_7 = vector.load %arg1[%get3A_4, %get3A_5, %get3A_6] : memref<2x1024x128xf32, #tpu.memory_space<vmem>>, vector<1x1024x128xf32>
    %get3A_8 = vector.shape_cast %get3A_7 : vector<1x1024x128xf32> to vector<1024x128xf32>
    %add3A = arith.addf %get3A_3, %get3A_8 : vector<1024x128xf32>
    %get3A_9 = arith.constant 0 : index
    %get3A_10 = arith.constant 0 : index
    %get3A_11 = arith.constant 0 : index
    %get3A_12 = vector.load %arg2[%get3A_9, %get3A_10, %get3A_11] : memref<2x1024x128xf32, #tpu.memory_space<vmem>>, vector<1x1024x1xf32>
    %get3A_13 = vector.shape_cast %get3A_12 : vector<1x1024x1xf32> to vector<1024x1xf32>
    %get3A_14 = arith.constant 1 : index
    %get3A_15 = arith.constant 0 : index
    %get3A_16 = arith.constant 0 : index
    %get3A_17 = vector.load %arg2[%get3A_14, %get3A_15, %get3A_16] : memref<2x1024x128xf32, #tpu.memory_space<vmem>>, vector<1x1024x1xf32>
    %get3A_18 = vector.shape_cast %get3A_17 : vector<1x1024x1xf32> to vector<1024x1xf32>
    %add3A_19 = arith.addf %get3A_13, %get3A_18 : vector<1024x1xf32>
    %max3A = arith.constant 1.000000e+00 : f32
    %max3A_20 = vector.broadcast %max3A : f32 to vector<1024x1xf32>
    %max3A_21 = arith.maximumf %add3A_19, %max3A_20 : vector<1024x1xf32>
    %div3A = vector.broadcast %max3A_21 : vector<1024x1xf32> to vector<1024x128xf32>
    %div3A_22 = arith.divf %add3A, %div3A : vector<1024x128xf32>
    %get3A_23 = arith.constant 0 : index
    %get3A_24 = arith.constant 0 : index
    %get3A_25 = vector.load %arg3[%get3A_23, %get3A_24] : memref<1024x128xf32, #tpu.memory_space<vmem>>, vector<1024x128xf32>
    %add3A_26 = arith.addf %div3A_22, %get3A_25 : vector<1024x128xf32>
    %max3A_27 = arith.constant 0.000000e+00 : f32
    %max3A_28 = vector.broadcast %max3A_27 : f32 to vector<1024x128xf32>
    %max3A_29 = arith.maximumf %add3A_26, %max3A_28 : vector<1024x128xf32>
    %get3A_30 = arith.constant 0 : index
    %get3A_31 = arith.constant 0 : index
    %get3A_32 = vector.load %arg4[%get3A_30, %get3A_31] : memref<128x128xf32, #tpu.memory_space<vmem>>, vector<128x128xf32>
    %dot_general3A = arith.constant dense<0.000000e+00> : vector<1024x128xf32>
    %dot_general3A_33 = tpu.matmul %max3A_29, %get3A_32, %dot_general3A {dimension_numbers = #tpu.dot_dimension_numbers<[1], [0], [0], [1], [0, 0, 1, 1], [], []>, precision = #tpu.contract_precision<fp32>, transpose_lhs_hint = false} : vector<1024x128xf32>, vector<128x128xf32>, vector<1024x128xf32> -> vector<1024x128xf32>
    %swap3A = arith.constant 0 : index
    %swap3A_34 = arith.constant 0 : index
    %swap3A_35 = vector.load %arg7[%swap3A, %swap3A_34] : memref<1024x128xf32, #tpu.memory_space<vmem>>, vector<1024x128xf32>
    tpu.vector_store %arg7[%swap3A, %swap3A_34], %dot_general3A_33 {strides = array<i32>} : memref<1024x128xf32, #tpu.memory_space<vmem>>, vector<1024x128xf32>,
    %get3A_36 = arith.constant 0 : index
    %get3A_37 = arith.constant 0 : index
    %get3A_38 = vector.load %arg5[%get3A_36, %get3A_37] : memref<128x128xf32, #tpu.memory_space<vmem>>, vector<128x128xf32>
    %dot_general3A_39 = arith.constant dense<0.000000e+00> : vector<1024x128xf32>
    %dot_general3A_40 = tpu.matmul %max3A_29, %get3A_38, %dot_general3A_39 {dimension_numbers = #tpu.dot_dimension_numbers<[1], [0], [0], [1], [0, 0, 1, 1], [], []>, precision = #tpu.contract_precision<fp32>, transpose_lhs_hint = false} : vector<1024x128xf32>, vector<128x128xf32>, vector<1024x128xf32> -> vector<1024x128xf32>
    %get3A_41 = arith.constant 0 : index
    %get3A_42 = arith.constant 0 : index
    %get3A_43 = vector.load %arg6[%get3A_41, %get3A_42] : memref<1x128xf32, #tpu.memory_space<vmem>>, vector<1x128xf32>
    %add3A_44 = vector.broadcast %get3A_43 : vector<1x128xf32> to vector<1024x128xf32>
    %add3A_45 = arith.addf %dot_general3A_40, %add3A_44 : vector<1024x128xf32>
    %swap3A_46 = arith.constant 0 : index
    %swap3A_47 = arith.constant 0 : index
    %swap3A_48 = vector.load %arg8[%swap3A_46, %swap3A_47] : memref<1024x128xf32, #tpu.memory_space<vmem>>, vector<1024x128xf32>
    tpu.vector_store %arg8[%swap3A_46, %swap3A_47], %add3A_45 {strides = array<i32>} : memref<1024x128xf32, #tpu.memory_space<vmem>>, vector<1024x128xf32>,
    return
  }
  func.func @transform_0(%arg0: i32) -> (i32, i32, i32) {
    %c0_i32 = arith.constant 0 : i32
    %c0_i32_0 = arith.constant 0 : i32
    %c0_i32_1 = arith.constant 0 : i32
    return %c0_i32, %arg0, %c0_i32_0 : i32, i32, i32
  }
  func.func @transform_1(%arg0: i32) -> (i32, i32, i32) {
    %c0_i32 = arith.constant 0 : i32
    %c0_i32_0 = arith.constant 0 : i32
    %c0_i32_1 = arith.constant 0 : i32
    return %c0_i32, %arg0, %c0_i32_0 : i32, i32, i32
  }
  func.func @transform_2(%arg0: i32) -> (i32, i32) {
    %c0_i32 = arith.constant 0 : i32
    %c0_i32_0 = arith.constant 0 : i32
    return %arg0, %c0_i32 : i32, i32
  }
  func.func @transform_3(%arg0: i32) -> (i32, i32) {
    %c0_i32 = arith.constant 0 : i32
    %c0_i32_0 = arith.constant 0 : i32
    %c0_i32_1 = arith.constant 0 : i32
    return %c0_i32, %c0_i32_0 : i32, i32
  }
  func.func @transform_4(%arg0: i32) -> (i32, i32) {
    %c0_i32 = arith.constant 0 : i32
    %c0_i32_0 = arith.constant 0 : i32
    %c0_i32_1 = arith.constant 0 : i32
    return %c0_i32, %c0_i32_0 : i32, i32
  }
  func.func @transform_5(%arg0: i32) -> (i32, i32) {
    %c0_i32 = arith.constant 0 : i32
    %c0_i32_0 = arith.constant 0 : i32
    %c0_i32_1 = arith.constant 0 : i32
    return %c0_i32, %c0_i32_0 : i32, i32
  }
  func.func @transform_6(%arg0: i32) -> (i32, i32) {
    %c0_i32 = arith.constant 0 : i32
    %c0_i32_0 = arith.constant 0 : i32
    return %arg0, %c0_i32 : i32, i32
  }
  func.func @transform_7(%arg0: i32) -> (i32, i32) {
    %c0_i32 = arith.constant 0 : i32
    %c0_i32_0 = arith.constant 0 : i32
    return %arg0, %c0_i32 : i32, i32
  }
}

module attributes {stable_mosaic.version = 14 : i64} {
  func.func @_fin_body(%arg0: i32, %arg1: memref<2x1024x128xf32, #tpu.memory_space<vmem>>, %arg2: memref<2x1024x128xf32, #tpu.memory_space<vmem>>, %arg3: memref<1024x128xf32, #tpu.memory_space<vmem>>, %arg4: memref<1024x128xf32, #tpu.memory_space<vmem>>) attributes {dimension_semantics = [#tpu.dimension_semantics<arbitrary>], iteration_bounds = array<i64: 10>, scalar_prefetch = 0 : i64, scratch_operands = 0 : i64, tpu.core_type = #tpu.core_type<tc>, window_params = [{transform_indices = @transform_0, window_bounds = array<i64: 2, 1024, 128>}, {transform_indices = @transform_1, window_bounds = array<i64: 2, 1024, 128>}, {transform_indices = @transform_2, window_bounds = array<i64: 1024, 128>}, {transform_indices = @transform_3, window_bounds = array<i64: 1024, 128>}]} {
    %get3A = arith.constant 0 : index
    %get3A_0 = arith.constant 0 : index
    %get3A_1 = arith.constant 0 : index
    %get3A_2 = vector.load %arg2[%get3A, %get3A_0, %get3A_1] : memref<2x1024x128xf32, #tpu.memory_space<vmem>>, vector<1x1024x1xf32>
    %get3A_3 = vector.shape_cast %get3A_2 : vector<1x1024x1xf32> to vector<1024x1xf32>
    %get3A_4 = arith.constant 1 : index
    %get3A_5 = arith.constant 0 : index
    %get3A_6 = arith.constant 0 : index
    %get3A_7 = vector.load %arg2[%get3A_4, %get3A_5, %get3A_6] : memref<2x1024x128xf32, #tpu.memory_space<vmem>>, vector<1x1024x1xf32>
    %get3A_8 = vector.shape_cast %get3A_7 : vector<1x1024x1xf32> to vector<1024x1xf32>
    %add3A = arith.addf %get3A_3, %get3A_8 : vector<1024x1xf32>
    %get3A_9 = arith.constant 0 : index
    %get3A_10 = arith.constant 0 : index
    %get3A_11 = arith.constant 0 : index
    %get3A_12 = vector.load %arg1[%get3A_9, %get3A_10, %get3A_11] : memref<2x1024x128xf32, #tpu.memory_space<vmem>>, vector<1x1024x128xf32>
    %get3A_13 = vector.shape_cast %get3A_12 : vector<1x1024x128xf32> to vector<1024x128xf32>
    %get3A_14 = arith.constant 1 : index
    %get3A_15 = arith.constant 0 : index
    %get3A_16 = arith.constant 0 : index
    %get3A_17 = vector.load %arg1[%get3A_14, %get3A_15, %get3A_16] : memref<2x1024x128xf32, #tpu.memory_space<vmem>>, vector<1x1024x128xf32>
    %get3A_18 = vector.shape_cast %get3A_17 : vector<1x1024x128xf32> to vector<1024x128xf32>
    %add3A_19 = arith.addf %get3A_13, %get3A_18 : vector<1024x128xf32>
    %max3A = arith.constant 1.000000e+00 : f32
    %max3A_20 = vector.broadcast %max3A : f32 to vector<1024x1xf32>
    %max3A_21 = arith.maximumf %add3A, %max3A_20 : vector<1024x1xf32>
    %div3A = vector.broadcast %max3A_21 : vector<1024x1xf32> to vector<1024x128xf32>
    %div3A_22 = arith.divf %add3A_19, %div3A : vector<1024x128xf32>
    %get3A_23 = arith.constant 0 : index
    %get3A_24 = arith.constant 0 : index
    %get3A_25 = vector.load %arg3[%get3A_23, %get3A_24] : memref<1024x128xf32, #tpu.memory_space<vmem>>, vector<1024x128xf32>
    %add3A_26 = arith.addf %div3A_22, %get3A_25 : vector<1024x128xf32>
    %mul3A = arith.mulf %add3A_26, %add3A_26 : vector<1024x128xf32>
    %reduce_sum3A = arith.constant dense<0.000000e+00> : vector<1024xf32>
    %reduce_sum3A_27 = vector.multi_reduction <add>, %mul3A, %reduce_sum3A [1] : vector<1024x128xf32> to vector<1024xf32>
    %broadcast_in_dim3A = vector.shape_cast %reduce_sum3A_27 : vector<1024xf32> to vector<1024x1xf32>
    %sqrt3A = math.sqrt %broadcast_in_dim3A : vector<1024x1xf32>
    %max3A_28 = arith.constant 9.99999996E-13 : f32
    %max3A_29 = vector.broadcast %max3A_28 : f32 to vector<1024x1xf32>
    %max3A_30 = arith.maximumf %sqrt3A, %max3A_29 : vector<1024x1xf32>
    %div3A_31 = vector.broadcast %max3A_30 : vector<1024x1xf32> to vector<1024x128xf32>
    %div3A_32 = arith.divf %add3A_26, %div3A_31 : vector<1024x128xf32>
    %swap3A = arith.constant 0 : index
    %swap3A_33 = arith.constant 0 : index
    %swap3A_34 = vector.load %arg4[%swap3A, %swap3A_33] : memref<1024x128xf32, #tpu.memory_space<vmem>>, vector<1024x128xf32>
    tpu.vector_store %arg4[%swap3A, %swap3A_33], %div3A_32 {strides = array<i32>} : memref<1024x128xf32, #tpu.memory_space<vmem>>, vector<1024x128xf32>,
    return
  }
  func.func @transform_0(%arg0: i32) -> (i32, i32, i32) {
    %c0_i32 = arith.constant 0 : i32
    %c0_i32_0 = arith.constant 0 : i32
    %c0_i32_1 = arith.constant 0 : i32
    return %c0_i32, %arg0, %c0_i32_0 : i32, i32, i32
  }
  func.func @transform_1(%arg0: i32) -> (i32, i32, i32) {
    %c0_i32 = arith.constant 0 : i32
    %c0_i32_0 = arith.constant 0 : i32
    %c0_i32_1 = arith.constant 0 : i32
    return %c0_i32, %arg0, %c0_i32_0 : i32, i32, i32
  }
  func.func @transform_2(%arg0: i32) -> (i32, i32) {
    %c0_i32 = arith.constant 0 : i32
    %c0_i32_0 = arith.constant 0 : i32
    return %arg0, %c0_i32 : i32, i32
  }
  func.func @transform_3(%arg0: i32) -> (i32, i32) {
    %c0_i32 = arith.constant 0 : i32
    %c0_i32_0 = arith.constant 0 : i32
    return %arg0, %c0_i32 : i32, i32
  }
}

</mosaic_0001>

<sc_bundles>
// kernel: kernel.11.cloned.1.call-start
scs
__scs_entry_jumppad:
0x0: {  	(pc) =	sbr.rel $0x88, $3  }
0x1: {  	(tag) =	ssettag $0x0;
	lr =	simm.s32 $0x1  }
0x2: {  	[smem:$0x3F99] =	sst lr;
	_ =	strace $0xD0000000  }
0x3: {  	_ = 	snop  }
0x4: {  	_ = 	snop  }
0x5: {  	_ = 	snop  }
0x6: {  	_ = 	snop  }
0x7: {  	_ = 	snop  }
__scs_overlays_trampoline_lowered:
0x8: {  	[smem:$0x3FA8] =	sst s0  }
0x9: {  	[smem:$0x3FA9] =	sst s1  }
0xa: {  	[smem:$0x3FAA] =	sst s2  }
0xb: {  	[smem:$0x3FAB] =	sst s3  }
0xc: {  	[smem:$0x3FAC] =	sst s4  }
0xd: {  	[smem:$0x3FAD] =	sst s5  }
0xe: {  	[smem:$0x3FAE] =	sst s6  }
0xf: {  	[smem:$0x3FAF] =	sst s7  }
0x10: {  	[smem:$0x3FB0] =	sst s8  }
0x11: {  	[smem:$0x3FB1] =	sst s9;
	s0 =	simm.s32 @!p0 $0x0  }
0x12: {  	s1 =	sld [smem:$0x3F97];
	s0 =	simm.s32 @p0 $0x1  }
0x13: {  	[smem:$0x3FB2] =	sst s0;
	s0 =	simm.s32 @!p1 $0x0  }
0x14: {  	s2 =	sld [smem:$0x3F96];
	s0 =	simm.s32 @p1 $0x1  }
0x15: {  	[smem:$0x3FB3] =	sst s0;
	s0 =	simm.s32 @!p2 $0x0  }
0x16: {  	s3 =	sld [smem:$0x3FDB];
	s0 =	simm.s32 @p2 $0x1  }
0x17: {  	s4 =	simm.s32 $0x1BF5;
	[smem:$0x3FB5] =	sst s0  }
0x18: {  	s0 =	sld [smem:$0x3F98];
	_ =	swait.ge [sflag:s4], $0x0  }
0x19: {  	s7 =	sld [smem:$0x3F99]  }
0x1a: {  	s8 =	sadd.s32 $0xFFFFE003, lr  }
0x1b: {  	s9 =	sadd.s32 $0xFFFFFEF7, lr;
	s5 =	simm.s32 $0xFFFFFFFF;
	p2 =	slt.u32 s8, $0xFFFFF086  }
0x1c: {  	p1 =	slt.u32 s9, $0xF7A;
	s5 =	simm.s32 @!p2 $0x0  }
0x1d: {  	s5 =	simm.s32 @p1 $0x1;
	p0 =	seq.s32 s7, s2  }
0x1e: {  	s7 =	smul.u32 @!p0 $0xF7A, s2;
	p2 =	seq.s32 @!p0 s5, $0x0  }
0x1f: {  	s9 =	smul.u32 $0xF7A, s1;
	s8 =	simm.s32 @!p0 $0x1BF5;
	p2 =	por !p2, p0  }
0x20: {  	[sflag:s8] =	ssyncset.s32 @!p0 $0xFFFFF086;
	s6 =	sadd.s32 @!p0 s3, s7;
	s7 =	simm.s32 @!p0 $0x108  }
0x21: {  	s3 =	sadd.s32 s3, s9;
	s6 =	sadd.s32 @!p0 $0x88, s6;
	s7 =	simm.s32 @p2 $0x1082  }
0x22: {  	[simem:s7], [sflag:s8] =	dma.local @!p0 [hbm:s6], $0xF7A  }
0x23: {  	s9 =	sor.u32 $0xD0000000, s2;
	s6 =	simm.s32 $0x108;
	_ =	swait.ge @!p0 [sflag:s8], $0x0  }
0x24: {  	s3 =	sadd.s32 $0x88, s3;
	s6 =	simm.s32 @!p1 $0x1082;
	[sflag:s4] =	ssyncset.s32 $0xFFFFF086  }
0x25: {  	[simem:s6], [sflag:s4] =	dma.local [hbm:s3], $0xF7A  }
0x26: {  	[smem:$0x3F99] =	sst s1;
	(tag) =	ssettag s2;
	_ =	strace s9  }
0x27: {  	s1 =	sld [smem:$0x3FA9]  }
0x28: {  	s2 =	sld [smem:$0x3FAA]  }
0x29: {  	s4 =	sld [smem:$0x3FAC]  }
0x2a: {  	p0 =	seq.s32 s5, $0x0;
	s5 =	sld [smem:$0x3FAD]  }
0x2b: {  	s6 =	sld [smem:$0x3FAE]  }
0x2c: {  	s7 =	sld [smem:$0x3FAF]  }
0x2d: {  	s3 =	simm.s32 $0x108;
	s8 =	sld [smem:$0x3FB0]  }
0x2e: {  	s3 =	simm.s32 @!p0 $0x1082;
	s9 =	sld [smem:$0x3FB1]  }
0x2f: {  	lr =	sadd.s32 s0, s3;
	s0 =	sld [smem:$0x3FA8]  }
0x30: {  	s3 =	sld [smem:$0x3FAB]  }
0x31: {  	[smem:$0x3FB4] =	sst s10  }
0x32: {  	s10 =	sld [smem:$0x3FB2];
	_ =	sdelay $0x3  }
0x33: {  	p0 =	seq.s32 s10, $0x1;
	s10 =	sld [smem:$0x3FB4];
	_ =	sdelay $0x3  }
0x34: {  	[smem:$0x3FB4] =	sst s10  }
0x35: {  	s10 =	sld [smem:$0x3FB3];
	_ =	sdelay $0x3  }
0x36: {  	p1 =	seq.s32 s10, $0x1;
	s10 =	sld [smem:$0x3FB4];
	_ =	sdelay $0x3  }
0x37: {  	[smem:$0x3FB4] =	sst s10  }
0x38: {  	s10 =	sld [smem:$0x3FB5]  }
0x39: {  	_ = 	snop;
	(pc) =	sbr.ind lr, $3  }
0x3a: {  	_ = 	snop  }
0x3b: {  	_ = 	snop  }
0x3c: {  	p2 =	seq.s32 s10, $0x1;
	s10 =	sld [smem:$0x3FB4]  }
0x3d: {  	_ =	shalt  }
0x3e: {  	_ =	shalt  }
0x3f: {  	_ =	shalt  }
0x40: {  	_ =	shalt  }
0x41: {  	_ =	shalt  }
0x42: {  	_ =	shalt  }
0x43: {  	_ =	shalt  }
0x44: {  	_ =	shalt  }
0x45: {  	_ =	shalt  }
0x46: {  	_ =	shalt  }
0x47: {  	_ =	shalt  }
0x48: {  	_ =	shalt  }
0x49: {  	_ =	shalt  }
0x4a: {  	_ =	shalt  }
0x4b: {  	_ =	shalt  }
0x4c: {  	_ =	shalt  }
0x4d: {  	_ =	shalt  }
0x4e: {  	_ =	shalt  }
0x4f: {  	_ =	shalt  }
0x50: {  	_ =	shalt  }
0x51: {  	_ =	shalt  }
0x52: {  	_ =	shalt  }
0x53: {  	_ =	shalt  }
0x54: {  	_ =	shalt  }
0x55: {  	_ =	shalt  }
0x56: {  	_ =	shalt  }
0x57: {  	_ =	shalt  }
0x58: {  	_ =	shalt  }
0x59: {  	_ =	shalt  }
0x5a: {  	_ =	shalt  }
0x5b: {  	_ =	shalt  }
0x5c: {  	_ =	shalt  }
0x5d: {  	_ =	shalt  }
0x5e: {  	_ =	shalt  }
0x5f: {  	_ =	shalt  }
0x60: {  	_ =	shalt  }
0x61: {  	_ =	shalt  }
0x62: {  	_ =	shalt  }
0x63: {  	_ =	shalt  }
0x64: {  	_ =	shalt  }
0x65: {  	_ =	shalt  }
0x66: {  	_ =	shalt  }
0x67: {  	_ =	shalt  }
0x68: {  	_ =	shalt  }
0x69: {  	_ =	shalt  }
0x6a: {  	_ =	shalt  }
0x6b: {  	_ =	shalt  }
0x6c: {  	_ =	shalt  }
0x6d: {  	_ =	shalt  }
0x6e: {  	_ =	shalt  }
0x6f: {  	_ =	shalt  }
0x70: {  	_ =	shalt  }
0x71: {  	_ =	shalt  }
0x72: {  	_ =	shalt  }
0x73: {  	_ =	shalt  }
0x74: {  	_ =	shalt  }
0x75: {  	_ =	shalt  }
0x76: {  	_ =	shalt  }
0x77: {  	_ =	shalt  }
0x78: {  	_ =	shalt  }
0x79: {  	_ =	shalt  }
0x7a: {  	_ =	shalt  }
0x7b: {  	_ =	shalt  }
0x7c: {  	_ =	shalt  }
0x7d: {  	_ =	shalt  }
0x7e: {  	_ =	shalt  }
0x7f: {  	_ =	shalt  }
0x80: {  	_ =	shalt  }
0x81: {  	_ =	shalt  }
0x82: {  	_ =	shalt  }
0x83: {  	_ =	shalt  }
0x84: {  	_ =	shalt  }
0x85: {  	_ =	shalt  }
0x86: {  	_ =	shalt  }
0x87: {  	_ =	shalt  }
.Lfunc_end0:
.L_simem_size_0:
called_computation.1_lowered:
.L_overlay_start_0:
0x88: {  	s2 =	sld [smem:$0x3FD9]  }
0x89: {  	s3 =	sld [smem:$0x3FFE];
	_ =	sdelay $0x1  }
0x8a: {  	s1 =	srdreg.scid  }
0x8b: {  	s0 =	sand.u32 $0x1, s1  }
0x8c: {  	s17 =	sshll.u32 s0, $0xA;
	s2 =	sadd.s32 s3, s2  }
0x8d: {  	s2 =	sadd.s32 s2, s17  }
0x8e: {  	[smem:$0x3FC0] =	sst s2  }
0x8f: {  	_ = 	snop  }
0x90: {  	s2 =	sld [smem:$0x3FD0];
	(tm) =	ssettm $0x1  }
0x91: {  	s18 =	sld [smem:$0x3FFB];
	_ =	sdelay $0x3  }
0x92: {  	_ =	strace s18  }
0x93: {  	s3 =	sld [smem:$0x3FFC];
	_ =	sdelay $0x3  }
0x94: {  	_ =	strace s3  }
0x95: {  	s3 =	sld [smem:$0x3FFD];
	_ =	sdelay $0x3  }
0x96: {  	_ =	strace s3  }
0x97: {  	_ =	strace $0x8FFFFFFF  }
0x98: {  	s19 =	sld [smem:$0x3FDB];
	_ =	sdelay $0x1  }
0x99: {  	s4 =	simm.s32 $_scs_section_size  }
0x9a: {  	s5 =	simm.s32 $_size__tile_overlayer_lowered;
	s6 =	simm.s32 $_tile_overlayer_lowered  }
0x9b: {  	s22 =	simm.s32 $0x1BFF;
	s21 =	sshll.u32 s6, $0x1;
	s3 =	sadd.s32 s4, s19  }
0x9c: {  	s7 =	simm.s32 $0x0;
	s20 =	sshll.u32 s5, $0x1;
	s5 =	sadd.s32 s21, s3  }
0x9d: {  	[timem:s7], [sflag:s22] =	dma.local [hbm:s5], s20  }
0x9e: {  	_ =	swait.ge [sflag:s22], s20  }
0x9f: {  	s4 =	ssub.s32 $0x0, s20;
	[sflag:s22] =	ssyncset.done $0x0  }
0xa0: {  	[sflag:s22] =	ssyncadd.s32 s4;
	_ =	sdelay $0x1  }
0xa1: {  	s23 =	simm.s32 $0x1B8B  }
0xa2: {  	_ =	swait.ge [sflag:s23], $0x1  }
0xa3: {  	[sflag:s23] =	ssyncset.done $0x0  }
0xa4: {  	s25 =	simm.s32 $0x1B8E;
	s24 =	sld [smem:$0x3FFE];
	[sflag:s23] =	ssyncadd.s32 $0xFFFFFFFF  }
0xa5: {  	s26 =	simm.s32 $execute0_lowered;
	[smem:$0x3FD2] =	sst s25  }
0xa6: {  	s5 =	sshll.u32 s26, $0x1;
	_ =	strace $0x80000046;
	[dreg:$0x1] =	wrdreg $0xFFFFFFFF  }
0xa7: {  	s28 =	simm.s32 $_size_execute0_lowered;
	s3 =	sadd.s32 s3, s5;
	[dreg:$0x0] =	wrdreg $0x0  }
0xa8: {  	s5 =	sshll.u32 s28, $0x1;
	[dreg:$0x2] =	wrdreg s3  }
0xa9: {  	[dreg:$0x3] =	wrdreg s5  }
0xaa: {  	[dreg:$0x4] =	wrdreg $0xC0  }
0xab: {  	_ =	task [dreg:s7], $0x5FFFF  }
0xac: {  	[dreg:$0x1] =	wrdreg $0xFFFFFFFF  }
0xad: {  	[dreg:$0x0] =	wrdreg $0x60  }
0xae: {  	[dreg:$0x2] =	wrdreg s24  }
0xaf: {  	[dreg:$0x3] =	wrdreg s2  }
0xb0: {  	[dreg:$0x4] =	wrdreg $0x88000  }
0xb1: {  	[dreg:$0x5] =	wrdreg $0xA  }
0xb2: {  	_ =	task.clear_ibuf [dreg:s7], $0x6FFFF;
	_ =	strace $0x90000046  }
0xb3: {  	s29 =	simm.s32 $0xA;
	_ =	strace $0x80000048  }
0xb4: {  	_ =	swait.ge [sflag:s29], $0x1  }
0xb5: {  	[sflag:s29] =	ssyncadd.s32 $0xFFFFFFFF  }
0xb6: {  	_ =	strace $0x90000048  }
0xb7: {  	_ =	sfence  }
0xb8: {  	s30 =	sld [smem:$0x0];
	_ =	sdelay $0x2  }
0xb9: {  	s31 =	sshll.u32 s1, $0xD;
	s1 =	sshrl.u32 s1, $0x2  }
0xba: {  	s3 =	sand.u32 $0x4000, s31;
	s1 =	sadd.s32 s1, s30  }
0xbb: {  	s0 =	sor.u32 s3, s0;
	s1 =	sshll.u32 s1, $0x11  }
0xbc: {  	s0 =	sor.u32 s1, s0  }
0xbd: {  	s0 =	sadd.s32 $0x8F2B, s0  }
0xbe: {  	[sflag:s0] =	ssyncadd.remote.s32 $0x1  }
0xbf: {  	_ =	sfence.sel $0xFFFF  }
0xc0: {  	[dreg:$0x0] =	wrdreg $0xFFFFFFFF;
	(pc) =	sbr.abs _section_cstart, $3  }
0xc1: {  	[dreg:$0x1] =	wrdreg $0xFFFFFFFF  }
0xc2: {  	_ =	task.clear_ibuf [dreg:s7], $0x2FFFF;
	_ =	strace $0x9FFFFFFF  }
0xc3: {  	(tm) =	ssettm $0x7FFFFFFF  }
tec
execute0_lowered:
.L_overlay_start_1:
0x0: {  	(tag) =	ssettag $0x1  }
0x1: {  	s1 =	rddreg [dreg:$0x0]  }
0x2: {  	s0 =	srdreg.scid;
	s6 =	rddreg [dreg:$0x1]  }
0x3: {  	s10 =	stileid.u32;
	s2 =	rddreg [dreg:$0x2];
	s13 =	simm.s32 $0x800  }
0x4: {  	s14 =	simm.s32 $0x3;
	s15 =	simm.s32 $0x400;
	s16 =	simm.s32 $0x80  }
0x5: {  	s17 =	simm.s32 $0x4800;
	s18 =	simm.s32 $0x1;
	s19 =	simm.s32 $0x100  }
0x6: {  	s20 =	simm.s32 $0x2;
	s21 =	simm.s32 $0x480;
	s28 =	simm.s32 $0x280  }
0x7: {  	s29 =	simm.s32 $0x600;
	s30 =	simm.s32 $0x300;
	s8 =	smul.u32 $0x50000, s10  }
0x8: {  	s31 =	simm.s32 $0x680;
	s0 =	sand.u32 $0x1, s0;
	s11 =	smul.u32 $0x2800, s10  }
0x9: {  	s3 =	sshll.u32 s0, $0x4;
	s5 =	smul.u32 $0x28000, s0;
	s0 =	ssub.s32 $0x2, s0  }
0xa: {  	s4 =	sor.u32 s10, s3;
	s3 =	simm.s32 $0x0;
	s26 =	sshrl.u32 s0, $0x1  }
0xb: {  	s8 =	sshrl.u32 s8, $0x2;
	s7 =	smul.u32 $0x500, s4;
	[smem:$0x7FF] =	sst s3  }
0xc: {  	s4 =	sadd.s32 $0xBE00, s1;
	s0 =	ssub.s32 s0, s26;
	s12 =	sadd.s32 s8, s2  }
0xd: {  	_ =	strace $0x80000047;
	s0 =	smax.u32 s0, $0x1;
	[dreg:$0x4] =	wrdreg s12  }
0xe: {  	s8 =	simm.s32 $0x780;
	s22 =	sadd.s32 $0x4000, s12;
	[dreg:$0x5] =	wrdreg s0  }
0xf: {  	s23 =	sadd.s32 $0x8000, s12;
	s24 =	sadd.s32 $0xC000, s12;
	[dreg:$0x6] =	wrdreg s22  }
0x10: {  	s25 =	sadd.s32 $0x10000, s12;
	s9 =	sadd.s32 s7, s1;
	[dreg:$0x7] =	wrdreg s23  }
0x11: {  	s1 =	sadd.s32 s5, s1;
	s6 =	sadd.s32 s6, s7;
	[dreg:$0x8] =	wrdreg s24  }
0x12: {  	[dreg:$0x9] =	wrdreg s25;
	s22 =	simm.s32 $0x180;
	s23 =	simm.s32 $0x500  }
0x13: {  	s25 =	simm.s32 $0x200;
	s0 =	simm.s32 $0x700;
	s1 =	sadd.s32 $0x33E00, s1  }
0x14: {  	s7 =	sadd.s32 $0x1E00, s9;
	s9 =	simm.s32 $0x0;
	s26 =	sadd.s32 s11, s1  }
0x15: {  	v0 =	vimm.f32 $0.0e+00;
	s1 =	simm.s32 $0x380;
	[dreg:$0xa] =	wrdreg s26;
	s26 =	simm.s32 $0x580  }
.LBB2_1:
0x16: {  	s10 =	simm.s32 $0x0;
	s11 =	simm.s32 $0x200  }
.LBB2_2:
0x17: {  	p0 =	sne.s32 s11, $0xFE00;
	[tilespmem:s10+$0x870] =	vst v0  }
0x18: {  	[tilespmem:s10+$0x800] =	vst v0  }
0x19: {  	[tilespmem:s10+$0x810] =	vst v0  }
.Ltmp0:
0x1a: {  	[tilespmem:s10+$0x820] =	vst v0;
	(pc) =	sbr.rel @p0 .LBB2_2-.Ltmp0, $4  }
0x1b: {  	[tilespmem:s10+$0x830] =	vst v0  }
0x1c: {  	[tilespmem:s10+$0x840] =	vst v0  }
0x1d: {  	[tilespmem:s10+$0x850] =	vst v0  }
0x1e: {  	[tilespmem:s10+$0x860] =	vst v0;
	s10 =	sshra.s32 s11, $0x2;
	s11 =	sadd.s32 $0x200, s11  }
0x1f: {  	[tilespmem:s10+$0x870] =	vst v0  }
0x20: {  	[tilespmem:s10+$0x800] =	vst v0  }
0x21: {  	[tilespmem:s10+$0x810] =	vst v0  }
0x22: {  	[tilespmem:s10+$0x820] =	vst v0  }
0x23: {  	[tilespmem:s10+$0x830] =	vst v0  }
0x24: {  	[tilespmem:s10+$0x840] =	vst v0  }
0x25: {  	[tilespmem:s10+$0x850] =	vst v0  }
0x26: {  	[tilespmem:s10+$0x860] =	vst v0  }
0x27: {  	[spmem:s12] =	stream.linear.scatter [tilespmem:s13], [sflag:$0x3], $0x4000, $0x38;
	[tilespmem:$0x1C800] =	vst v63  }
0x28: {  	_ =	swait.ge [sflag:s14], $0x4000  }
0x29: {  	[sflag:s14] =	ssyncset.done $0x0  }
0x2a: {  	s5 =	rddreg [dreg:$0x6];
	[sflag:s14] =	ssyncadd.s32 $0xFFFFC000  }
0x2b: {  	[spmem:s5] =	stream.linear.scatter [tilespmem:s13], [sflag:$0x3], $0x4000, $0x38;
	[tilespmem:$0x1C800] =	vst v63  }
0x2c: {  	_ =	swait.ge [sflag:s14], $0x4000  }
0x2d: {  	[sflag:s14] =	ssyncset.done $0x0  }
0x2e: {  	s24 =	rddreg [dreg:$0x7];
	[sflag:s14] =	ssyncadd.s32 $0xFFFFC000  }
0x2f: {  	[spmem:s24] =	stream.linear.scatter [tilespmem:s13], [sflag:$0x3], $0x4000, $0x38;
	[tilespmem:$0x1C800] =	vst v63  }
0x30: {  	_ =	swait.ge [sflag:s14], $0x4000  }
0x31: {  	[sflag:s14] =	ssyncset.done $0x0  }
0x32: {  	s10 =	rddreg [dreg:$0x8];
	[sflag:s14] =	ssyncadd.s32 $0xFFFFC000  }
0x33: {  	[spmem:s10] =	stream.linear.scatter [tilespmem:s13], [sflag:$0x3], $0x4000, $0x38;
	[tilespmem:$0x1C800] =	vst v63  }
0x34: {  	_ =	swait.ge [sflag:s14], $0x4000  }
0x35: {  	[sflag:s14] =	ssyncset.done $0x0  }
0x36: {  	s11 =	rddreg [dreg:$0x9];
	[sflag:s14] =	ssyncadd.s32 $0xFFFFC000  }
0x37: {  	[spmem:s11] =	stream.linear.scatter [tilespmem:s13], [sflag:$0x3], $0x4000, $0x38;
	[tilespmem:$0x1C800] =	vst v63  }
0x38: {  	_ =	swait.ge [sflag:s14], $0x4000  }
0x39: {  	[sflag:s14] =	ssyncset.done $0x0  }
0x3a: {  	[sflag:s14] =	ssyncadd.s32 $0xFFFFC000  }
0x3b: {  	s12 =	sadd.s32 $0x0, s6;
	[bflag:$0x0] =	sbarrier.arrive $0xFFFF  }
0x3c: {  	[tilespmem:s3], [sflag:$0x3] =	stream.linear.gather [hbm4b:s12+s3], $0x400, $0x38;
	[tilespmem:$0x1C800] =	vst v63  }
0x3d: {  	_ =	swait.ge [sflag:s14], $0x400  }
0x3e: {  	[sflag:s14] =	ssyncset.done $0x0  }
0x3f: {  	s24 =	sadd.s32 $0x0, s7;
	[sflag:s14] =	ssyncadd.s32 $0xFFFFFC00  }
0x40: {  	[tilespmem:s15], [sflag:$0x3] =	stream.linear.gather [hbm4b:s24+s3], $0x400, $0x38;
	[tilespmem:$0x1C800] =	vst v63  }
0x41: {  	_ =	swait.ge [sflag:s14], $0x400  }
0x42: {  	[sflag:s14] =	ssyncset.done $0x0  }
0x43: {  	[sflag:s14] =	ssyncadd.s32 $0xFFFFFC00  }
0x44: {  	[tilespmem:s13], [sflag:$0x1] =	stream.indirect.gather [hbm4b:s4+s16], $0x80, s3, s16, $0xb8;
	[tilespmem:$0x1C800] =	vst v63  }
0x45: {  	_ = 	snop  }
0x46: {  	[tilespmem:s17], [sflag:$0x2] =	stream.indirect.gather [hbm4b:s4+s16], $0x80, s16, s16, $0xb8;
	[tilespmem:$0x1C800] =	vst v63  }
0x47: {  	_ =	swait.ge [sflag:s18], $0x4000  }
0x48: {  	[sflag:s18] =	ssyncset.done $0x0  }
0x49: {  	[sflag:s18] =	ssyncadd.s32 $0xFFFFC000  }
0x4a: {  	[spmem:s2] =	stream.indirect.scatter.add.f32 [tilespmem:s13], [sflag:$0x3], $0x80, s15, s16, $0xb8;
	[tilespmem:$0x1C800] =	vst v63  }
0x4b: {  	_ =	swait.ge [sflag:s14], $0x4000  }
0x4c: {  	[sflag:s14] =	ssyncset.done $0x0  }
0x4d: {  	[sflag:s14] =	ssyncadd.s32 $0xFFFFC000  }
0x4e: {  	[tilespmem:s13], [sflag:$0x1] =	stream.indirect.gather [hbm4b:s4+s16], $0x80, s19, s16, $0xb8;
	[tilespmem:$0x1C800] =	vst v63  }
0x4f: {  	_ =	swait.ge [sflag:s20], $0x4000  }
0x50: {  	[sflag:s20] =	ssyncset.done $0x0  }
0x51: {  	[sflag:s20] =	ssyncadd.s32 $0xFFFFC000  }
0x52: {  	[spmem:s2] =	stream.indirect.scatter.add.f32 [tilespmem:s17], [sflag:$0x3], $0x80, s21, s16, $0xb8;
	[tilespmem:$0x1C800] =	vst v63  }
0x53: {  	_ =	swait.ge [sflag:s14], $0x4000  }
0x54: {  	[sflag:s14] =	ssyncset.done $0x0  }
0x55: {  	[sflag:s14] =	ssyncadd.s32 $0xFFFFC000  }
0x56: {  	[tilespmem:s17], [sflag:$0x2] =	stream.indirect.gather [hbm4b:s4+s16], $0x80, s22, s16, $0xb8;
	[tilespmem:$0x1C800] =	vst v63  }
0x57: {  	_ =	swait.ge [sflag:s18], $0x4000  }
0x58: {  	[sflag:s18] =	ssyncset.done $0x0  }
0x59: {  	[sflag:s18] =	ssyncadd.s32 $0xFFFFC000  }
0x5a: {  	[spmem:s2] =	stream.indirect.scatter.add.f32 [tilespmem:s13], [sflag:$0x3], $0x80, s23, s16, $0xb8;
	[tilespmem:$0x1C800] =	vst v63  }
0x5b: {  	_ =	swait.ge [sflag:s14], $0x4000  }
0x5c: {  	[sflag:s14] =	ssyncset.done $0x0  }
0x5d: {  	[sflag:s14] =	ssyncadd.s32 $0xFFFFC000  }
0x5e: {  	[tilespmem:s13], [sflag:$0x1] =	stream.indirect.gather [hbm4b:s4+s16], $0x80, s25, s16, $0xb8;
	[tilespmem:$0x1C800] =	vst v63  }
0x5f: {  	_ =	swait.ge [sflag:s20], $0x4000  }
0x60: {  	[sflag:s20] =	ssyncset.done $0x0  }
0x61: {  	[sflag:s20] =	ssyncadd.s32 $0xFFFFC000  }
0x62: {  	[spmem:s2] =	stream.indirect.scatter.add.f32 [tilespmem:s17], [sflag:$0x3], $0x80, s26, s16, $0xb8;
	[tilespmem:$0x1C800] =	vst v63  }
0x63: {  	_ =	swait.ge [sflag:s14], $0x4000  }
0x64: {  	[sflag:s14] =	ssyncset.done $0x0  }
0x65: {  	[sflag:s14] =	ssyncadd.s32 $0xFFFFC000  }
0x66: {  	[tilespmem:s17], [sflag:$0x2] =	stream.indirect.gather [hbm4b:s4+s16], $0x80, s28, s16, $0xb8;
	[tilespmem:$0x1C800] =	vst v63  }
0x67: {  	_ =	swait.ge [sflag:s18], $0x4000  }
0x68: {  	[sflag:s18] =	ssyncset.done $0x0  }
0x69: {  	[sflag:s18] =	ssyncadd.s32 $0xFFFFC000  }
0x6a: {  	[spmem:s2] =	stream.indirect.scatter.add.f32 [tilespmem:s13], [sflag:$0x3], $0x80, s29, s16, $0xb8;
	[tilespmem:$0x1C800] =	vst v63  }
0x6b: {  	_ =	swait.ge [sflag:s14], $0x4000  }
0x6c: {  	[sflag:s14] =	ssyncset.done $0x0  }
0x6d: {  	[sflag:s14] =	ssyncadd.s32 $0xFFFFC000  }
0x6e: {  	[tilespmem:s13], [sflag:$0x1] =	stream.indirect.gather [hbm4b:s4+s16], $0x80, s30, s16, $0xb8;
	[tilespmem:$0x1C800] =	vst v63  }
0x6f: {  	_ =	swait.ge [sflag:s20], $0x4000  }
0x70: {  	[sflag:s20] =	ssyncset.done $0x0  }
0x71: {  	[sflag:s20] =	ssyncadd.s32 $0xFFFFC000  }
0x72: {  	[spmem:s2] =	stream.indirect.scatter.add.f32 [tilespmem:s17], [sflag:$0x3], $0x80, s31, s16, $0xb8;
	[tilespmem:$0x1C800] =	vst v63  }
0x73: {  	_ =	swait.ge [sflag:s14], $0x4000  }
0x74: {  	[sflag:s14] =	ssyncset.done $0x0  }
0x75: {  	[sflag:s14] =	ssyncadd.s32 $0xFFFFC000  }
0x76: {  	[tilespmem:s17], [sflag:$0x2] =	stream.indirect.gather [hbm4b:s4+s16], $0x80, s1, s16, $0xb8;
	[tilespmem:$0x1C800] =	vst v63  }
0x77: {  	_ =	swait.ge [sflag:s18], $0x4000  }
0x78: {  	[sflag:s18] =	ssyncset.done $0x0  }
0x79: {  	[sflag:s18] =	ssyncadd.s32 $0xFFFFC000  }
0x7a: {  	[spmem:s2] =	stream.indirect.scatter.add.f32 [tilespmem:s13], [sflag:$0x3], $0x80, s0, s16, $0xb8;
	[tilespmem:$0x1C800] =	vst v63  }
0x7b: {  	_ =	swait.ge [sflag:s14], $0x4000  }
0x7c: {  	[sflag:s14] =	ssyncset.done $0x0  }
0x7d: {  	[sflag:s14] =	ssyncadd.s32 $0xFFFFC000  }
0x7e: {  	_ =	swait.ge [sflag:s20], $0x4000  }
0x7f: {  	[sflag:s20] =	ssyncset.done $0x0  }
0x80: {  	[sflag:s20] =	ssyncadd.s32 $0xFFFFC000  }
0x81: {  	[spmem:s2] =	stream.indirect.scatter.add.f32 [tilespmem:s17], [sflag:$0x3], $0x80, s8, s16, $0xb8;
	[tilespmem:$0x1C800] =	vst v63  }
0x82: {  	_ =	swait.ge [sflag:s14], $0x4000  }
0x83: {  	s10 =	simm.s32 $0x80;
	s11 =	simm.s32 $0x100;
	[sflag:s14] =	ssyncset.done $0x0  }
.LBB2_4:
0x84: {  	s24 =	sadd.s32 s10, s6  }
0x85: {  	[sflag:s14] =	ssyncadd.s32 $0xFFFFC000;
	s5 =	smov.u32 s11;
	s12 =	sadd.s32 $0x80, s11  }
0x86: {  	[tilespmem:s3], [sflag:$0x3] =	stream.linear.gather [hbm4b:s24+s3], $0x400, $0x38;
	[tilespmem:$0x1C800] =	vst v63  }
0x87: {  	p0 =	sne.s32 s11, $0x480;
	_ =	swait.ge [sflag:s14], $0x400  }
0x88: {  	[sflag:s14] =	ssyncset.done $0x0  }
0x89: {  	s11 =	sadd.s32 s10, s7;
	s10 =	smov.u32 s5;
	[sflag:s14] =	ssyncadd.s32 $0xFFFFFC00  }
0x8a: {  	[tilespmem:s15], [sflag:$0x3] =	stream.linear.gather [hbm4b:s11+s3], $0x400, $0x38;
	[tilespmem:$0x1C800] =	vst v63  }
0x8b: {  	_ =	swait.ge [sflag:s14], $0x400  }
0x8c: {  	[sflag:s14] =	ssyncset.done $0x0  }
0x8d: {  	[sflag:s14] =	ssyncadd.s32 $0xFFFFFC00  }
0x8e: {  	[tilespmem:s13], [sflag:$0x1] =	stream.indirect.gather [hbm4b:s4+s16], $0x80, s3, s16, $0xb8;
	[tilespmem:$0x1C800] =	vst v63  }
0x8f: {  	_ = 	snop  }
0x90: {  	[tilespmem:s17], [sflag:$0x2] =	stream.indirect.gather [hbm4b:s4+s16], $0x80, s16, s16, $0xb8;
	[tilespmem:$0x1C800] =	vst v63  }
0x91: {  	_ =	swait.ge [sflag:s18], $0x4000  }
0x92: {  	[sflag:s18] =	ssyncset.done $0x0  }
0x93: {  	[sflag:s18] =	ssyncadd.s32 $0xFFFFC000  }
0x94: {  	[spmem:s2] =	stream.indirect.scatter.add.f32 [tilespmem:s13], [sflag:$0x3], $0x80, s15, s16, $0xb8;
	[tilespmem:$0x1C800] =	vst v63  }
0x95: {  	_ =	swait.ge [sflag:s14], $0x4000  }
0x96: {  	[sflag:s14] =	ssyncset.done $0x0  }
0x97: {  	[sflag:s14] =	ssyncadd.s32 $0xFFFFC000  }
0x98: {  	[tilespmem:s13], [sflag:$0x1] =	stream.indirect.gather [hbm4b:s4+s16], $0x80, s19, s16, $0xb8;
	[tilespmem:$0x1C800] =	vst v63  }
0x99: {  	_ =	swait.ge [sflag:s20], $0x4000  }
0x9a: {  	[sflag:s20] =	ssyncset.done $0x0  }
0x9b: {  	[sflag:s20] =	ssyncadd.s32 $0xFFFFC000  }
0x9c: {  	[spmem:s2] =	stream.indirect.scatter.add.f32 [tilespmem:s17], [sflag:$0x3], $0x80, s21, s16, $0xb8;
	[tilespmem:$0x1C800] =	vst v63  }
0x9d: {  	_ =	swait.ge [sflag:s14], $0x4000  }
0x9e: {  	[sflag:s14] =	ssyncset.done $0x0  }
0x9f: {  	[sflag:s14] =	ssyncadd.s32 $0xFFFFC000  }
0xa0: {  	[tilespmem:s17], [sflag:$0x2] =	stream.indirect.gather [hbm4b:s4+s16], $0x80, s22, s16, $0xb8;
	[tilespmem:$0x1C800] =	vst v63  }
0xa1: {  	_ =	swait.ge [sflag:s18], $0x4000  }
0xa2: {  	[sflag:s18] =	ssyncset.done $0x0  }
0xa3: {  	[sflag:s18] =	ssyncadd.s32 $0xFFFFC000  }
0xa4: {  	[spmem:s2] =	stream.indirect.scatter.add.f32 [tilespmem:s13], [sflag:$0x3], $0x80, s23, s16, $0xb8;
	[tilespmem:$0x1C800] =	vst v63  }
0xa5: {  	_ =	swait.ge [sflag:s14], $0x4000  }
0xa6: {  	[sflag:s14] =	ssyncset.done $0x0  }
0xa7: {  	[sflag:s14] =	ssyncadd.s32 $0xFFFFC000  }
0xa8: {  	[tilespmem:s13], [sflag:$0x1] =	stream.indirect.gather [hbm4b:s4+s16], $0x80, s25, s16, $0xb8;
	[tilespmem:$0x1C800] =	vst v63  }
0xa9: {  	_ =	swait.ge [sflag:s20], $0x4000  }
0xaa: {  	[sflag:s20] =	ssyncset.done $0x0  }
0xab: {  	[sflag:s20] =	ssyncadd.s32 $0xFFFFC000  }
0xac: {  	[spmem:s2] =	stream.indirect.scatter.add.f32 [tilespmem:s17], [sflag:$0x3], $0x80, s26, s16, $0xb8;
	[tilespmem:$0x1C800] =	vst v63  }
0xad: {  	_ =	swait.ge [sflag:s14], $0x4000  }
0xae: {  	[sflag:s14] =	ssyncset.done $0x0  }
0xaf: {  	[sflag:s14] =	ssyncadd.s32 $0xFFFFC000  }
0xb0: {  	[tilespmem:s17], [sflag:$0x2] =	stream.indirect.gather [hbm4b:s4+s16], $0x80, s28, s16, $0xb8;
	[tilespmem:$0x1C800] =	vst v63  }
0xb1: {  	_ =	swait.ge [sflag:s18], $0x4000  }
0xb2: {  	[sflag:s18] =	ssyncset.done $0x0  }
0xb3: {  	[sflag:s18] =	ssyncadd.s32 $0xFFFFC000  }
0xb4: {  	[spmem:s2] =	stream.indirect.scatter.add.f32 [tilespmem:s13], [sflag:$0x3], $0x80, s29, s16, $0xb8;
	[tilespmem:$0x1C800] =	vst v63  }
0xb5: {  	_ =	swait.ge [sflag:s14], $0x4000  }
0xb6: {  	[sflag:s14] =	ssyncset.done $0x0  }
0xb7: {  	[sflag:s14] =	ssyncadd.s32 $0xFFFFC000  }
0xb8: {  	[tilespmem:s13], [sflag:$0x1] =	stream.indirect.gather [hbm4b:s4+s16], $0x80, s30, s16, $0xb8;
	[tilespmem:$0x1C800] =	vst v63  }
0xb9: {  	_ =	swait.ge [sflag:s20], $0x4000  }
0xba: {  	[sflag:s20] =	ssyncset.done $0x0  }
0xbb: {  	[sflag:s20] =	ssyncadd.s32 $0xFFFFC000  }
0xbc: {  	[spmem:s2] =	stream.indirect.scatter.add.f32 [tilespmem:s17], [sflag:$0x3], $0x80, s31, s16, $0xb8;
	[tilespmem:$0x1C800] =	vst v63  }
0xbd: {  	_ =	swait.ge [sflag:s14], $0x4000  }
0xbe: {  	[sflag:s14] =	ssyncset.done $0x0  }
0xbf: {  	[sflag:s14] =	ssyncadd.s32 $0xFFFFC000  }
0xc0: {  	[tilespmem:s17], [sflag:$0x2] =	stream.indirect.gather [hbm4b:s4+s16], $0x80, s1, s16, $0xb8;
	[tilespmem:$0x1C800] =	vst v63  }
0xc1: {  	_ =	swait.ge [sflag:s18], $0x4000  }
0xc2: {  	[sflag:s18] =	ssyncset.done $0x0  }
0xc3: {  	[sflag:s18] =	ssyncadd.s32 $0xFFFFC000  }
0xc4: {  	[spmem:s2] =	stream.indirect.scatter.add.f32 [tilespmem:s13], [sflag:$0x3], $0x80, s0, s16, $0xb8;
	[tilespmem:$0x1C800] =	vst v63  }
0xc5: {  	_ =	swait.ge [sflag:s14], $0x4000  }
0xc6: {  	[sflag:s14] =	ssyncset.done $0x0  }
0xc7: {  	[sflag:s14] =	ssyncadd.s32 $0xFFFFC000  }
0xc8: {  	_ =	swait.ge [sflag:s20], $0x4000  }
.Ltmp1:
0xc9: {  	[sflag:s20] =	ssyncset.done $0x0;
	(pc) =	sbr.rel @p0 .LBB2_4-.Ltmp1, $4  }
0xca: {  	[sflag:s20] =	ssyncadd.s32 $0xFFFFC000  }
0xcb: {  	[spmem:s2] =	stream.indirect.scatter.add.f32 [tilespmem:s17], [sflag:$0x3], $0x80, s8, s16, $0xb8;
	[tilespmem:$0x1C800] =	vst v63  }
0xcc: {  	_ =	swait.ge [sflag:s14], $0x4000  }
0xcd: {  	s11 =	smov.u32 s12;
	[sflag:s14] =	ssyncset.done $0x0  }
0xce: {  	s5 =	sadd.s32 s10, s6;
	[sflag:s14] =	ssyncadd.s32 $0xFFFFC000  }
0xcf: {  	[tilespmem:s3], [sflag:$0x3] =	stream.linear.gather [hbm4b:s5+s3], $0x400, $0x38;
	[tilespmem:$0x1C800] =	vst v63  }
0xd0: {  	_ =	swait.ge [sflag:s14], $0x400  }
0xd1: {  	[sflag:s14] =	ssyncset.done $0x0  }
0xd2: {  	s11 =	sadd.s32 s10, s7;
	[sflag:s14] =	ssyncadd.s32 $0xFFFFFC00  }
0xd3: {  	[tilespmem:s15], [sflag:$0x3] =	stream.linear.gather [hbm4b:s11+s3], $0x400, $0x38;
	[tilespmem:$0x1C800] =	vst v63  }
0xd4: {  	_ =	swait.ge [sflag:s14], $0x400  }
0xd5: {  	[sflag:s14] =	ssyncset.done $0x0  }
0xd6: {  	[sflag:s14] =	ssyncadd.s32 $0xFFFFFC00  }
0xd7: {  	[tilespmem:s13], [sflag:$0x1] =	stream.indirect.gather [hbm4b:s4+s16], $0x80, s3, s16, $0xb8;
	[tilespmem:$0x1C800] =	vst v63  }
0xd8: {  	_ = 	snop  }
0xd9: {  	[tilespmem:s17], [sflag:$0x2] =	stream.indirect.gather [hbm4b:s4+s16], $0x80, s16, s16, $0xb8;
	[tilespmem:$0x1C800] =	vst v63  }
0xda: {  	_ =	swait.ge [sflag:s18], $0x4000  }
0xdb: {  	[sflag:s18] =	ssyncset.done $0x0  }
0xdc: {  	[sflag:s18] =	ssyncadd.s32 $0xFFFFC000  }
0xdd: {  	[spmem:s2] =	stream.indirect.scatter.add.f32 [tilespmem:s13], [sflag:$0x3], $0x80, s15, s16, $0xb8;
	[tilespmem:$0x1C800] =	vst v63  }
0xde: {  	_ =	swait.ge [sflag:s14], $0x4000  }
0xdf: {  	[sflag:s14] =	ssyncset.done $0x0  }
0xe0: {  	[sflag:s14] =	ssyncadd.s32 $0xFFFFC000  }
0xe1: {  	[tilespmem:s13], [sflag:$0x1] =	stream.indirect.gather [hbm4b:s4+s16], $0x80, s19, s16, $0xb8;
	[tilespmem:$0x1C800] =	vst v63  }
0xe2: {  	_ =	swait.ge [sflag:s20], $0x4000  }
0xe3: {  	[sflag:s20] =	ssyncset.done $0x0  }
0xe4: {  	[sflag:s20] =	ssyncadd.s32 $0xFFFFC000  }
0xe5: {  	[spmem:s2] =	stream.indirect.scatter.add.f32 [tilespmem:s17], [sflag:$0x3], $0x80, s21, s16, $0xb8;
	[tilespmem:$0x1C800] =	vst v63  }
0xe6: {  	_ =	swait.ge [sflag:s14], $0x4000  }
0xe7: {  	[sflag:s14] =	ssyncset.done $0x0  }
0xe8: {  	[sflag:s14] =	ssyncadd.s32 $0xFFFFC000  }
0xe9: {  	[tilespmem:s17], [sflag:$0x2] =	stream.indirect.gather [hbm4b:s4+s16], $0x80, s22, s16, $0xb8;
	[tilespmem:$0x1C800] =	vst v63  }
0xea: {  	_ =	swait.ge [sflag:s18], $0x4000  }
0xeb: {  	[sflag:s18] =	ssyncset.done $0x0  }
0xec: {  	[sflag:s18] =	ssyncadd.s32 $0xFFFFC000  }
0xed: {  	[spmem:s2] =	stream.indirect.scatter.add.f32 [tilespmem:s13], [sflag:$0x3], $0x80, s23, s16, $0xb8;
	[tilespmem:$0x1C800] =	vst v63  }
0xee: {  	_ =	swait.ge [sflag:s14], $0x4000  }
0xef: {  	[sflag:s14] =	ssyncset.done $0x0  }
0xf0: {  	[sflag:s14] =	ssyncadd.s32 $0xFFFFC000  }
0xf1: {  	[tilespmem:s13], [sflag:$0x1] =	stream.indirect.gather [hbm4b:s4+s16], $0x80, s25, s16, $0xb8;
	[tilespmem:$0x1C800] =	vst v63  }
0xf2: {  	_ =	swait.ge [sflag:s20], $0x4000  }
0xf3: {  	[sflag:s20] =	ssyncset.done $0x0  }
0xf4: {  	[sflag:s20] =	ssyncadd.s32 $0xFFFFC000  }
0xf5: {  	[spmem:s2] =	stream.indirect.scatter.add.f32 [tilespmem:s17], [sflag:$0x3], $0x80, s26, s16, $0xb8;
	[tilespmem:$0x1C800] =	vst v63  }
0xf6: {  	_ =	swait.ge [sflag:s14], $0x4000  }
0xf7: {  	[sflag:s14] =	ssyncset.done $0x0  }
0xf8: {  	[sflag:s14] =	ssyncadd.s32 $0xFFFFC000  }
0xf9: {  	[tilespmem:s17], [sflag:$0x2] =	stream.indirect.gather [hbm4b:s4+s16], $0x80, s28, s16, $0xb8;
	[tilespmem:$0x1C800] =	vst v63  }
0xfa: {  	_ =	swait.ge [sflag:s18], $0x4000  }
0xfb: {  	[sflag:s18] =	ssyncset.done $0x0  }
0xfc: {  	[sflag:s18] =	ssyncadd.s32 $0xFFFFC000  }
0xfd: {  	[spmem:s2] =	stream.indirect.scatter.add.f32 [tilespmem:s13], [sflag:$0x3], $0x80, s29, s16, $0xb8;
	[tilespmem:$0x1C800] =	vst v63  }
0xfe: {  	_ =	swait.ge [sflag:s14], $0x4000  }
0xff: {  	[sflag:s14] =	ssyncset.done $0x0  }
0x100: {  	[sflag:s14] =	ssyncadd.s32 $0xFFFFC000  }
0x101: {  	[tilespmem:s13], [sflag:$0x1] =	stream.indirect.gather [hbm4b:s4+s16], $0x80, s30, s16, $0xb8;
	[tilespmem:$0x1C800] =	vst v63  }
0x102: {  	_ =	swait.ge [sflag:s20], $0x4000  }
0x103: {  	[sflag:s20] =	ssyncset.done $0x0  }
0x104: {  	[sflag:s20] =	ssyncadd.s32 $0xFFFFC000  }
0x105: {  	[spmem:s2] =	stream.indirect.scatter.add.f32 [tilespmem:s17], [sflag:$0x3], $0x80, s31, s16, $0xb8;
	[tilespmem:$0x1C800] =	vst v63  }
0x106: {  	_ =	swait.ge [sflag:s14], $0x4000  }
0x107: {  	[sflag:s14] =	ssyncset.done $0x0  }
0x108: {  	[sflag:s14] =	ssyncadd.s32 $0xFFFFC000  }
0x109: {  	[tilespmem:s17], [sflag:$0x2] =	stream.indirect.gather [hbm4b:s4+s16], $0x80, s1, s16, $0xb8;
	[tilespmem:$0x1C800] =	vst v63  }
0x10a: {  	_ =	swait.ge [sflag:s18], $0x4000  }
0x10b: {  	[sflag:s18] =	ssyncset.done $0x0  }
0x10c: {  	[sflag:s18] =	ssyncadd.s32 $0xFFFFC000  }
0x10d: {  	[spmem:s2] =	stream.indirect.scatter.add.f32 [tilespmem:s13], [sflag:$0x3], $0x80, s0, s16, $0xb8;
	[tilespmem:$0x1C800] =	vst v63  }
0x10e: {  	_ =	swait.ge [sflag:s14], $0x4000  }
0x10f: {  	[sflag:s14] =	ssyncset.done $0x0  }
0x110: {  	[sflag:s14] =	ssyncadd.s32 $0xFFFFC000  }
0x111: {  	_ =	swait.ge [sflag:s20], $0x4000  }
0x112: {  	[sflag:s20] =	ssyncset.done $0x0  }
0x113: {  	[sflag:s20] =	ssyncadd.s32 $0xFFFFC000  }
0x114: {  	[spmem:s2] =	stream.indirect.scatter.add.f32 [tilespmem:s17], [sflag:$0x3], $0x80, s8, s16, $0xb8;
	[tilespmem:$0x1C800] =	vst v63  }
0x115: {  	_ =	swait.ge [sflag:s14], $0x4000  }
0x116: {  	[sflag:s14] =	ssyncset.done $0x0  }
0x117: {  	[sflag:s14] =	ssyncadd.s32 $0xFFFFC000  }
0x118: {  	s12 =	stileid.u32;
	[bflag:$0x0] =	sbarrier.arrive $0xFFFF  }
0x119: {  	s5 =	sshll.u32 s12, $0x6;
	s12 =	rddreg [dreg:$0x4]  }
0x11a: {  	s5 =	sor.u32 $0x1C03, s5;
	s11 =	rddreg [dreg:$0xa];
	s24 =	sshrl.u32 s12, $0x3  }
0x11b: {  	[hbm:s11], [sflag:s5] =	dma.local [spmem:s24], $0x2800  }
0x11c: {  	_ =	swait.ge [sflag:s14], $0x2800  }
0x11d: {  	s9 =	sadd.s32 $0x1, s9;
	s24 =	rddreg [dreg:$0x5]  }
0x11e: {  	p0 =	sne.s32 s9, s24  }
.Ltmp2:
0x11f: {  	_ = 	snop;
	(pc) =	sbr.rel @p0 .LBB2_1-.Ltmp2, $3  }
0x120: {  	_ =	sdelay $0x1  }
0x121: {  	[sflag:s14] =	ssyncset.done $0x0  }
0x122: {  	[sflag:s14] =	ssyncadd.s32 $0xFFFFD800  }
0x123: {  	_ =	sfence.sel $0x180000  }
0x124: {  	[bflag:$0x0] =	sbarrier.arrive $0xFFFF  }
0x125: {  	_ =	strace $0x90000047  }
0x126: {  	s0 =	stileid.u32;
	[bflag:$0x2] =	sbarrier.arrive $0xFFFF  }
0x127: {  	p0 =	sne.s32 s0, $0x0;
	s0 =	rddreg [dreg:$0x3]  }
0x128: {  	s0 =	sadd.s32 @!p0 $0x100000, s0  }
0x129: {  	[sflag:s0] =	ssyncadd.tile.s32 @!p0 $0x1;
	_ =	shalt  }
.Lfunc_end2:
_tile_overlayer_lowered:
.L_overlay_start_2:
0x12a: {  	(tag) =	ssettag $0x2  }
0x12b: {  	s0 =	rddreg [dreg:$0x0];
	s2 =	stileid.u32  }
0x12c: {  	s1 =	rddreg [dreg:$0x1];
	p0 =	sne.s32 s2, $0x0  }
0x12d: {  	s3 =	rddreg [dreg:$0x2];
	[bflag:$0x3] =	sbarrier.arrive $0xFFFF;
	s2 =	simm.s32 @!p0 $0x1C03  }
0x12e: {  	[timem:s3], [sflag:s2] =	dma.local @!p0 [hbm:s0], s1  }
0x12f: {  	s0 =	simm.s32 @!p0 $0x3  }
0x130: {  	_ =	swait.ge @!p0 [sflag:s0], s1  }
0x131: {  	s1 =	ssub.s32 @!p0 $0x0, s1;
	[sflag:s0] =	ssyncset.done @!p0 $0x0  }
0x132: {  	[sflag:s0] =	ssyncadd.s32 @!p0 s1  }
0x133: {  	[bflag:$0x3] =	sbarrier.arrive $0xFFFF  }
0x134: {  	_ =	shalt  }

// kernel: kernel.14.cloned.1.call-start
scs
__scs_entry_jumppad:
0x0: {  	(pc) =	sbr.rel $0x88, $3  }
0x1: {  	(tag) =	ssettag $0x0;
	lr =	simm.s32 $0x1  }
0x2: {  	[smem:$0x3F99] =	sst lr;
	_ =	strace $0xD0000000  }
0x3: {  	_ = 	snop  }
0x4: {  	_ = 	snop  }
0x5: {  	_ = 	snop  }
0x6: {  	_ = 	snop  }
0x7: {  	_ = 	snop  }
__scs_overlays_trampoline_lowered:
0x8: {  	[smem:$0x3FA8] =	sst s0  }
0x9: {  	[smem:$0x3FA9] =	sst s1  }
0xa: {  	[smem:$0x3FAA] =	sst s2  }
0xb: {  	[smem:$0x3FAB] =	sst s3  }
0xc: {  	[smem:$0x3FAC] =	sst s4  }
0xd: {  	[smem:$0x3FAD] =	sst s5  }
0xe: {  	[smem:$0x3FAE] =	sst s6  }
0xf: {  	[smem:$0x3FAF] =	sst s7  }
0x10: {  	[smem:$0x3FB0] =	sst s8  }
0x11: {  	[smem:$0x3FB1] =	sst s9;
	s0 =	simm.s32 @!p0 $0x0  }
0x12: {  	s1 =	sld [smem:$0x3F97];
	s0 =	simm.s32 @p0 $0x1  }
0x13: {  	[smem:$0x3FB2] =	sst s0;
	s0 =	simm.s32 @!p1 $0x0  }
0x14: {  	s2 =	sld [smem:$0x3F96];
	s0 =	simm.s32 @p1 $0x1  }
0x15: {  	[smem:$0x3FB3] =	sst s0;
	s0 =	simm.s32 @!p2 $0x0  }
0x16: {  	s3 =	sld [smem:$0x3FDB];
	s0 =	simm.s32 @p2 $0x1  }
0x17: {  	s4 =	simm.s32 $0x1BF5;
	[smem:$0x3FB5] =	sst s0  }
0x18: {  	s0 =	sld [smem:$0x3F98];
	_ =	swait.ge [sflag:s4], $0x0  }
0x19: {  	s7 =	sld [smem:$0x3F99]  }
0x1a: {  	s8 =	sadd.s32 $0xFFFFE003, lr  }
0x1b: {  	s9 =	sadd.s32 $0xFFFFFEF7, lr;
	s5 =	simm.s32 $0xFFFFFFFF;
	p2 =	slt.u32 s8, $0xFFFFF086  }
0x1c: {  	p1 =	slt.u32 s9, $0xF7A;
	s5 =	simm.s32 @!p2 $0x0  }
0x1d: {  	s5 =	simm.s32 @p1 $0x1;
	p0 =	seq.s32 s7, s2  }
0x1e: {  	s7 =	smul.u32 @!p0 $0xF7A, s2;
	p2 =	seq.s32 @!p0 s5, $0x0  }
0x1f: {  	s9 =	smul.u32 $0xF7A, s1;
	s8 =	simm.s32 @!p0 $0x1BF5;
	p2 =	por !p2, p0  }
0x20: {  	[sflag:s8] =	ssyncset.s32 @!p0 $0xFFFFF086;
	s6 =	sadd.s32 @!p0 s3, s7;
	s7 =	simm.s32 @!p0 $0x108  }
0x21: {  	s3 =	sadd.s32 s3, s9;
	s6 =	sadd.s32 @!p0 $0x88, s6;
	s7 =	simm.s32 @p2 $0x1082  }
0x22: {  	[simem:s7], [sflag:s8] =	dma.local @!p0 [hbm:s6], $0xF7A  }
0x23: {  	s9 =	sor.u32 $0xD0000000, s2;
	s6 =	simm.s32 $0x108;
	_ =	swait.ge @!p0 [sflag:s8], $0x0  }
0x24: {  	s3 =	sadd.s32 $0x88, s3;
	s6 =	simm.s32 @!p1 $0x1082;
	[sflag:s4] =	ssyncset.s32 $0xFFFFF086  }
0x25: {  	[simem:s6], [sflag:s4] =	dma.local [hbm:s3], $0xF7A  }
0x26: {  	[smem:$0x3F99] =	sst s1;
	(tag) =	ssettag s2;
	_ =	strace s9  }
0x27: {  	s1 =	sld [smem:$0x3FA9]  }
0x28: {  	s2 =	sld [smem:$0x3FAA]  }
0x29: {  	s4 =	sld [smem:$0x3FAC]  }
0x2a: {  	p0 =	seq.s32 s5, $0x0;
	s5 =	sld [smem:$0x3FAD]  }
0x2b: {  	s6 =	sld [smem:$0x3FAE]  }
0x2c: {  	s7 =	sld [smem:$0x3FAF]  }
0x2d: {  	s3 =	simm.s32 $0x108;
	s8 =	sld [smem:$0x3FB0]  }
0x2e: {  	s3 =	simm.s32 @!p0 $0x1082;
	s9 =	sld [smem:$0x3FB1]  }
0x2f: {  	lr =	sadd.s32 s0, s3;
	s0 =	sld [smem:$0x3FA8]  }
0x30: {  	s3 =	sld [smem:$0x3FAB]  }
0x31: {  	[smem:$0x3FB4] =	sst s10  }
0x32: {  	s10 =	sld [smem:$0x3FB2];
	_ =	sdelay $0x3  }
0x33: {  	p0 =	seq.s32 s10, $0x1;
	s10 =	sld [smem:$0x3FB4];
	_ =	sdelay $0x3  }
0x34: {  	[smem:$0x3FB4] =	sst s10  }
0x35: {  	s10 =	sld [smem:$0x3FB3];
	_ =	sdelay $0x3  }
0x36: {  	p1 =	seq.s32 s10, $0x1;
	s10 =	sld [smem:$0x3FB4];
	_ =	sdelay $0x3  }
0x37: {  	[smem:$0x3FB4] =	sst s10  }
0x38: {  	s10 =	sld [smem:$0x3FB5]  }
0x39: {  	_ = 	snop;
	(pc) =	sbr.ind lr, $3  }
0x3a: {  	_ = 	snop  }
0x3b: {  	_ = 	snop  }
0x3c: {  	p2 =	seq.s32 s10, $0x1;
	s10 =	sld [smem:$0x3FB4]  }
0x3d: {  	_ =	shalt  }
0x3e: {  	_ =	shalt  }
0x3f: {  	_ =	shalt  }
0x40: {  	_ =	shalt  }
0x41: {  	_ =	shalt  }
0x42: {  	_ =	shalt  }
0x43: {  	_ =	shalt  }
0x44: {  	_ =	shalt  }
0x45: {  	_ =	shalt  }
0x46: {  	_ =	shalt  }
0x47: {  	_ =	shalt  }
0x48: {  	_ =	shalt  }
0x49: {  	_ =	shalt  }
0x4a: {  	_ =	shalt  }
0x4b: {  	_ =	shalt  }
0x4c: {  	_ =	shalt  }
0x4d: {  	_ =	shalt  }
0x4e: {  	_ =	shalt  }
0x4f: {  	_ =	shalt  }
0x50: {  	_ =	shalt  }
0x51: {  	_ =	shalt  }
0x52: {  	_ =	shalt  }
0x53: {  	_ =	shalt  }
0x54: {  	_ =	shalt  }
0x55: {  	_ =	shalt  }
0x56: {  	_ =	shalt  }
0x57: {  	_ =	shalt  }
0x58: {  	_ =	shalt  }
0x59: {  	_ =	shalt  }
0x5a: {  	_ =	shalt  }
0x5b: {  	_ =	shalt  }
0x5c: {  	_ =	shalt  }
0x5d: {  	_ =	shalt  }
0x5e: {  	_ =	shalt  }
0x5f: {  	_ =	shalt  }
0x60: {  	_ =	shalt  }
0x61: {  	_ =	shalt  }
0x62: {  	_ =	shalt  }
0x63: {  	_ =	shalt  }
0x64: {  	_ =	shalt  }
0x65: {  	_ =	shalt  }
0x66: {  	_ =	shalt  }
0x67: {  	_ =	shalt  }
0x68: {  	_ =	shalt  }
0x69: {  	_ =	shalt  }
0x6a: {  	_ =	shalt  }
0x6b: {  	_ =	shalt  }
0x6c: {  	_ =	shalt  }
0x6d: {  	_ =	shalt  }
0x6e: {  	_ =	shalt  }
0x6f: {  	_ =	shalt  }
0x70: {  	_ =	shalt  }
0x71: {  	_ =	shalt  }
0x72: {  	_ =	shalt  }
0x73: {  	_ =	shalt  }
0x74: {  	_ =	shalt  }
0x75: {  	_ =	shalt  }
0x76: {  	_ =	shalt  }
0x77: {  	_ =	shalt  }
0x78: {  	_ =	shalt  }
0x79: {  	_ =	shalt  }
0x7a: {  	_ =	shalt  }
0x7b: {  	_ =	shalt  }
0x7c: {  	_ =	shalt  }
0x7d: {  	_ =	shalt  }
0x7e: {  	_ =	shalt  }
0x7f: {  	_ =	shalt  }
0x80: {  	_ =	shalt  }
0x81: {  	_ =	shalt  }
0x82: {  	_ =	shalt  }
0x83: {  	_ =	shalt  }
0x84: {  	_ =	shalt  }
0x85: {  	_ =	shalt  }
0x86: {  	_ =	shalt  }
0x87: {  	_ =	shalt  }
.Lfunc_end0:
.L_simem_size_0:
called_computation.2_lowered:
.L_overlay_start_0:
0x88: {  	s2 =	sld [smem:$0x3FD9]  }
0x89: {  	s3 =	sld [smem:$0x3FFE];
	_ =	sdelay $0x1  }
0x8a: {  	s1 =	srdreg.scid  }
0x8b: {  	s0 =	sand.u32 $0x1, s1  }
0x8c: {  	s17 =	sshll.u32 s0, $0xA;
	s2 =	sadd.s32 s3, s2  }
0x8d: {  	s2 =	sadd.s32 s2, s17  }
0x8e: {  	[smem:$0x3FC0] =	sst s2  }
0x8f: {  	_ = 	snop  }
0x90: {  	s2 =	sld [smem:$0x3FD0];
	(tm) =	ssettm $0x1  }
0x91: {  	s18 =	sld [smem:$0x3FFB];
	_ =	sdelay $0x3  }
0x92: {  	_ =	strace s18  }
0x93: {  	s3 =	sld [smem:$0x3FFC];
	_ =	sdelay $0x3  }
0x94: {  	_ =	strace s3  }
0x95: {  	s3 =	sld [smem:$0x3FFD];
	_ =	sdelay $0x3  }
0x96: {  	_ =	strace s3  }
0x97: {  	_ =	strace $0x8FFFFFFF  }
0x98: {  	s19 =	sld [smem:$0x3FDB];
	_ =	sdelay $0x1  }
0x99: {  	s4 =	simm.s32 $_scs_section_size  }
0x9a: {  	s5 =	simm.s32 $_size__tile_overlayer_lowered;
	s6 =	simm.s32 $_tile_overlayer_lowered  }
0x9b: {  	s22 =	simm.s32 $0x1BFF;
	s21 =	sshll.u32 s6, $0x1;
	s3 =	sadd.s32 s4, s19  }
0x9c: {  	s7 =	simm.s32 $0x0;
	s20 =	sshll.u32 s5, $0x1;
	s5 =	sadd.s32 s21, s3  }
0x9d: {  	[timem:s7], [sflag:s22] =	dma.local [hbm:s5], s20  }
0x9e: {  	_ =	swait.ge [sflag:s22], s20  }
0x9f: {  	s4 =	ssub.s32 $0x0, s20;
	[sflag:s22] =	ssyncset.done $0x0  }
0xa0: {  	[sflag:s22] =	ssyncadd.s32 s4;
	_ =	sdelay $0x1  }
0xa1: {  	s23 =	simm.s32 $0x1B8B  }
0xa2: {  	_ =	swait.ge [sflag:s23], $0x1  }
0xa3: {  	[sflag:s23] =	ssyncset.done $0x0  }
0xa4: {  	s25 =	simm.s32 $0x1B8E;
	s24 =	sld [smem:$0x3FFE];
	[sflag:s23] =	ssyncadd.s32 $0xFFFFFFFF  }
0xa5: {  	s26 =	simm.s32 $execute0_lowered;
	[smem:$0x3FD2] =	sst s25  }
0xa6: {  	s5 =	sshll.u32 s26, $0x1;
	_ =	strace $0x8000004C;
	[dreg:$0x1] =	wrdreg $0xFFFFFFFF  }
0xa7: {  	s28 =	simm.s32 $_size_execute0_lowered;
	s3 =	sadd.s32 s3, s5;
	[dreg:$0x0] =	wrdreg $0x0  }
0xa8: {  	s5 =	sshll.u32 s28, $0x1;
	[dreg:$0x2] =	wrdreg s3  }
0xa9: {  	[dreg:$0x3] =	wrdreg s5  }
0xaa: {  	[dreg:$0x4] =	wrdreg $0xC0  }
0xab: {  	_ =	task [dreg:s7], $0x5FFFF  }
0xac: {  	[dreg:$0x1] =	wrdreg $0xFFFFFFFF  }
0xad: {  	[dreg:$0x0] =	wrdreg $0x60  }
0xae: {  	[dreg:$0x2] =	wrdreg s24  }
0xaf: {  	[dreg:$0x3] =	wrdreg s2  }
0xb0: {  	[dreg:$0x4] =	wrdreg $0x88000  }
0xb1: {  	[dreg:$0x5] =	wrdreg $0x9  }
0xb2: {  	_ =	task.clear_ibuf [dreg:s7], $0x6FFFF;
	_ =	strace $0x9000004C  }
0xb3: {  	s29 =	simm.s32 $0x9;
	_ =	strace $0x8000004E  }
0xb4: {  	_ =	swait.ge [sflag:s29], $0x1  }
0xb5: {  	[sflag:s29] =	ssyncadd.s32 $0xFFFFFFFF  }
0xb6: {  	_ =	strace $0x9000004E  }
0xb7: {  	_ =	sfence  }
0xb8: {  	s30 =	sld [smem:$0x0];
	_ =	sdelay $0x2  }
0xb9: {  	s31 =	sshll.u32 s1, $0xD;
	s1 =	sshrl.u32 s1, $0x2  }
0xba: {  	s3 =	sand.u32 $0x4000, s31;
	s1 =	sadd.s32 s1, s30  }
0xbb: {  	s0 =	sor.u32 s3, s0;
	s1 =	sshll.u32 s1, $0x11  }
0xbc: {  	s0 =	sor.u32 s1, s0  }
0xbd: {  	s0 =	sadd.s32 $0x8F2B, s0  }
0xbe: {  	[sflag:s0] =	ssyncadd.remote.s32 $0x1  }
0xbf: {  	_ =	sfence.sel $0xFFFF  }
0xc0: {  	[dreg:$0x0] =	wrdreg $0xFFFFFFFF;
	(pc) =	sbr.abs _section_cstart, $3  }
0xc1: {  	[dreg:$0x1] =	wrdreg $0xFFFFFFFF  }
0xc2: {  	_ =	task.clear_ibuf [dreg:s7], $0x2FFFF;
	_ =	strace $0x9FFFFFFF  }
0xc3: {  	(tm) =	ssettm $0x7FFFFFFF  }
tec
execute0_lowered:
.L_overlay_start_1:
0x0: {  	(tag) =	ssettag $0x1  }
0x1: {  	s1 =	rddreg [dreg:$0x0]  }
0x2: {  	s0 =	srdreg.scid;
	s6 =	rddreg [dreg:$0x1]  }
0x3: {  	s10 =	stileid.u32;
	s2 =	rddreg [dreg:$0x2];
	s13 =	simm.s32 $0x800  }
0x4: {  	s14 =	simm.s32 $0x3;
	s15 =	simm.s32 $0x400;
	s16 =	simm.s32 $0x80  }
0x5: {  	s17 =	simm.s32 $0x4800;
	s18 =	simm.s32 $0x1;
	s19 =	simm.s32 $0x100  }
0x6: {  	s20 =	simm.s32 $0x2;
	s21 =	simm.s32 $0x480;
	s28 =	simm.s32 $0x280  }
0x7: {  	s29 =	simm.s32 $0x600;
	s30 =	simm.s32 $0x300;
	s8 =	smul.u32 $0x50000, s10  }
0x8: {  	s31 =	simm.s32 $0x680;
	s0 =	sand.u32 $0x1, s0;
	s11 =	smul.u32 $0x2800, s10  }
0x9: {  	s3 =	sshll.u32 s0, $0x4;
	s5 =	smul.u32 $0x28000, s0;
	s0 =	ssub.s32 $0x2, s0  }
0xa: {  	s4 =	sor.u32 s10, s3;
	s3 =	simm.s32 $0x0;
	s26 =	sshrl.u32 s0, $0x1  }
0xb: {  	s8 =	sshrl.u32 s8, $0x2;
	s7 =	smul.u32 $0x500, s4;
	[smem:$0x7FF] =	sst s3  }
0xc: {  	s4 =	sadd.s32 $0xBE00, s1;
	s0 =	ssub.s32 s0, s26;
	s12 =	sadd.s32 s8, s2  }
0xd: {  	_ =	strace $0x8000004D;
	s0 =	smax.u32 s0, $0x1;
	[dreg:$0x4] =	wrdreg s12  }
0xe: {  	s8 =	simm.s32 $0x780;
	s22 =	sadd.s32 $0x4000, s12;
	[dreg:$0x5] =	wrdreg s0  }
0xf: {  	s23 =	sadd.s32 $0x8000, s12;
	s24 =	sadd.s32 $0xC000, s12;
	[dreg:$0x6] =	wrdreg s22  }
0x10: {  	s25 =	sadd.s32 $0x10000, s12;
	s9 =	sadd.s32 s7, s1;
	[dreg:$0x7] =	wrdreg s23  }
0x11: {  	s1 =	sadd.s32 s5, s1;
	s6 =	sadd.s32 s6, s7;
	[dreg:$0x8] =	wrdreg s24  }
0x12: {  	[dreg:$0x9] =	wrdreg s25;
	s22 =	simm.s32 $0x180;
	s23 =	simm.s32 $0x500  }
0x13: {  	s25 =	simm.s32 $0x200;
	s0 =	simm.s32 $0x700;
	s1 =	sadd.s32 $0x33E00, s1  }
0x14: {  	s7 =	sadd.s32 $0x1E00, s9;
	s9 =	simm.s32 $0x0;
	s26 =	sadd.s32 s11, s1  }
0x15: {  	v0 =	vimm.f32 $0.0e+00;
	s1 =	simm.s32 $0x380;
	[dreg:$0xa] =	wrdreg s26;
	s26 =	simm.s32 $0x580  }
.LBB2_1:
0x16: {  	s10 =	simm.s32 $0x0;
	s11 =	simm.s32 $0x200  }
.LBB2_2:
0x17: {  	p0 =	sne.s32 s11, $0xFE00;
	[tilespmem:s10+$0x870] =	vst v0  }
0x18: {  	[tilespmem:s10+$0x800] =	vst v0  }
0x19: {  	[tilespmem:s10+$0x810] =	vst v0  }
.Ltmp0:
0x1a: {  	[tilespmem:s10+$0x820] =	vst v0;
	(pc) =	sbr.rel @p0 .LBB2_2-.Ltmp0, $4  }
0x1b: {  	[tilespmem:s10+$0x830] =	vst v0  }
0x1c: {  	[tilespmem:s10+$0x840] =	vst v0  }
0x1d: {  	[tilespmem:s10+$0x850] =	vst v0  }
0x1e: {  	[tilespmem:s10+$0x860] =	vst v0;
	s10 =	sshra.s32 s11, $0x2;
	s11 =	sadd.s32 $0x200, s11  }
0x1f: {  	[tilespmem:s10+$0x870] =	vst v0  }
0x20: {  	[tilespmem:s10+$0x800] =	vst v0  }
0x21: {  	[tilespmem:s10+$0x810] =	vst v0  }
0x22: {  	[tilespmem:s10+$0x820] =	vst v0  }
0x23: {  	[tilespmem:s10+$0x830] =	vst v0  }
0x24: {  	[tilespmem:s10+$0x840] =	vst v0  }
0x25: {  	[tilespmem:s10+$0x850] =	vst v0  }
0x26: {  	[tilespmem:s10+$0x860] =	vst v0  }
0x27: {  	[spmem:s12] =	stream.linear.scatter [tilespmem:s13], [sflag:$0x3], $0x4000, $0x38;
	[tilespmem:$0x1C800] =	vst v63  }
0x28: {  	_ =	swait.ge [sflag:s14], $0x4000  }
0x29: {  	[sflag:s14] =	ssyncset.done $0x0  }
0x2a: {  	s5 =	rddreg [dreg:$0x6];
	[sflag:s14] =	ssyncadd.s32 $0xFFFFC000  }
0x2b: {  	[spmem:s5] =	stream.linear.scatter [tilespmem:s13], [sflag:$0x3], $0x4000, $0x38;
	[tilespmem:$0x1C800] =	vst v63  }
0x2c: {  	_ =	swait.ge [sflag:s14], $0x4000  }
0x2d: {  	[sflag:s14] =	ssyncset.done $0x0  }
0x2e: {  	s24 =	rddreg [dreg:$0x7];
	[sflag:s14] =	ssyncadd.s32 $0xFFFFC000  }
0x2f: {  	[spmem:s24] =	stream.linear.scatter [tilespmem:s13], [sflag:$0x3], $0x4000, $0x38;
	[tilespmem:$0x1C800] =	vst v63  }
0x30: {  	_ =	swait.ge [sflag:s14], $0x4000  }
0x31: {  	[sflag:s14] =	ssyncset.done $0x0  }
0x32: {  	s10 =	rddreg [dreg:$0x8];
	[sflag:s14] =	ssyncadd.s32 $0xFFFFC000  }
0x33: {  	[spmem:s10] =	stream.linear.scatter [tilespmem:s13], [sflag:$0x3], $0x4000, $0x38;
	[tilespmem:$0x1C800] =	vst v63  }
0x34: {  	_ =	swait.ge [sflag:s14], $0x4000  }
0x35: {  	[sflag:s14] =	ssyncset.done $0x0  }
0x36: {  	s11 =	rddreg [dreg:$0x9];
	[sflag:s14] =	ssyncadd.s32 $0xFFFFC000  }
0x37: {  	[spmem:s11] =	stream.linear.scatter [tilespmem:s13], [sflag:$0x3], $0x4000, $0x38;
	[tilespmem:$0x1C800] =	vst v63  }
0x38: {  	_ =	swait.ge [sflag:s14], $0x4000  }
0x39: {  	[sflag:s14] =	ssyncset.done $0x0  }
0x3a: {  	[sflag:s14] =	ssyncadd.s32 $0xFFFFC000  }
0x3b: {  	s12 =	sadd.s32 $0x0, s6;
	[bflag:$0x0] =	sbarrier.arrive $0xFFFF  }
0x3c: {  	[tilespmem:s3], [sflag:$0x3] =	stream.linear.gather [hbm4b:s12+s3], $0x400, $0x38;
	[tilespmem:$0x1C800] =	vst v63  }
0x3d: {  	_ =	swait.ge [sflag:s14], $0x400  }
0x3e: {  	[sflag:s14] =	ssyncset.done $0x0  }
0x3f: {  	s24 =	sadd.s32 $0x0, s7;
	[sflag:s14] =	ssyncadd.s32 $0xFFFFFC00  }
0x40: {  	[tilespmem:s15], [sflag:$0x3] =	stream.linear.gather [hbm4b:s24+s3], $0x400, $0x38;
	[tilespmem:$0x1C800] =	vst v63  }
0x41: {  	_ =	swait.ge [sflag:s14], $0x400  }
0x42: {  	[sflag:s14] =	ssyncset.done $0x0  }
0x43: {  	[sflag:s14] =	ssyncadd.s32 $0xFFFFFC00  }
0x44: {  	[tilespmem:s13], [sflag:$0x1] =	stream.indirect.gather [hbm4b:s4+s16], $0x80, s3, s16, $0xb8;
	[tilespmem:$0x1C800] =	vst v63  }
0x45: {  	_ = 	snop  }
0x46: {  	[tilespmem:s17], [sflag:$0x2] =	stream.indirect.gather [hbm4b:s4+s16], $0x80, s16, s16, $0xb8;
	[tilespmem:$0x1C800] =	vst v63  }
0x47: {  	_ =	swait.ge [sflag:s18], $0x4000  }
0x48: {  	[sflag:s18] =	ssyncset.done $0x0  }
0x49: {  	[sflag:s18] =	ssyncadd.s32 $0xFFFFC000  }
0x4a: {  	[spmem:s2] =	stream.indirect.scatter.add.f32 [tilespmem:s13], [sflag:$0x3], $0x80, s15, s16, $0xb8;
	[tilespmem:$0x1C800] =	vst v63  }
0x4b: {  	_ =	swait.ge [sflag:s14], $0x4000  }
0x4c: {  	[sflag:s14] =	ssyncset.done $0x0  }
0x4d: {  	[sflag:s14] =	ssyncadd.s32 $0xFFFFC000  }
0x4e: {  	[tilespmem:s13], [sflag:$0x1] =	stream.indirect.gather [hbm4b:s4+s16], $0x80, s19, s16, $0xb8;
	[tilespmem:$0x1C800] =	vst v63  }
0x4f: {  	_ =	swait.ge [sflag:s20], $0x4000  }
0x50: {  	[sflag:s20] =	ssyncset.done $0x0  }
0x51: {  	[sflag:s20] =	ssyncadd.s32 $0xFFFFC000  }
0x52: {  	[spmem:s2] =	stream.indirect.scatter.add.f32 [tilespmem:s17], [sflag:$0x3], $0x80, s21, s16, $0xb8;
	[tilespmem:$0x1C800] =	vst v63  }
0x53: {  	_ =	swait.ge [sflag:s14], $0x4000  }
0x54: {  	[sflag:s14] =	ssyncset.done $0x0  }
0x55: {  	[sflag:s14] =	ssyncadd.s32 $0xFFFFC000  }
0x56: {  	[tilespmem:s17], [sflag:$0x2] =	stream.indirect.gather [hbm4b:s4+s16], $0x80, s22, s16, $0xb8;
	[tilespmem:$0x1C800] =	vst v63  }
0x57: {  	_ =	swait.ge [sflag:s18], $0x4000  }
0x58: {  	[sflag:s18] =	ssyncset.done $0x0  }
0x59: {  	[sflag:s18] =	ssyncadd.s32 $0xFFFFC000  }
0x5a: {  	[spmem:s2] =	stream.indirect.scatter.add.f32 [tilespmem:s13], [sflag:$0x3], $0x80, s23, s16, $0xb8;
	[tilespmem:$0x1C800] =	vst v63  }
0x5b: {  	_ =	swait.ge [sflag:s14], $0x4000  }
0x5c: {  	[sflag:s14] =	ssyncset.done $0x0  }
0x5d: {  	[sflag:s14] =	ssyncadd.s32 $0xFFFFC000  }
0x5e: {  	[tilespmem:s13], [sflag:$0x1] =	stream.indirect.gather [hbm4b:s4+s16], $0x80, s25, s16, $0xb8;
	[tilespmem:$0x1C800] =	vst v63  }
0x5f: {  	_ =	swait.ge [sflag:s20], $0x4000  }
0x60: {  	[sflag:s20] =	ssyncset.done $0x0  }
0x61: {  	[sflag:s20] =	ssyncadd.s32 $0xFFFFC000  }
0x62: {  	[spmem:s2] =	stream.indirect.scatter.add.f32 [tilespmem:s17], [sflag:$0x3], $0x80, s26, s16, $0xb8;
	[tilespmem:$0x1C800] =	vst v63  }
0x63: {  	_ =	swait.ge [sflag:s14], $0x4000  }
0x64: {  	[sflag:s14] =	ssyncset.done $0x0  }
0x65: {  	[sflag:s14] =	ssyncadd.s32 $0xFFFFC000  }
0x66: {  	[tilespmem:s17], [sflag:$0x2] =	stream.indirect.gather [hbm4b:s4+s16], $0x80, s28, s16, $0xb8;
	[tilespmem:$0x1C800] =	vst v63  }
0x67: {  	_ =	swait.ge [sflag:s18], $0x4000  }
0x68: {  	[sflag:s18] =	ssyncset.done $0x0  }
0x69: {  	[sflag:s18] =	ssyncadd.s32 $0xFFFFC000  }
0x6a: {  	[spmem:s2] =	stream.indirect.scatter.add.f32 [tilespmem:s13], [sflag:$0x3], $0x80, s29, s16, $0xb8;
	[tilespmem:$0x1C800] =	vst v63  }
0x6b: {  	_ =	swait.ge [sflag:s14], $0x4000  }
0x6c: {  	[sflag:s14] =	ssyncset.done $0x0  }
0x6d: {  	[sflag:s14] =	ssyncadd.s32 $0xFFFFC000  }
0x6e: {  	[tilespmem:s13], [sflag:$0x1] =	stream.indirect.gather [hbm4b:s4+s16], $0x80, s30, s16, $0xb8;
	[tilespmem:$0x1C800] =	vst v63  }
0x6f: {  	_ =	swait.ge [sflag:s20], $0x4000  }
0x70: {  	[sflag:s20] =	ssyncset.done $0x0  }
0x71: {  	[sflag:s20] =	ssyncadd.s32 $0xFFFFC000  }
0x72: {  	[spmem:s2] =	stream.indirect.scatter.add.f32 [tilespmem:s17], [sflag:$0x3], $0x80, s31, s16, $0xb8;
	[tilespmem:$0x1C800] =	vst v63  }
0x73: {  	_ =	swait.ge [sflag:s14], $0x4000  }
0x74: {  	[sflag:s14] =	ssyncset.done $0x0  }
0x75: {  	[sflag:s14] =	ssyncadd.s32 $0xFFFFC000  }
0x76: {  	[tilespmem:s17], [sflag:$0x2] =	stream.indirect.gather [hbm4b:s4+s16], $0x80, s1, s16, $0xb8;
	[tilespmem:$0x1C800] =	vst v63  }
0x77: {  	_ =	swait.ge [sflag:s18], $0x4000  }
0x78: {  	[sflag:s18] =	ssyncset.done $0x0  }
0x79: {  	[sflag:s18] =	ssyncadd.s32 $0xFFFFC000  }
0x7a: {  	[spmem:s2] =	stream.indirect.scatter.add.f32 [tilespmem:s13], [sflag:$0x3], $0x80, s0, s16, $0xb8;
	[tilespmem:$0x1C800] =	vst v63  }
0x7b: {  	_ =	swait.ge [sflag:s14], $0x4000  }
0x7c: {  	[sflag:s14] =	ssyncset.done $0x0  }
0x7d: {  	[sflag:s14] =	ssyncadd.s32 $0xFFFFC000  }
0x7e: {  	_ =	swait.ge [sflag:s20], $0x4000  }
0x7f: {  	[sflag:s20] =	ssyncset.done $0x0  }
0x80: {  	[sflag:s20] =	ssyncadd.s32 $0xFFFFC000  }
0x81: {  	[spmem:s2] =	stream.indirect.scatter.add.f32 [tilespmem:s17], [sflag:$0x3], $0x80, s8, s16, $0xb8;
	[tilespmem:$0x1C800] =	vst v63  }
0x82: {  	_ =	swait.ge [sflag:s14], $0x4000  }
0x83: {  	s10 =	simm.s32 $0x80;
	s11 =	simm.s32 $0x100;
	[sflag:s14] =	ssyncset.done $0x0  }
.LBB2_4:
0x84: {  	s24 =	sadd.s32 s10, s6  }
0x85: {  	[sflag:s14] =	ssyncadd.s32 $0xFFFFC000;
	s5 =	smov.u32 s11;
	s12 =	sadd.s32 $0x80, s11  }
0x86: {  	[tilespmem:s3], [sflag:$0x3] =	stream.linear.gather [hbm4b:s24+s3], $0x400, $0x38;
	[tilespmem:$0x1C800] =	vst v63  }
0x87: {  	p0 =	sne.s32 s11, $0x480;
	_ =	swait.ge [sflag:s14], $0x400  }
0x88: {  	[sflag:s14] =	ssyncset.done $0x0  }
0x89: {  	s11 =	sadd.s32 s10, s7;
	s10 =	smov.u32 s5;
	[sflag:s14] =	ssyncadd.s32 $0xFFFFFC00  }
0x8a: {  	[tilespmem:s15], [sflag:$0x3] =	stream.linear.gather [hbm4b:s11+s3], $0x400, $0x38;
	[tilespmem:$0x1C800] =	vst v63  }
0x8b: {  	_ =	swait.ge [sflag:s14], $0x400  }
0x8c: {  	[sflag:s14] =	ssyncset.done $0x0  }
0x8d: {  	[sflag:s14] =	ssyncadd.s32 $0xFFFFFC00  }
0x8e: {  	[tilespmem:s13], [sflag:$0x1] =	stream.indirect.gather [hbm4b:s4+s16], $0x80, s3, s16, $0xb8;
	[tilespmem:$0x1C800] =	vst v63  }
0x8f: {  	_ = 	snop  }
0x90: {  	[tilespmem:s17], [sflag:$0x2] =	stream.indirect.gather [hbm4b:s4+s16], $0x80, s16, s16, $0xb8;
	[tilespmem:$0x1C800] =	vst v63  }
0x91: {  	_ =	swait.ge [sflag:s18], $0x4000  }
0x92: {  	[sflag:s18] =	ssyncset.done $0x0  }
0x93: {  	[sflag:s18] =	ssyncadd.s32 $0xFFFFC000  }
0x94: {  	[spmem:s2] =	stream.indirect.scatter.add.f32 [tilespmem:s13], [sflag:$0x3], $0x80, s15, s16, $0xb8;
	[tilespmem:$0x1C800] =	vst v63  }
0x95: {  	_ =	swait.ge [sflag:s14], $0x4000  }
0x96: {  	[sflag:s14] =	ssyncset.done $0x0  }
0x97: {  	[sflag:s14] =	ssyncadd.s32 $0xFFFFC000  }
0x98: {  	[tilespmem:s13], [sflag:$0x1] =	stream.indirect.gather [hbm4b:s4+s16], $0x80, s19, s16, $0xb8;
	[tilespmem:$0x1C800] =	vst v63  }
0x99: {  	_ =	swait.ge [sflag:s20], $0x4000  }
0x9a: {  	[sflag:s20] =	ssyncset.done $0x0  }
0x9b: {  	[sflag:s20] =	ssyncadd.s32 $0xFFFFC000  }
0x9c: {  	[spmem:s2] =	stream.indirect.scatter.add.f32 [tilespmem:s17], [sflag:$0x3], $0x80, s21, s16, $0xb8;
	[tilespmem:$0x1C800] =	vst v63  }
0x9d: {  	_ =	swait.ge [sflag:s14], $0x4000  }
0x9e: {  	[sflag:s14] =	ssyncset.done $0x0  }
0x9f: {  	[sflag:s14] =	ssyncadd.s32 $0xFFFFC000  }
0xa0: {  	[tilespmem:s17], [sflag:$0x2] =	stream.indirect.gather [hbm4b:s4+s16], $0x80, s22, s16, $0xb8;
	[tilespmem:$0x1C800] =	vst v63  }
0xa1: {  	_ =	swait.ge [sflag:s18], $0x4000  }
0xa2: {  	[sflag:s18] =	ssyncset.done $0x0  }
0xa3: {  	[sflag:s18] =	ssyncadd.s32 $0xFFFFC000  }
0xa4: {  	[spmem:s2] =	stream.indirect.scatter.add.f32 [tilespmem:s13], [sflag:$0x3], $0x80, s23, s16, $0xb8;
	[tilespmem:$0x1C800] =	vst v63  }
0xa5: {  	_ =	swait.ge [sflag:s14], $0x4000  }
0xa6: {  	[sflag:s14] =	ssyncset.done $0x0  }
0xa7: {  	[sflag:s14] =	ssyncadd.s32 $0xFFFFC000  }
0xa8: {  	[tilespmem:s13], [sflag:$0x1] =	stream.indirect.gather [hbm4b:s4+s16], $0x80, s25, s16, $0xb8;
	[tilespmem:$0x1C800] =	vst v63  }
0xa9: {  	_ =	swait.ge [sflag:s20], $0x4000  }
0xaa: {  	[sflag:s20] =	ssyncset.done $0x0  }
0xab: {  	[sflag:s20] =	ssyncadd.s32 $0xFFFFC000  }
0xac: {  	[spmem:s2] =	stream.indirect.scatter.add.f32 [tilespmem:s17], [sflag:$0x3], $0x80, s26, s16, $0xb8;
	[tilespmem:$0x1C800] =	vst v63  }
0xad: {  	_ =	swait.ge [sflag:s14], $0x4000  }
0xae: {  	[sflag:s14] =	ssyncset.done $0x0  }
0xaf: {  	[sflag:s14] =	ssyncadd.s32 $0xFFFFC000  }
0xb0: {  	[tilespmem:s17], [sflag:$0x2] =	stream.indirect.gather [hbm4b:s4+s16], $0x80, s28, s16, $0xb8;
	[tilespmem:$0x1C800] =	vst v63  }
0xb1: {  	_ =	swait.ge [sflag:s18], $0x4000  }
0xb2: {  	[sflag:s18] =	ssyncset.done $0x0  }
0xb3: {  	[sflag:s18] =	ssyncadd.s32 $0xFFFFC000  }
0xb4: {  	[spmem:s2] =	stream.indirect.scatter.add.f32 [tilespmem:s13], [sflag:$0x3], $0x80, s29, s16, $0xb8;
	[tilespmem:$0x1C800] =	vst v63  }
0xb5: {  	_ =	swait.ge [sflag:s14], $0x4000  }
0xb6: {  	[sflag:s14] =	ssyncset.done $0x0  }
0xb7: {  	[sflag:s14] =	ssyncadd.s32 $0xFFFFC000  }
0xb8: {  	[tilespmem:s13], [sflag:$0x1] =	stream.indirect.gather [hbm4b:s4+s16], $0x80, s30, s16, $0xb8;
	[tilespmem:$0x1C800] =	vst v63  }
0xb9: {  	_ =	swait.ge [sflag:s20], $0x4000  }
0xba: {  	[sflag:s20] =	ssyncset.done $0x0  }
0xbb: {  	[sflag:s20] =	ssyncadd.s32 $0xFFFFC000  }
0xbc: {  	[spmem:s2] =	stream.indirect.scatter.add.f32 [tilespmem:s17], [sflag:$0x3], $0x80, s31, s16, $0xb8;
	[tilespmem:$0x1C800] =	vst v63  }
0xbd: {  	_ =	swait.ge [sflag:s14], $0x4000  }
0xbe: {  	[sflag:s14] =	ssyncset.done $0x0  }
0xbf: {  	[sflag:s14] =	ssyncadd.s32 $0xFFFFC000  }
0xc0: {  	[tilespmem:s17], [sflag:$0x2] =	stream.indirect.gather [hbm4b:s4+s16], $0x80, s1, s16, $0xb8;
	[tilespmem:$0x1C800] =	vst v63  }
0xc1: {  	_ =	swait.ge [sflag:s18], $0x4000  }
0xc2: {  	[sflag:s18] =	ssyncset.done $0x0  }
0xc3: {  	[sflag:s18] =	ssyncadd.s32 $0xFFFFC000  }
0xc4: {  	[spmem:s2] =	stream.indirect.scatter.add.f32 [tilespmem:s13], [sflag:$0x3], $0x80, s0, s16, $0xb8;
	[tilespmem:$0x1C800] =	vst v63  }
0xc5: {  	_ =	swait.ge [sflag:s14], $0x4000  }
0xc6: {  	[sflag:s14] =	ssyncset.done $0x0  }
0xc7: {  	[sflag:s14] =	ssyncadd.s32 $0xFFFFC000  }
0xc8: {  	_ =	swait.ge [sflag:s20], $0x4000  }
.Ltmp1:
0xc9: {  	[sflag:s20] =	ssyncset.done $0x0;
	(pc) =	sbr.rel @p0 .LBB2_4-.Ltmp1, $4  }
0xca: {  	[sflag:s20] =	ssyncadd.s32 $0xFFFFC000  }
0xcb: {  	[spmem:s2] =	stream.indirect.scatter.add.f32 [tilespmem:s17], [sflag:$0x3], $0x80, s8, s16, $0xb8;
	[tilespmem:$0x1C800] =	vst v63  }
0xcc: {  	_ =	swait.ge [sflag:s14], $0x4000  }
0xcd: {  	s11 =	smov.u32 s12;
	[sflag:s14] =	ssyncset.done $0x0  }
0xce: {  	s5 =	sadd.s32 s10, s6;
	[sflag:s14] =	ssyncadd.s32 $0xFFFFC000  }
0xcf: {  	[tilespmem:s3], [sflag:$0x3] =	stream.linear.gather [hbm4b:s5+s3], $0x400, $0x38;
	[tilespmem:$0x1C800] =	vst v63  }
0xd0: {  	_ =	swait.ge [sflag:s14], $0x400  }
0xd1: {  	[sflag:s14] =	ssyncset.done $0x0  }
0xd2: {  	s11 =	sadd.s32 s10, s7;
	[sflag:s14] =	ssyncadd.s32 $0xFFFFFC00  }
0xd3: {  	[tilespmem:s15], [sflag:$0x3] =	stream.linear.gather [hbm4b:s11+s3], $0x400, $0x38;
	[tilespmem:$0x1C800] =	vst v63  }
0xd4: {  	_ =	swait.ge [sflag:s14], $0x400  }
0xd5: {  	[sflag:s14] =	ssyncset.done $0x0  }
0xd6: {  	[sflag:s14] =	ssyncadd.s32 $0xFFFFFC00  }
0xd7: {  	[tilespmem:s13], [sflag:$0x1] =	stream.indirect.gather [hbm4b:s4+s16], $0x80, s3, s16, $0xb8;
	[tilespmem:$0x1C800] =	vst v63  }
0xd8: {  	_ = 	snop  }
0xd9: {  	[tilespmem:s17], [sflag:$0x2] =	stream.indirect.gather [hbm4b:s4+s16], $0x80, s16, s16, $0xb8;
	[tilespmem:$0x1C800] =	vst v63  }
0xda: {  	_ =	swait.ge [sflag:s18], $0x4000  }
0xdb: {  	[sflag:s18] =	ssyncset.done $0x0  }
0xdc: {  	[sflag:s18] =	ssyncadd.s32 $0xFFFFC000  }
0xdd: {  	[spmem:s2] =	stream.indirect.scatter.add.f32 [tilespmem:s13], [sflag:$0x3], $0x80, s15, s16, $0xb8;
	[tilespmem:$0x1C800] =	vst v63  }
0xde: {  	_ =	swait.ge [sflag:s14], $0x4000  }
0xdf: {  	[sflag:s14] =	ssyncset.done $0x0  }
0xe0: {  	[sflag:s14] =	ssyncadd.s32 $0xFFFFC000  }
0xe1: {  	[tilespmem:s13], [sflag:$0x1] =	stream.indirect.gather [hbm4b:s4+s16], $0x80, s19, s16, $0xb8;
	[tilespmem:$0x1C800] =	vst v63  }
0xe2: {  	_ =	swait.ge [sflag:s20], $0x4000  }
0xe3: {  	[sflag:s20] =	ssyncset.done $0x0  }
0xe4: {  	[sflag:s20] =	ssyncadd.s32 $0xFFFFC000  }
0xe5: {  	[spmem:s2] =	stream.indirect.scatter.add.f32 [tilespmem:s17], [sflag:$0x3], $0x80, s21, s16, $0xb8;
	[tilespmem:$0x1C800] =	vst v63  }
0xe6: {  	_ =	swait.ge [sflag:s14], $0x4000  }
0xe7: {  	[sflag:s14] =	ssyncset.done $0x0  }
0xe8: {  	[sflag:s14] =	ssyncadd.s32 $0xFFFFC000  }
0xe9: {  	[tilespmem:s17], [sflag:$0x2] =	stream.indirect.gather [hbm4b:s4+s16], $0x80, s22, s16, $0xb8;
	[tilespmem:$0x1C800] =	vst v63  }
0xea: {  	_ =	swait.ge [sflag:s18], $0x4000  }
0xeb: {  	[sflag:s18] =	ssyncset.done $0x0  }
0xec: {  	[sflag:s18] =	ssyncadd.s32 $0xFFFFC000  }
0xed: {  	[spmem:s2] =	stream.indirect.scatter.add.f32 [tilespmem:s13], [sflag:$0x3], $0x80, s23, s16, $0xb8;
	[tilespmem:$0x1C800] =	vst v63  }
0xee: {  	_ =	swait.ge [sflag:s14], $0x4000  }
0xef: {  	[sflag:s14] =	ssyncset.done $0x0  }
0xf0: {  	[sflag:s14] =	ssyncadd.s32 $0xFFFFC000  }
0xf1: {  	[tilespmem:s13], [sflag:$0x1] =	stream.indirect.gather [hbm4b:s4+s16], $0x80, s25, s16, $0xb8;
	[tilespmem:$0x1C800] =	vst v63  }
0xf2: {  	_ =	swait.ge [sflag:s20], $0x4000  }
0xf3: {  	[sflag:s20] =	ssyncset.done $0x0  }
0xf4: {  	[sflag:s20] =	ssyncadd.s32 $0xFFFFC000  }
0xf5: {  	[spmem:s2] =	stream.indirect.scatter.add.f32 [tilespmem:s17], [sflag:$0x3], $0x80, s26, s16, $0xb8;
	[tilespmem:$0x1C800] =	vst v63  }
0xf6: {  	_ =	swait.ge [sflag:s14], $0x4000  }
0xf7: {  	[sflag:s14] =	ssyncset.done $0x0  }
0xf8: {  	[sflag:s14] =	ssyncadd.s32 $0xFFFFC000  }
0xf9: {  	[tilespmem:s17], [sflag:$0x2] =	stream.indirect.gather [hbm4b:s4+s16], $0x80, s28, s16, $0xb8;
	[tilespmem:$0x1C800] =	vst v63  }
0xfa: {  	_ =	swait.ge [sflag:s18], $0x4000  }
0xfb: {  	[sflag:s18] =	ssyncset.done $0x0  }
0xfc: {  	[sflag:s18] =	ssyncadd.s32 $0xFFFFC000  }
0xfd: {  	[spmem:s2] =	stream.indirect.scatter.add.f32 [tilespmem:s13], [sflag:$0x3], $0x80, s29, s16, $0xb8;
	[tilespmem:$0x1C800] =	vst v63  }
0xfe: {  	_ =	swait.ge [sflag:s14], $0x4000  }
0xff: {  	[sflag:s14] =	ssyncset.done $0x0  }
0x100: {  	[sflag:s14] =	ssyncadd.s32 $0xFFFFC000  }
0x101: {  	[tilespmem:s13], [sflag:$0x1] =	stream.indirect.gather [hbm4b:s4+s16], $0x80, s30, s16, $0xb8;
	[tilespmem:$0x1C800] =	vst v63  }
0x102: {  	_ =	swait.ge [sflag:s20], $0x4000  }
0x103: {  	[sflag:s20] =	ssyncset.done $0x0  }
0x104: {  	[sflag:s20] =	ssyncadd.s32 $0xFFFFC000  }
0x105: {  	[spmem:s2] =	stream.indirect.scatter.add.f32 [tilespmem:s17], [sflag:$0x3], $0x80, s31, s16, $0xb8;
	[tilespmem:$0x1C800] =	vst v63  }
0x106: {  	_ =	swait.ge [sflag:s14], $0x4000  }
0x107: {  	[sflag:s14] =	ssyncset.done $0x0  }
0x108: {  	[sflag:s14] =	ssyncadd.s32 $0xFFFFC000  }
0x109: {  	[tilespmem:s17], [sflag:$0x2] =	stream.indirect.gather [hbm4b:s4+s16], $0x80, s1, s16, $0xb8;
	[tilespmem:$0x1C800] =	vst v63  }
0x10a: {  	_ =	swait.ge [sflag:s18], $0x4000  }
0x10b: {  	[sflag:s18] =	ssyncset.done $0x0  }
0x10c: {  	[sflag:s18] =	ssyncadd.s32 $0xFFFFC000  }
0x10d: {  	[spmem:s2] =	stream.indirect.scatter.add.f32 [tilespmem:s13], [sflag:$0x3], $0x80, s0, s16, $0xb8;
	[tilespmem:$0x1C800] =	vst v63  }
0x10e: {  	_ =	swait.ge [sflag:s14], $0x4000  }
0x10f: {  	[sflag:s14] =	ssyncset.done $0x0  }
0x110: {  	[sflag:s14] =	ssyncadd.s32 $0xFFFFC000  }
0x111: {  	_ =	swait.ge [sflag:s20], $0x4000  }
0x112: {  	[sflag:s20] =	ssyncset.done $0x0  }
0x113: {  	[sflag:s20] =	ssyncadd.s32 $0xFFFFC000  }
0x114: {  	[spmem:s2] =	stream.indirect.scatter.add.f32 [tilespmem:s17], [sflag:$0x3], $0x80, s8, s16, $0xb8;
	[tilespmem:$0x1C800] =	vst v63  }
0x115: {  	_ =	swait.ge [sflag:s14], $0x4000  }
0x116: {  	[sflag:s14] =	ssyncset.done $0x0  }
0x117: {  	[sflag:s14] =	ssyncadd.s32 $0xFFFFC000  }
0x118: {  	s12 =	stileid.u32;
	[bflag:$0x0] =	sbarrier.arrive $0xFFFF  }
0x119: {  	s5 =	sshll.u32 s12, $0x6;
	s12 =	rddreg [dreg:$0x4]  }
0x11a: {  	s5 =	sor.u32 $0x1C03, s5;
	s11 =	rddreg [dreg:$0xa];
	s24 =	sshrl.u32 s12, $0x3  }
0x11b: {  	[hbm:s11], [sflag:s5] =	dma.local [spmem:s24], $0x2800  }
0x11c: {  	_ =	swait.ge [sflag:s14], $0x2800  }
0x11d: {  	s9 =	sadd.s32 $0x1, s9;
	s24 =	rddreg [dreg:$0x5]  }
0x11e: {  	p0 =	sne.s32 s9, s24  }
.Ltmp2:
0x11f: {  	_ = 	snop;
	(pc) =	sbr.rel @p0 .LBB2_1-.Ltmp2, $3  }
0x120: {  	_ =	sdelay $0x1  }
0x121: {  	[sflag:s14] =	ssyncset.done $0x0  }
0x122: {  	[sflag:s14] =	ssyncadd.s32 $0xFFFFD800  }
0x123: {  	_ =	sfence.sel $0x180000  }
0x124: {  	[bflag:$0x0] =	sbarrier.arrive $0xFFFF  }
0x125: {  	_ =	strace $0x9000004D  }
0x126: {  	s0 =	stileid.u32;
	[bflag:$0x2] =	sbarrier.arrive $0xFFFF  }
0x127: {  	p0 =	sne.s32 s0, $0x0;
	s0 =	rddreg [dreg:$0x3]  }
0x128: {  	s0 =	sadd.s32 @!p0 $0x100000, s0  }
0x129: {  	[sflag:s0] =	ssyncadd.tile.s32 @!p0 $0x1;
	_ =	shalt  }
.Lfunc_end2:
_tile_overlayer_lowered:
.L_overlay_start_2:
0x12a: {  	(tag) =	ssettag $0x2  }
0x12b: {  	s0 =	rddreg [dreg:$0x0];
	s2 =	stileid.u32  }
0x12c: {  	s1 =	rddreg [dreg:$0x1];
	p0 =	sne.s32 s2, $0x0  }
0x12d: {  	s3 =	rddreg [dreg:$0x2];
	[bflag:$0x3] =	sbarrier.arrive $0xFFFF;
	s2 =	simm.s32 @!p0 $0x1C03  }
0x12e: {  	[timem:s3], [sflag:s2] =	dma.local @!p0 [hbm:s0], s1  }
0x12f: {  	s0 =	simm.s32 @!p0 $0x3  }
0x130: {  	_ =	swait.ge @!p0 [sflag:s0], s1  }
0x131: {  	s1 =	ssub.s32 @!p0 $0x0, s1;
	[sflag:s0] =	ssyncset.done @!p0 $0x0  }
0x132: {  	[sflag:s0] =	ssyncadd.s32 @!p0 s1  }
0x133: {  	[bflag:$0x3] =	sbarrier.arrive $0xFFFF  }
0x134: {  	_ =	shalt  }

// kernel: kernel.8.cloned.1.call-start
scs
__scs_entry_jumppad:
0x0: {  	(pc) =	sbr.rel $0x88, $3  }
0x1: {  	(tag) =	ssettag $0x0;
	lr =	simm.s32 $0x1  }
0x2: {  	[smem:$0x3F99] =	sst lr;
	_ =	strace $0xD0000000  }
0x3: {  	_ = 	snop  }
0x4: {  	_ = 	snop  }
0x5: {  	_ = 	snop  }
0x6: {  	_ = 	snop  }
0x7: {  	_ = 	snop  }
__scs_overlays_trampoline_lowered:
0x8: {  	[smem:$0x3FA8] =	sst s0  }
0x9: {  	[smem:$0x3FA9] =	sst s1  }
0xa: {  	[smem:$0x3FAA] =	sst s2  }
0xb: {  	[smem:$0x3FAB] =	sst s3  }
0xc: {  	[smem:$0x3FAC] =	sst s4  }
0xd: {  	[smem:$0x3FAD] =	sst s5  }
0xe: {  	[smem:$0x3FAE] =	sst s6  }
0xf: {  	[smem:$0x3FAF] =	sst s7  }
0x10: {  	[smem:$0x3FB0] =	sst s8  }
0x11: {  	[smem:$0x3FB1] =	sst s9;
	s0 =	simm.s32 @!p0 $0x0  }
0x12: {  	s1 =	sld [smem:$0x3F97];
	s0 =	simm.s32 @p0 $0x1  }
0x13: {  	[smem:$0x3FB2] =	sst s0;
	s0 =	simm.s32 @!p1 $0x0  }
0x14: {  	s2 =	sld [smem:$0x3F96];
	s0 =	simm.s32 @p1 $0x1  }
0x15: {  	[smem:$0x3FB3] =	sst s0;
	s0 =	simm.s32 @!p2 $0x0  }
0x16: {  	s3 =	sld [smem:$0x3FDB];
	s0 =	simm.s32 @p2 $0x1  }
0x17: {  	s4 =	simm.s32 $0x1BF5;
	[smem:$0x3FB5] =	sst s0  }
0x18: {  	s0 =	sld [smem:$0x3F98];
	_ =	swait.ge [sflag:s4], $0x0  }
0x19: {  	s7 =	sld [smem:$0x3F99]  }
0x1a: {  	s8 =	sadd.s32 $0xFFFFE003, lr  }
0x1b: {  	s9 =	sadd.s32 $0xFFFFFEF7, lr;
	s5 =	simm.s32 $0xFFFFFFFF;
	p2 =	slt.u32 s8, $0xFFFFF086  }
0x1c: {  	p1 =	slt.u32 s9, $0xF7A;
	s5 =	simm.s32 @!p2 $0x0  }
0x1d: {  	s5 =	simm.s32 @p1 $0x1;
	p0 =	seq.s32 s7, s2  }
0x1e: {  	s7 =	smul.u32 @!p0 $0xF7A, s2;
	p2 =	seq.s32 @!p0 s5, $0x0  }
0x1f: {  	s9 =	smul.u32 $0xF7A, s1;
	s8 =	simm.s32 @!p0 $0x1BF5;
	p2 =	por !p2, p0  }
0x20: {  	[sflag:s8] =	ssyncset.s32 @!p0 $0xFFFFF086;
	s6 =	sadd.s32 @!p0 s3, s7;
	s7 =	simm.s32 @!p0 $0x108  }
0x21: {  	s3 =	sadd.s32 s3, s9;
	s6 =	sadd.s32 @!p0 $0x88, s6;
	s7 =	simm.s32 @p2 $0x1082  }
0x22: {  	[simem:s7], [sflag:s8] =	dma.local @!p0 [hbm:s6], $0xF7A  }
0x23: {  	s9 =	sor.u32 $0xD0000000, s2;
	s6 =	simm.s32 $0x108;
	_ =	swait.ge @!p0 [sflag:s8], $0x0  }
0x24: {  	s3 =	sadd.s32 $0x88, s3;
	s6 =	simm.s32 @!p1 $0x1082;
	[sflag:s4] =	ssyncset.s32 $0xFFFFF086  }
0x25: {  	[simem:s6], [sflag:s4] =	dma.local [hbm:s3], $0xF7A  }
0x26: {  	[smem:$0x3F99] =	sst s1;
	(tag) =	ssettag s2;
	_ =	strace s9  }
0x27: {  	s1 =	sld [smem:$0x3FA9]  }
0x28: {  	s2 =	sld [smem:$0x3FAA]  }
0x29: {  	s4 =	sld [smem:$0x3FAC]  }
0x2a: {  	p0 =	seq.s32 s5, $0x0;
	s5 =	sld [smem:$0x3FAD]  }
0x2b: {  	s6 =	sld [smem:$0x3FAE]  }
0x2c: {  	s7 =	sld [smem:$0x3FAF]  }
0x2d: {  	s3 =	simm.s32 $0x108;
	s8 =	sld [smem:$0x3FB0]  }
0x2e: {  	s3 =	simm.s32 @!p0 $0x1082;
	s9 =	sld [smem:$0x3FB1]  }
0x2f: {  	lr =	sadd.s32 s0, s3;
	s0 =	sld [smem:$0x3FA8]  }
0x30: {  	s3 =	sld [smem:$0x3FAB]  }
0x31: {  	[smem:$0x3FB4] =	sst s10  }
0x32: {  	s10 =	sld [smem:$0x3FB2];
	_ =	sdelay $0x3  }
0x33: {  	p0 =	seq.s32 s10, $0x1;
	s10 =	sld [smem:$0x3FB4];
	_ =	sdelay $0x3  }
0x34: {  	[smem:$0x3FB4] =	sst s10  }
0x35: {  	s10 =	sld [smem:$0x3FB3];
	_ =	sdelay $0x3  }
0x36: {  	p1 =	seq.s32 s10, $0x1;
	s10 =	sld [smem:$0x3FB4];
	_ =	sdelay $0x3  }
0x37: {  	[smem:$0x3FB4] =	sst s10  }
0x38: {  	s10 =	sld [smem:$0x3FB5]  }
0x39: {  	_ = 	snop;
	(pc) =	sbr.ind lr, $3  }
0x3a: {  	_ = 	snop  }
0x3b: {  	_ = 	snop  }
0x3c: {  	p2 =	seq.s32 s10, $0x1;
	s10 =	sld [smem:$0x3FB4]  }
0x3d: {  	_ =	shalt  }
0x3e: {  	_ =	shalt  }
0x3f: {  	_ =	shalt  }
0x40: {  	_ =	shalt  }
0x41: {  	_ =	shalt  }
0x42: {  	_ =	shalt  }
0x43: {  	_ =	shalt  }
0x44: {  	_ =	shalt  }
0x45: {  	_ =	shalt  }
0x46: {  	_ =	shalt  }
0x47: {  	_ =	shalt  }
0x48: {  	_ =	shalt  }
0x49: {  	_ =	shalt  }
0x4a: {  	_ =	shalt  }
0x4b: {  	_ =	shalt  }
0x4c: {  	_ =	shalt  }
0x4d: {  	_ =	shalt  }
0x4e: {  	_ =	shalt  }
0x4f: {  	_ =	shalt  }
0x50: {  	_ =	shalt  }
0x51: {  	_ =	shalt  }
0x52: {  	_ =	shalt  }
0x53: {  	_ =	shalt  }
0x54: {  	_ =	shalt  }
0x55: {  	_ =	shalt  }
0x56: {  	_ =	shalt  }
0x57: {  	_ =	shalt  }
0x58: {  	_ =	shalt  }
0x59: {  	_ =	shalt  }
0x5a: {  	_ =	shalt  }
0x5b: {  	_ =	shalt  }
0x5c: {  	_ =	shalt  }
0x5d: {  	_ =	shalt  }
0x5e: {  	_ =	shalt  }
0x5f: {  	_ =	shalt  }
0x60: {  	_ =	shalt  }
0x61: {  	_ =	shalt  }
0x62: {  	_ =	shalt  }
0x63: {  	_ =	shalt  }
0x64: {  	_ =	shalt  }
0x65: {  	_ =	shalt  }
0x66: {  	_ =	shalt  }
0x67: {  	_ =	shalt  }
0x68: {  	_ =	shalt  }
0x69: {  	_ =	shalt  }
0x6a: {  	_ =	shalt  }
0x6b: {  	_ =	shalt  }
0x6c: {  	_ =	shalt  }
0x6d: {  	_ =	shalt  }
0x6e: {  	_ =	shalt  }
0x6f: {  	_ =	shalt  }
0x70: {  	_ =	shalt  }
0x71: {  	_ =	shalt  }
0x72: {  	_ =	shalt  }
0x73: {  	_ =	shalt  }
0x74: {  	_ =	shalt  }
0x75: {  	_ =	shalt  }
0x76: {  	_ =	shalt  }
0x77: {  	_ =	shalt  }
0x78: {  	_ =	shalt  }
0x79: {  	_ =	shalt  }
0x7a: {  	_ =	shalt  }
0x7b: {  	_ =	shalt  }
0x7c: {  	_ =	shalt  }
0x7d: {  	_ =	shalt  }
0x7e: {  	_ =	shalt  }
0x7f: {  	_ =	shalt  }
0x80: {  	_ =	shalt  }
0x81: {  	_ =	shalt  }
0x82: {  	_ =	shalt  }
0x83: {  	_ =	shalt  }
0x84: {  	_ =	shalt  }
0x85: {  	_ =	shalt  }
0x86: {  	_ =	shalt  }
0x87: {  	_ =	shalt  }
.Lfunc_end0:
.L_simem_size_0:
called_computation_lowered:
.L_overlay_start_0:
0x88: {  	s2 =	sld [smem:$0x3FD9]  }
0x89: {  	s3 =	sld [smem:$0x3FFE];
	_ =	sdelay $0x1  }
0x8a: {  	s1 =	srdreg.scid  }
0x8b: {  	s0 =	sand.u32 $0x1, s1  }
0x8c: {  	s17 =	sshll.u32 s0, $0xA;
	s2 =	sadd.s32 s3, s2  }
0x8d: {  	s2 =	sadd.s32 s2, s17  }
0x8e: {  	[smem:$0x3FC0] =	sst s2  }
0x8f: {  	_ = 	snop  }
0x90: {  	(tm) =	ssettm $0x1  }
0x91: {  	s18 =	sld [smem:$0x3FFB];
	_ =	sdelay $0x3  }
0x92: {  	_ =	strace s18  }
0x93: {  	s2 =	sld [smem:$0x3FFC];
	_ =	sdelay $0x3  }
0x94: {  	_ =	strace s2  }
0x95: {  	s2 =	sld [smem:$0x3FFD];
	_ =	sdelay $0x3  }
0x96: {  	_ =	strace s2  }
0x97: {  	_ =	strace $0x8FFFFFFF  }
0x98: {  	s19 =	sld [smem:$0x3FDB];
	_ =	sdelay $0x1  }
0x99: {  	s20 =	simm.s32 $_scs_section_size  }
0x9a: {  	s4 =	simm.s32 $_size__tile_overlayer_lowered;
	s5 =	simm.s32 $_tile_overlayer_lowered  }
0x9b: {  	s6 =	simm.s32 $0x1BFF;
	s21 =	sshll.u32 s5, $0x1;
	s3 =	sadd.s32 s20, s19  }
0x9c: {  	s22 =	simm.s32 $0x0;
	s4 =	sshll.u32 s4, $0x1;
	s5 =	sadd.s32 s21, s3  }
0x9d: {  	[timem:s22], [sflag:s6] =	dma.local [hbm:s5], s4  }
0x9e: {  	_ =	swait.ge [sflag:s6], s4  }
0x9f: {  	s4 =	ssub.s32 $0x0, s4;
	[sflag:s6] =	ssyncset.done $0x0  }
0xa0: {  	[sflag:s6] =	ssyncadd.s32 s4;
	_ =	sdelay $0x1  }
0xa1: {  	s23 =	simm.s32 $0x1B8B  }
0xa2: {  	_ =	swait.ge [sflag:s23], $0x1  }
0xa3: {  	[sflag:s23] =	ssyncset.done $0x0  }
0xa4: {  	[sflag:s23] =	ssyncadd.s32 $0xFFFFFFFF  }
0xa5: {  	s4 =	sld [smem:$0x0]  }
0xa6: {  	s5 =	sand.u32 $0xFFFFFFFE, s1  }
0xa7: {  	p0 =	sne.s32 s1, s5  }
0xa8: {  	s5 =	sshll.u32 @p0 s5, $0xE  }
0xa9: {  	s5 =	sadd.s32 @p0 $0x11B8D, s5;
	s6 =	sshll.u32 @p0 s4, $0x11  }
0xaa: {  	s5 =	sor.u32 @p0 s6, s5  }
0xab: {  	[sflag:s5] =	ssyncadd.remote.s32 @p0 $0x1;
	_ =	sdelay $0x1  }
0xac: {  	s5 =	simm.s32 @p0 $0x1B8D  }
0xad: {  	_ =	swait.eq @p0 [sflag:s5], $0x1  }
0xae: {  	[sflag:s5] =	ssyncadd.s32 @p0 $0xFFFFFFFF  }
0xaf: {  	s6 =	sshll.u32 @!p0 s1, $0xE  }
0xb0: {  	s6 =	sor.u32 @!p0 $0x4000, s6;
	s5 =	simm.s32 @!p0 $0x1B8D  }
0xb1: {  	s4 =	sshll.u32 @!p0 s4, $0x11;
	s6 =	sadd.s32 @!p0 $0x11B8D, s6;
	_ =	swait.eq @!p0 [sflag:s5], $0x1  }
0xb2: {  	s4 =	sor.u32 @!p0 s4, s6;
	[sflag:s5] =	ssyncadd.s32 @!p0 $0xFFFFFFFF  }
0xb3: {  	s25 =	simm.s32 $0x1B8E;
	s24 =	sld [smem:$0x3FFE];
	[sflag:s4] =	ssyncadd.remote.s32 @!p0 $0x1  }
0xb4: {  	s26 =	simm.s32 $execute0_lowered;
	[smem:$0x3FD2] =	sst s25  }
0xb5: {  	s5 =	sshll.u32 s26, $0x1;
	_ =	strace $0x80000049;
	[dreg:$0x1] =	wrdreg $0xFFFFFFFF  }
0xb6: {  	s28 =	simm.s32 $_size_execute0_lowered;
	s3 =	sadd.s32 s3, s5;
	[dreg:$0x0] =	wrdreg $0x0  }
0xb7: {  	s5 =	sshll.u32 s28, $0x1;
	[dreg:$0x2] =	wrdreg s3  }
0xb8: {  	[dreg:$0x3] =	wrdreg s5  }
0xb9: {  	[dreg:$0x4] =	wrdreg $0xC0  }
0xba: {  	_ =	task [dreg:s22], $0x5FFFF  }
0xbb: {  	[dreg:$0x1] =	wrdreg $0xFFFFFFFF  }
0xbc: {  	[dreg:$0x0] =	wrdreg $0x60  }
0xbd: {  	[dreg:$0x2] =	wrdreg s24  }
0xbe: {  	[dreg:$0x3] =	wrdreg $0x44000  }
0xbf: {  	[dreg:$0x4] =	wrdreg $0x9  }
0xc0: {  	_ =	task.clear_ibuf [dreg:s22], $0x5FFFF;
	_ =	strace $0x90000049  }
0xc1: {  	s29 =	simm.s32 $0x9;
	_ =	strace $0x8000004B  }
0xc2: {  	_ =	swait.ge [sflag:s29], $0x1  }
0xc3: {  	[sflag:s29] =	ssyncadd.s32 $0xFFFFFFFF  }
0xc4: {  	_ =	strace $0x9000004B  }
0xc5: {  	_ =	sfence  }
0xc6: {  	s30 =	sld [smem:$0x0];
	_ =	sdelay $0x2  }
0xc7: {  	s31 =	sshll.u32 s1, $0xD;
	s1 =	sshrl.u32 s1, $0x2  }
0xc8: {  	s4 =	sand.u32 $0x4000, s31;
	s1 =	sadd.s32 s1, s30  }
0xc9: {  	s0 =	sor.u32 s4, s0;
	s1 =	sshll.u32 s1, $0x11  }
0xca: {  	s0 =	sor.u32 s1, s0  }
0xcb: {  	s0 =	sadd.s32 $0x8F2B, s0  }
0xcc: {  	[sflag:s0] =	ssyncadd.remote.s32 $0x1  }
0xcd: {  	_ =	sfence.sel $0xFFFF  }
0xce: {  	[dreg:$0x0] =	wrdreg $0xFFFFFFFF;
	(pc) =	sbr.abs _section_cstart, $3  }
0xcf: {  	[dreg:$0x1] =	wrdreg $0xFFFFFFFF  }
0xd0: {  	_ =	task.clear_ibuf [dreg:s22], $0x2FFFF;
	_ =	strace $0x9FFFFFFF  }
0xd1: {  	(tm) =	ssettm $0x7FFFFFFF  }
tec
execute0_lowered:
.L_overlay_start_1:
0x0: {  	(tag) =	ssettag $0x1  }
0x1: {  	s0 =	srdreg.scid;
	s5 =	rddreg [dreg:$0x0]  }
0x2: {  	s2 =	rddreg [dreg:$0x1];
	s3 =	simm.s32 $0x0;
	s11 =	simm.s32 $0x400  }
0x3: {  	s12 =	simm.s32 $0x2;
	s13 =	simm.s32 $0x80;
	s14 =	simm.s32 $0x100  }
0x4: {  	s15 =	simm.s32 $0x180;
	s16 =	simm.s32 $0x200;
	s17 =	simm.s32 $0x280  }
0x5: {  	s18 =	simm.s32 $0x300;
	s19 =	simm.s32 $0x380;
	s4 =	sand.u32 $0x1, s0  }
0x6: {  	s20 =	simm.s32 $0x1;
	s0 =	stileid.u32;
	s7 =	smul.u32 $0x28000, s4  }
0x7: {  	[smem:$0x7FF] =	sst s3;
	s1 =	sshll.u32 s4, $0x4;
	s8 =	smul.u32 $0x50000, s0  }
0x8: {  	s4 =	ssub.s32 $0x2, s4;
	s22 =	smul.u32 $0x2800, s0;
	s1 =	sor.u32 s0, s1  }
0x9: {  	s9 =	sshrl.u32 s4, $0x1;
	s6 =	smul.u32 $0x500, s1;
	s1 =	rddreg [dreg:$0x2]  }
0xa: {  	_ =	strace $0x8000004A;
	s7 =	sadd.s32 s7, s5;
	s31 =	sshrl.u32 s8, $0x2  }
0xb: {  	s9 =	ssub.s32 s4, s9;
	s4 =	sadd.s32 s31, s2;
	s21 =	sadd.s32 $0x83E00, s7  }
0xc: {  	s6 =	sadd.s32 s6, s5;
	s7 =	sadd.s32 $0x4000, s4;
	s8 =	sadd.s32 $0x8000, s4  }
0xd: {  	s10 =	sadd.s32 $0x10000, s4;
	s21 =	sadd.s32 s22, s21;
	s22 =	simm.s32 $0x0  }
0xe: {  	v0 =	vimm.f32 $0.0e+00;
	v1 =	vimm.f32 $1.000000000e+00;
	s5 =	sadd.s32 $0x1E00, s6;
	s6 =	smax.u32 s9, $0x1;
	s9 =	sadd.s32 $0xC000, s4  }
.LBB2_1:
0xf: {  	s23 =	simm.s32 $0x0;
	s24 =	simm.s32 $0x200  }
.LBB2_2:
0x10: {  	p0 =	sne.s32 s24, $0xFE00;
	[tilespmem:s23+$0x470] =	vst v0  }
0x11: {  	[tilespmem:s23+$0x400] =	vst v0  }
0x12: {  	[tilespmem:s23+$0x410] =	vst v0  }
.Ltmp0:
0x13: {  	[tilespmem:s23+$0x420] =	vst v0;
	(pc) =	sbr.rel @p0 .LBB2_2-.Ltmp0, $4  }
0x14: {  	[tilespmem:s23+$0x430] =	vst v0  }
0x15: {  	[tilespmem:s23+$0x440] =	vst v0  }
0x16: {  	[tilespmem:s23+$0x450] =	vst v0  }
0x17: {  	[tilespmem:s23+$0x460] =	vst v0;
	s23 =	sshra.s32 s24, $0x2;
	s24 =	sadd.s32 $0x200, s24  }
0x18: {  	[tilespmem:s23+$0x470] =	vst v0  }
0x19: {  	[tilespmem:s23+$0x400] =	vst v0  }
0x1a: {  	[tilespmem:s23+$0x410] =	vst v0  }
0x1b: {  	[tilespmem:s23+$0x420] =	vst v0  }
0x1c: {  	[tilespmem:s23+$0x430] =	vst v0  }
0x1d: {  	[tilespmem:s23+$0x440] =	vst v0  }
0x1e: {  	[tilespmem:s23+$0x450] =	vst v0  }
0x1f: {  	[tilespmem:s23+$0x460] =	vst v0  }
0x20: {  	[spmem:s4] =	stream.linear.scatter [tilespmem:s11], [sflag:$0x2], $0x4000, $0x38;
	[tilespmem:$0x18400] =	vst v63  }
0x21: {  	_ =	swait.ge [sflag:s12], $0x4000  }
0x22: {  	[sflag:s12] =	ssyncset.done $0x0  }
0x23: {  	[sflag:s12] =	ssyncadd.s32 $0xFFFFC000  }
0x24: {  	[spmem:s7] =	stream.linear.scatter [tilespmem:s11], [sflag:$0x2], $0x4000, $0x38;
	[tilespmem:$0x18400] =	vst v63  }
0x25: {  	_ =	swait.ge [sflag:s12], $0x4000  }
0x26: {  	[sflag:s12] =	ssyncset.done $0x0  }
0x27: {  	[sflag:s12] =	ssyncadd.s32 $0xFFFFC000  }
0x28: {  	[spmem:s8] =	stream.linear.scatter [tilespmem:s11], [sflag:$0x2], $0x4000, $0x38;
	[tilespmem:$0x18400] =	vst v63  }
0x29: {  	_ =	swait.ge [sflag:s12], $0x4000  }
0x2a: {  	[sflag:s12] =	ssyncset.done $0x0  }
0x2b: {  	[sflag:s12] =	ssyncadd.s32 $0xFFFFC000  }
0x2c: {  	[spmem:s9] =	stream.linear.scatter [tilespmem:s11], [sflag:$0x2], $0x4000, $0x38;
	[tilespmem:$0x18400] =	vst v63  }
0x2d: {  	_ =	swait.ge [sflag:s12], $0x4000  }
0x2e: {  	[sflag:s12] =	ssyncset.done $0x0  }
0x2f: {  	[sflag:s12] =	ssyncadd.s32 $0xFFFFC000  }
0x30: {  	[spmem:s10] =	stream.linear.scatter [tilespmem:s11], [sflag:$0x2], $0x4000, $0x38;
	[tilespmem:$0x18400] =	vst v63  }
0x31: {  	_ =	swait.ge [sflag:s12], $0x4000  }
0x32: {  	[sflag:s12] =	ssyncset.done $0x0  }
0x33: {  	s23 =	simm.s32 $0x0;
	s24 =	simm.s32 $0x200;
	[sflag:s12] =	ssyncadd.s32 $0xFFFFC000  }
.LBB2_4:
0x34: {  	p0 =	sne.s32 s24, $0xFE00;
	[tilespmem:s23+$0x470] =	vst v1  }
0x35: {  	[tilespmem:s23+$0x400] =	vst v1  }
0x36: {  	[tilespmem:s23+$0x410] =	vst v1  }
.Ltmp1:
0x37: {  	[tilespmem:s23+$0x420] =	vst v1;
	(pc) =	sbr.rel @p0 .LBB2_4-.Ltmp1, $4  }
0x38: {  	[tilespmem:s23+$0x430] =	vst v1  }
0x39: {  	[tilespmem:s23+$0x440] =	vst v1  }
0x3a: {  	[tilespmem:s23+$0x450] =	vst v1  }
0x3b: {  	[tilespmem:s23+$0x460] =	vst v1;
	s23 =	sshra.s32 s24, $0x2;
	s24 =	sadd.s32 $0x200, s24  }
0x3c: {  	[tilespmem:s23+$0x470] =	vst v1  }
0x3d: {  	[tilespmem:s23+$0x400] =	vst v1  }
0x3e: {  	[tilespmem:s23+$0x410] =	vst v1  }
0x3f: {  	[tilespmem:s23+$0x420] =	vst v1  }
0x40: {  	[tilespmem:s23+$0x430] =	vst v1  }
0x41: {  	[tilespmem:s23+$0x440] =	vst v1  }
0x42: {  	[tilespmem:s23+$0x450] =	vst v1  }
0x43: {  	[tilespmem:s23+$0x460] =	vst v1  }
0x44: {  	s31 =	sadd.s32 $0x0, s5;
	[bflag:$0x0] =	sbarrier.arrive $0xFFFF  }
0x45: {  	[tilespmem:s3], [sflag:$0x2] =	stream.linear.gather [hbm4b:s31+s3], $0x400, $0x38;
	[tilespmem:$0x18400] =	vst v63  }
0x46: {  	_ =	swait.ge [sflag:s12], $0x400  }
0x47: {  	[sflag:s12] =	ssyncset.done $0x0  }
0x48: {  	[sflag:s12] =	ssyncadd.s32 $0xFFFFFC00  }
0x49: {  	[spmem:s2] =	stream.indirect.scatter.add.f32 [tilespmem:s11], [sflag:$0x1], $0x80, s3, s13, $0xb8;
	[tilespmem:$0x18400] =	vst v63  }
0x4a: {  	_ = 	snop  }
0x4b: {  	[spmem:s2] =	stream.indirect.scatter.add.f32 [tilespmem:s11], [sflag:$0x1], $0x80, s13, s13, $0xb8;
	[tilespmem:$0x18400] =	vst v63  }
0x4c: {  	_ = 	snop  }
0x4d: {  	[spmem:s2] =	stream.indirect.scatter.add.f32 [tilespmem:s11], [sflag:$0x1], $0x80, s14, s13, $0xb8;
	[tilespmem:$0x18400] =	vst v63  }
0x4e: {  	_ = 	snop  }
0x4f: {  	[spmem:s2] =	stream.indirect.scatter.add.f32 [tilespmem:s11], [sflag:$0x1], $0x80, s15, s13, $0xb8;
	[tilespmem:$0x18400] =	vst v63  }
0x50: {  	_ = 	snop  }
0x51: {  	[spmem:s2] =	stream.indirect.scatter.add.f32 [tilespmem:s11], [sflag:$0x1], $0x80, s16, s13, $0xb8;
	[tilespmem:$0x18400] =	vst v63  }
0x52: {  	_ = 	snop  }
0x53: {  	[spmem:s2] =	stream.indirect.scatter.add.f32 [tilespmem:s11], [sflag:$0x1], $0x80, s17, s13, $0xb8;
	[tilespmem:$0x18400] =	vst v63  }
0x54: {  	_ = 	snop  }
0x55: {  	[spmem:s2] =	stream.indirect.scatter.add.f32 [tilespmem:s11], [sflag:$0x1], $0x80, s18, s13, $0xb8;
	[tilespmem:$0x18400] =	vst v63  }
0x56: {  	_ = 	snop  }
0x57: {  	[spmem:s2] =	stream.indirect.scatter.add.f32 [tilespmem:s11], [sflag:$0x1], $0x80, s19, s13, $0xb8;
	[tilespmem:$0x18400] =	vst v63  }
0x58: {  	_ =	swait.ge [sflag:s20], $0x4000  }
0x59: {  	[sflag:s20] =	ssyncset.done $0x0  }
0x5a: {  	[sflag:s20] =	ssyncadd.s32 $0xFFFFC000  }
0x5b: {  	_ =	swait.ge [sflag:s20], $0x4000  }
0x5c: {  	[sflag:s20] =	ssyncset.done $0x0  }
0x5d: {  	[sflag:s20] =	ssyncadd.s32 $0xFFFFC000  }
0x5e: {  	_ =	swait.ge [sflag:s20], $0x4000  }
0x5f: {  	[sflag:s20] =	ssyncset.done $0x0  }
0x60: {  	[sflag:s20] =	ssyncadd.s32 $0xFFFFC000  }
0x61: {  	_ =	swait.ge [sflag:s20], $0x4000  }
0x62: {  	[sflag:s20] =	ssyncset.done $0x0  }
0x63: {  	[sflag:s20] =	ssyncadd.s32 $0xFFFFC000  }
0x64: {  	_ =	swait.ge [sflag:s20], $0x4000  }
0x65: {  	[sflag:s20] =	ssyncset.done $0x0  }
0x66: {  	[sflag:s20] =	ssyncadd.s32 $0xFFFFC000  }
0x67: {  	_ =	swait.ge [sflag:s20], $0x4000  }
0x68: {  	[sflag:s20] =	ssyncset.done $0x0  }
0x69: {  	[sflag:s20] =	ssyncadd.s32 $0xFFFFC000  }
0x6a: {  	_ =	swait.ge [sflag:s20], $0x4000  }
0x6b: {  	[sflag:s20] =	ssyncset.done $0x0  }
0x6c: {  	[sflag:s20] =	ssyncadd.s32 $0xFFFFC000  }
0x6d: {  	_ =	swait.ge [sflag:s20], $0x4000  }
0x6e: {  	s23 =	simm.s32 $0x80;
	s25 =	simm.s32 $0x100;
	[sflag:s20] =	ssyncset.done $0x0  }
.LBB2_6:
0x6f: {  	s26 =	sadd.s32 s23, s5  }
0x70: {  	[sflag:s20] =	ssyncadd.s32 $0xFFFFC000;
	s23 =	smov.u32 s25;
	s24 =	sadd.s32 $0x80, s25  }
0x71: {  	[tilespmem:s3], [sflag:$0x2] =	stream.linear.gather [hbm4b:s26+s3], $0x400, $0x38;
	[tilespmem:$0x18400] =	vst v63  }
0x72: {  	p0 =	sne.s32 s25, $0x480;
	_ =	swait.ge [sflag:s12], $0x400  }
0x73: {  	[sflag:s12] =	ssyncset.done $0x0  }
0x74: {  	[sflag:s12] =	ssyncadd.s32 $0xFFFFFC00  }
0x75: {  	[spmem:s2] =	stream.indirect.scatter.add.f32 [tilespmem:s11], [sflag:$0x1], $0x80, s3, s13, $0xb8;
	[tilespmem:$0x18400] =	vst v63  }
0x76: {  	_ = 	snop  }
0x77: {  	[spmem:s2] =	stream.indirect.scatter.add.f32 [tilespmem:s11], [sflag:$0x1], $0x80, s13, s13, $0xb8;
	[tilespmem:$0x18400] =	vst v63  }
0x78: {  	_ = 	snop  }
0x79: {  	[spmem:s2] =	stream.indirect.scatter.add.f32 [tilespmem:s11], [sflag:$0x1], $0x80, s14, s13, $0xb8;
	[tilespmem:$0x18400] =	vst v63  }
0x7a: {  	_ = 	snop  }
0x7b: {  	[spmem:s2] =	stream.indirect.scatter.add.f32 [tilespmem:s11], [sflag:$0x1], $0x80, s15, s13, $0xb8;
	[tilespmem:$0x18400] =	vst v63  }
0x7c: {  	_ = 	snop  }
0x7d: {  	[spmem:s2] =	stream.indirect.scatter.add.f32 [tilespmem:s11], [sflag:$0x1], $0x80, s16, s13, $0xb8;
	[tilespmem:$0x18400] =	vst v63  }
0x7e: {  	_ = 	snop  }
0x7f: {  	[spmem:s2] =	stream.indirect.scatter.add.f32 [tilespmem:s11], [sflag:$0x1], $0x80, s17, s13, $0xb8;
	[tilespmem:$0x18400] =	vst v63  }
0x80: {  	_ = 	snop  }
0x81: {  	[spmem:s2] =	stream.indirect.scatter.add.f32 [tilespmem:s11], [sflag:$0x1], $0x80, s18, s13, $0xb8;
	[tilespmem:$0x18400] =	vst v63  }
0x82: {  	_ = 	snop  }
0x83: {  	[spmem:s2] =	stream.indirect.scatter.add.f32 [tilespmem:s11], [sflag:$0x1], $0x80, s19, s13, $0xb8;
	[tilespmem:$0x18400] =	vst v63  }
0x84: {  	_ =	swait.ge [sflag:s20], $0x4000  }
0x85: {  	[sflag:s20] =	ssyncset.done $0x0  }
0x86: {  	[sflag:s20] =	ssyncadd.s32 $0xFFFFC000  }
0x87: {  	_ =	swait.ge [sflag:s20], $0x4000  }
0x88: {  	[sflag:s20] =	ssyncset.done $0x0  }
0x89: {  	[sflag:s20] =	ssyncadd.s32 $0xFFFFC000  }
0x8a: {  	_ =	swait.ge [sflag:s20], $0x4000  }
0x8b: {  	[sflag:s20] =	ssyncset.done $0x0  }
0x8c: {  	[sflag:s20] =	ssyncadd.s32 $0xFFFFC000  }
0x8d: {  	_ =	swait.ge [sflag:s20], $0x4000  }
0x8e: {  	[sflag:s20] =	ssyncset.done $0x0  }
0x8f: {  	[sflag:s20] =	ssyncadd.s32 $0xFFFFC000  }
0x90: {  	_ =	swait.ge [sflag:s20], $0x4000  }
0x91: {  	[sflag:s20] =	ssyncset.done $0x0  }
0x92: {  	[sflag:s20] =	ssyncadd.s32 $0xFFFFC000  }
0x93: {  	_ =	swait.ge [sflag:s20], $0x4000  }
0x94: {  	[sflag:s20] =	ssyncset.done $0x0  }
0x95: {  	[sflag:s20] =	ssyncadd.s32 $0xFFFFC000  }
.Ltmp2:
0x96: {  	_ =	swait.ge [sflag:s20], $0x4000;
	(pc) =	sbr.rel @p0 .LBB2_6-.Ltmp2, $4  }
0x97: {  	[sflag:s20] =	ssyncset.done $0x0  }
0x98: {  	[sflag:s20] =	ssyncadd.s32 $0xFFFFC000  }
0x99: {  	_ =	swait.ge [sflag:s20], $0x4000  }
0x9a: {  	s25 =	smov.u32 s24;
	[sflag:s20] =	ssyncset.done $0x0  }
0x9b: {  	s23 =	sadd.s32 s23, s5;
	[sflag:s20] =	ssyncadd.s32 $0xFFFFC000  }
0x9c: {  	[tilespmem:s3], [sflag:$0x2] =	stream.linear.gather [hbm4b:s23+s3], $0x400, $0x38;
	[tilespmem:$0x18400] =	vst v63  }
0x9d: {  	_ =	swait.ge [sflag:s12], $0x400  }
0x9e: {  	[sflag:s12] =	ssyncset.done $0x0  }
0x9f: {  	[sflag:s12] =	ssyncadd.s32 $0xFFFFFC00  }
0xa0: {  	[spmem:s2] =	stream.indirect.scatter.add.f32 [tilespmem:s11], [sflag:$0x1], $0x80, s3, s13, $0xb8;
	[tilespmem:$0x18400] =	vst v63  }
0xa1: {  	_ = 	snop  }
0xa2: {  	[spmem:s2] =	stream.indirect.scatter.add.f32 [tilespmem:s11], [sflag:$0x1], $0x80, s13, s13, $0xb8;
	[tilespmem:$0x18400] =	vst v63  }
0xa3: {  	_ = 	snop  }
0xa4: {  	[spmem:s2] =	stream.indirect.scatter.add.f32 [tilespmem:s11], [sflag:$0x1], $0x80, s14, s13, $0xb8;
	[tilespmem:$0x18400] =	vst v63  }
0xa5: {  	_ = 	snop  }
0xa6: {  	[spmem:s2] =	stream.indirect.scatter.add.f32 [tilespmem:s11], [sflag:$0x1], $0x80, s15, s13, $0xb8;
	[tilespmem:$0x18400] =	vst v63  }
0xa7: {  	_ = 	snop  }
0xa8: {  	[spmem:s2] =	stream.indirect.scatter.add.f32 [tilespmem:s11], [sflag:$0x1], $0x80, s16, s13, $0xb8;
	[tilespmem:$0x18400] =	vst v63  }
0xa9: {  	_ = 	snop  }
0xaa: {  	[spmem:s2] =	stream.indirect.scatter.add.f32 [tilespmem:s11], [sflag:$0x1], $0x80, s17, s13, $0xb8;
	[tilespmem:$0x18400] =	vst v63  }
0xab: {  	_ = 	snop  }
0xac: {  	[spmem:s2] =	stream.indirect.scatter.add.f32 [tilespmem:s11], [sflag:$0x1], $0x80, s18, s13, $0xb8;
	[tilespmem:$0x18400] =	vst v63  }
0xad: {  	_ = 	snop  }
0xae: {  	[spmem:s2] =	stream.indirect.scatter.add.f32 [tilespmem:s11], [sflag:$0x1], $0x80, s19, s13, $0xb8;
	[tilespmem:$0x18400] =	vst v63  }
0xaf: {  	_ =	swait.ge [sflag:s20], $0x4000  }
0xb0: {  	[sflag:s20] =	ssyncset.done $0x0  }
0xb1: {  	[sflag:s20] =	ssyncadd.s32 $0xFFFFC000  }
0xb2: {  	_ =	swait.ge [sflag:s20], $0x4000  }
0xb3: {  	[sflag:s20] =	ssyncset.done $0x0  }
0xb4: {  	[sflag:s20] =	ssyncadd.s32 $0xFFFFC000  }
0xb5: {  	_ =	swait.ge [sflag:s20], $0x4000  }
0xb6: {  	[sflag:s20] =	ssyncset.done $0x0  }
0xb7: {  	[sflag:s20] =	ssyncadd.s32 $0xFFFFC000  }
0xb8: {  	_ =	swait.ge [sflag:s20], $0x4000  }
0xb9: {  	[sflag:s20] =	ssyncset.done $0x0  }
0xba: {  	[sflag:s20] =	ssyncadd.s32 $0xFFFFC000  }
0xbb: {  	_ =	swait.ge [sflag:s20], $0x4000  }
0xbc: {  	[sflag:s20] =	ssyncset.done $0x0  }
0xbd: {  	[sflag:s20] =	ssyncadd.s32 $0xFFFFC000  }
0xbe: {  	_ =	swait.ge [sflag:s20], $0x4000  }
0xbf: {  	[sflag:s20] =	ssyncset.done $0x0  }
0xc0: {  	[sflag:s20] =	ssyncadd.s32 $0xFFFFC000  }
0xc1: {  	_ =	swait.ge [sflag:s20], $0x4000  }
0xc2: {  	[sflag:s20] =	ssyncset.done $0x0  }
0xc3: {  	[sflag:s20] =	ssyncadd.s32 $0xFFFFC000  }
0xc4: {  	_ =	swait.ge [sflag:s20], $0x4000  }
0xc5: {  	s31 =	sshll.u32 s0, $0x6;
	s22 =	sadd.s32 $0x1, s22;
	[sflag:s20] =	ssyncset.done $0x0  }
0xc6: {  	s24 =	sshrl.u32 s4, $0x3;
	p0 =	sne.s32 s22, s6;
	[sflag:s20] =	ssyncadd.s32 $0xFFFFC000  }
.Ltmp3:
0xc7: {  	s23 =	sor.u32 $0x1C02, s31;
	[bflag:$0x0] =	sbarrier.arrive $0xFFFF;
	(pc) =	sbr.rel @p0 .LBB2_1-.Ltmp3, $4  }
0xc8: {  	[hbm:s21], [sflag:s23] =	dma.local [spmem:s24], $0x2800  }
0xc9: {  	_ =	swait.ge [sflag:s12], $0x2800  }
0xca: {  	[sflag:s12] =	ssyncset.done $0x0  }
0xcb: {  	[sflag:s12] =	ssyncadd.s32 $0xFFFFD800  }
0xcc: {  	_ =	sfence.sel $0x180000  }
0xcd: {  	[bflag:$0x0] =	sbarrier.arrive $0xFFFF  }
0xce: {  	p0 =	sne.s32 s0, $0x0;
	_ =	strace $0x9000004A  }
0xcf: {  	s0 =	sadd.s32 @!p0 $0x100000, s1;
	[bflag:$0x2] =	sbarrier.arrive $0xFFFF  }
0xd0: {  	[sflag:s0] =	ssyncadd.tile.s32 @!p0 $0x1;
	_ =	shalt  }
.Lfunc_end2:
_tile_overlayer_lowered:
.L_overlay_start_2:
0xd1: {  	(tag) =	ssettag $0x2  }
0xd2: {  	s0 =	rddreg [dreg:$0x0];
	s2 =	stileid.u32  }
0xd3: {  	s1 =	rddreg [dreg:$0x1];
	p0 =	sne.s32 s2, $0x0  }
0xd4: {  	s3 =	rddreg [dreg:$0x2];
	[bflag:$0x3] =	sbarrier.arrive $0xFFFF;
	s2 =	simm.s32 @!p0 $0x1C02  }
0xd5: {  	[timem:s3], [sflag:s2] =	dma.local @!p0 [hbm:s0], s1  }
0xd6: {  	s0 =	simm.s32 @!p0 $0x2  }
0xd7: {  	_ =	swait.ge @!p0 [sflag:s0], s1  }
0xd8: {  	s1 =	ssub.s32 @!p0 $0x0, s1;
	[sflag:s0] =	ssyncset.done @!p0 $0x0  }
0xd9: {  	[sflag:s0] =	ssyncadd.s32 @!p0 s1  }
0xda: {  	[bflag:$0x3] =	sbarrier.arrive $0xFFFF  }
0xdb: {  	_ =	shalt  }

</sc_bundles>
